<compile_context>
chip_gen: v7x
topology: tpu7x:2x2x1
jax: 0.10.2.dev20260603
libtpu: 0.0.44.dev20260713+nightly
codegen_flags: <defaults>
</compile_context>

<pallas_src>
import functools

import jax
import jax.numpy as jnp
from jax import lax
from jax.experimental import pallas as pl
from jax.experimental.pallas import tpu as pltpu
from jax.experimental.pallas import tpu_sc as plsc

_N = 10000
_E = 320000
_NC = 2
_NS = 16
_CHUNK = 128
_CPT = 80
_GRP = 40
_NBUF = 2
_EP = _NC * _NS * _CPT * _CHUNK
_NPAD = 10240
_RPT = _NPAD // _NS
_TILE = 1000
_GRID = _N // _TILE


def _sc_mesh():
    return plsc.VectorSubcoreMesh(
        core_axis_name="c", subcore_axis_name="s",
        num_cores=_NC, num_subcores=_NS)


def _deg_body(didx_h, ones_h, zeros_h, out_h,
              di0, di1, ones_v, acc_sh, *sems):
    cid = lax.axis_index("c")
    sid = lax.axis_index("s")
    wid = sid * _NC + cid
    di = [di0, di1]
    pltpu.sync_copy(ones_h, ones_v)
    pltpu.sync_copy(zeros_h, acc_sh.at[pl.ds(sid * _RPT, _RPT)])
    plsc.subcore_barrier()

    def batch(i, carry):
        descs = []
        for b in range(_NBUF):
            base = (wid * _CPT + i * _NBUF + b) * _CHUNK
            pltpu.sync_copy(didx_h.at[pl.ds(base, _CHUNK)], di[b])
            descs.append(pltpu.async_copy(
                ones_v, acc_sh.at[di[b]], sems[b], add=True))
        for d in descs:
            d.wait()
        return carry

    lax.fori_loop(0, _CPT // _NBUF, batch, 0)
    plsc.subcore_barrier()
    pltpu.sync_copy(acc_sh.at[pl.ds(sid * _RPT, _RPT)],
                    out_h.at[cid, pl.ds(sid * _RPT, _RPT)])


def _deg_pass(didx, ones, zeros16):
    return pl.kernel(
        _deg_body,
        out_type=jax.ShapeDtypeStruct((_NC, _NPAD, 128), jnp.float32),
        mesh=_sc_mesh(),
        scratch_types=[
            pltpu.VMEM((_CHUNK,), jnp.int32),
            pltpu.VMEM((_CHUNK,), jnp.int32),
            pltpu.VMEM((_CHUNK, 128), jnp.float32),
            pltpu.VMEM_SHARED((_NPAD, 128), jnp.float32),
        ] + [pltpu.SemaphoreType.DMA] * _NBUF,
    )(didx, ones, zeros16)


def _pass_body(table_h, sidx_h, didx_h, zeros_h, out_h,
               si0, si1, di0, di1, rows_v, acc_sh, *sems):
    cid = lax.axis_index("c")
    sid = lax.axis_index("s")
    wid = sid * _NC + cid
    si = [si0, si1]
    di = [di0, di1]
    pltpu.sync_copy(zeros_h, acc_sh.at[pl.ds(sid * _RPT, _RPT)])
    plsc.subcore_barrier()

    gsems = sems[:_NBUF]
    ssems = sems[_NBUF:]

    def batch(i, carry):
        gd = []
        for b in range(_NBUF):
            base = (wid * _CPT + i * _NBUF + b) * _CHUNK
            pltpu.sync_copy(sidx_h.at[pl.ds(base, _CHUNK)], si[b])
            pltpu.sync_copy(didx_h.at[pl.ds(base, _CHUNK)], di[b])
            gd.append(pltpu.async_copy(
                table_h.at[si[b]], rows_v.at[b], gsems[b]))
        sd = []
        for b in range(_NBUF):
            gd[b].wait()
            sd.append(pltpu.async_copy(
                rows_v.at[b], acc_sh.at[di[b]], ssems[b], add=True))
        for d in sd:
            d.wait()
        return carry

    lax.fori_loop(0, _CPT // _NBUF, batch, 0)
    plsc.subcore_barrier()
    pltpu.sync_copy(acc_sh.at[pl.ds(sid * _RPT, _RPT)],
                    out_h.at[cid, pl.ds(sid * _RPT, _RPT)])


def _edge_pass(table, sidx, didx, zeros128):
    return pl.kernel(
        _pass_body,
        out_type=jax.ShapeDtypeStruct((_NC, _NPAD, 128), jnp.float32),
        mesh=_sc_mesh(),
        scratch_types=[
            pltpu.VMEM((_CHUNK,), jnp.int32),
            pltpu.VMEM((_CHUNK,), jnp.int32),
            pltpu.VMEM((_CHUNK,), jnp.int32),
            pltpu.VMEM((_CHUNK,), jnp.int32),
            pltpu.VMEM((_NBUF, _CHUNK, 128), jnp.float32),
            pltpu.VMEM_SHARED((_NPAD, 128), jnp.float32),
        ] + [pltpu.SemaphoreType.DMA] * (2 * _NBUF),
    )(table, sidx, didx, zeros128)


def _tc1_body(x_ref, w_ref, d0_ref, d1_ref, dis_ref, u1_ref):
    deg = d0_ref[...][:, 0:1] + d1_ref[...][:, 0:1] + 1.0
    dis = lax.rsqrt(deg)
    dis128 = jnp.broadcast_to(dis, (_TILE, 128))
    hw = jnp.dot(x_ref[...], w_ref[...], preferred_element_type=jnp.float32)
    dis_ref[...] = dis128
    u1_ref[...] = hw * dis128


def _tc1(x, w1cat, d0, d1):
    row = lambda i: (i, 0)
    return pl.pallas_call(
        _tc1_body,
        grid=(_GRID,),
        in_specs=[
            pl.BlockSpec((_TILE, 128), row),
            pl.BlockSpec((128, 128), lambda i: (0, 0)),
            pl.BlockSpec((_TILE, 16), row),
            pl.BlockSpec((_TILE, 16), row),
        ],
        out_specs=[pl.BlockSpec((_TILE, 128), row),
                   pl.BlockSpec((_TILE, 128), row)],
        out_shape=[jax.ShapeDtypeStruct((_N, 128), jnp.float32),
                   jax.ShapeDtypeStruct((_N, 128), jnp.float32)],
    )(x, w1cat, d0, d1)


def _tc2_body(a0_ref, a1_ref, u1_ref, dis_ref, wm_ref, wl_ref, bm_ref, bl_ref,
              u2m_ref, u2l_ref):
    dis = dis_ref[...]
    t = dis * (a0_ref[...] + a1_ref[...] + u1_ref[...])
    hm = jax.nn.relu(t[:, :64] + bm_ref[...])
    hl = jax.nn.relu(t[:, 64:] + bl_ref[...])
    u2m_ref[...] = jnp.dot(hm, wm_ref[...],
                           preferred_element_type=jnp.float32) * dis
    u2l_ref[...] = jnp.dot(hl, wl_ref[...],
                           preferred_element_type=jnp.float32) * dis


def _tc2(a0, a1, u1, dis, wm2, wl2, bm1, bl1):
    row = lambda i: (i, 0)
    full = lambda i: (0, 0)
    return pl.pallas_call(
        _tc2_body,
        grid=(_GRID,),
        in_specs=[
            pl.BlockSpec((_TILE, 128), row),
            pl.BlockSpec((_TILE, 128), row),
            pl.BlockSpec((_TILE, 128), row),
            pl.BlockSpec((_TILE, 128), row),
            pl.BlockSpec((64, 128), full),
            pl.BlockSpec((64, 128), full),
            pl.BlockSpec((1, 64), full),
            pl.BlockSpec((1, 64), full),
        ],
        out_specs=[pl.BlockSpec((_TILE, 128), row),
                   pl.BlockSpec((_TILE, 128), row)],
        out_shape=[jax.ShapeDtypeStruct((_N, 128), jnp.float32),
                   jax.ShapeDtypeStruct((_N, 128), jnp.float32)],
    )(a0, a1, u1, dis, wm2, wl2, bm1, bl1)


def _tc3_body(am0_ref, am1_ref, u2m_ref, al0_ref, al1_ref, u2l_ref, dis_ref,
              wm_ref, wl_ref, bm_ref, bl_ref, u3_ref):
    dis = dis_ref[...]
    tm = jax.nn.relu(dis * (am0_ref[...] + am1_ref[...] + u2m_ref[...])
                     + bm_ref[...])
    tl = jax.nn.relu(dis * (al0_ref[...] + al1_ref[...] + u2l_ref[...])
                     + bl_ref[...])
    u3m = jnp.dot(tm, wm_ref[...], preferred_element_type=jnp.float32)
    u3l = jnp.dot(tl, wl_ref[...], preferred_element_type=jnp.float32)
    u3_ref[...] = jnp.concatenate([u3m, u3l], axis=1) * dis


def _tc3(am0, am1, u2m, al0, al1, u2l, dis, wm3, wl3, bm2, bl2):
    row = lambda i: (i, 0)
    full = lambda i: (0, 0)
    return pl.pallas_call(
        _tc3_body,
        grid=(_GRID,),
        in_specs=[pl.BlockSpec((_TILE, 128), row)] * 6 + [
            pl.BlockSpec((_TILE, 128), row),
            pl.BlockSpec((128, 64), full),
            pl.BlockSpec((128, 64), full),
            pl.BlockSpec((1, 128), full),
            pl.BlockSpec((1, 128), full),
        ],
        out_specs=[pl.BlockSpec((_TILE, 128), row)],
        out_shape=[jax.ShapeDtypeStruct((_N, 128), jnp.float32)],
    )(am0, am1, u2m, al0, al1, u2l, dis, wm3, wl3, bm2, bl2)[0]


def _tc4_body(a0_ref, a1_ref, u3_ref, dis_ref, bm_ref, bl_ref,
              mu_ref, lg_ref):
    t = dis_ref[...] * (a0_ref[...] + a1_ref[...] + u3_ref[...])
    mu_ref[...] = jax.nn.relu(t[:, :64] + bm_ref[...])
    lg_ref[...] = jax.nn.relu(t[:, 64:] + bl_ref[...])


def _tc4(a0, a1, u3, dis, bm3, bl3):
    row = lambda i: (i, 0)
    full = lambda i: (0, 0)
    return pl.pallas_call(
        _tc4_body,
        grid=(_GRID,),
        in_specs=[
            pl.BlockSpec((_TILE, 128), row),
            pl.BlockSpec((_TILE, 128), row),
            pl.BlockSpec((_TILE, 128), row),
            pl.BlockSpec((_TILE, 128), row),
            pl.BlockSpec((1, 64), full),
            pl.BlockSpec((1, 64), full),
        ],
        out_specs=[pl.BlockSpec((_TILE, 64), row),
                   pl.BlockSpec((_TILE, 64), row)],
        out_shape=[jax.ShapeDtypeStruct((_N, 64), jnp.float32),
                   jax.ShapeDtypeStruct((_N, 64), jnp.float32)],
    )(a0, a1, u3, dis, bm3, bl3)


def kernel(x, edge_index, Wm1, bm1, Wm2, bm2, Wm3, bm3,
           Wl1, bl1, Wl2, bl2, Wl3, bl3):
    src = edge_index[0]
    dst = edge_index[1]
    npad = _EP - _E
    pad_i = jnp.arange(npad, dtype=jnp.int32)
    sidx = jnp.concatenate([src, jnp.zeros((npad,), jnp.int32)])
    didx = jnp.concatenate([dst, _N + (pad_i % 128)])

    ones128 = jnp.ones((_CHUNK, 128), jnp.float32)
    zeros128 = jnp.zeros((_RPT, 128), jnp.float32)

    degacc = _deg_pass(didx, ones128, zeros128)
    d0 = degacc[0, :_N, :16]
    d1 = degacc[1, :_N, :16]

    w1cat = jnp.concatenate([Wm1, Wl1], axis=1)
    dis, u1 = _tc1(x, w1cat, d0, d1)

    acc1 = _edge_pass(u1, sidx, didx, zeros128)
    u2m, u2l = _tc2(acc1[0, :_N, :], acc1[1, :_N, :], u1, dis,
                    Wm2, Wl2, bm1.reshape(1, 64), bl1.reshape(1, 64))

    acc2m = _edge_pass(u2m, sidx, didx, zeros128)
    acc2l = _edge_pass(u2l, sidx, didx, zeros128)
    u3 = _tc3(acc2m[0, :_N, :], acc2m[1, :_N, :], u2m,
              acc2l[0, :_N, :], acc2l[1, :_N, :], u2l, dis,
              Wm3, Wl3, bm2.reshape(1, 128), bl2.reshape(1, 128))

    acc3 = _edge_pass(u3, sidx, didx, zeros128)
    mu, log = _tc4(acc3[0, :_N, :], acc3[1, :_N, :], u3, dis,
                   bm3.reshape(1, 64), bl3.reshape(1, 64))
    return (mu, log)

# --- scband reference (transcript-rebuilt; emitter-appended) ---
"""Pipeline reference for scband-encoder-62663572849388 (READ-ONLY COPY).

The authoritative reference and input builder live on the scoring server;
editing this copy changes nothing except your own understanding.
"""

import jax, jax.numpy as jnp
import numpy as np

N = 10000
E = 320000
D_IN = 128
H1 = 64
H2 = 128
LAT = 64


def _glorot(key, shape):
    fan_in, fan_out = shape[0], shape[1]
    limit = float(np.sqrt(6.0 / (fan_in + fan_out)))
    return jax.random.uniform(key, shape, jnp.float32, -limit, limit)


def setup_inputs(seed: int = 0) -> dict:
    key = jax.random.key(seed)
    ks = jax.random.split(key, 16)
    x = jax.random.normal(ks[0], (N, D_IN), jnp.float32)
    edge_index = jax.random.randint(ks[1], (2, E), 0, N, jnp.int32)
    inp = {"x": x, "edge_index": edge_index}
    dims = [(D_IN, H1), (H1, H2), (H2, LAT)]
    for branch, base in (("m", 2), ("l", 8)):
        for i, (di, do) in enumerate(dims):
            inp[f"W{branch}{i+1}"] = _glorot(ks[base + 2 * i], (di, do))
            inp[f"b{branch}{i+1}"] = jnp.zeros((do,), jnp.float32)
    return inp


def reference(x, edge_index, Wm1, bm1, Wm2, bm2, Wm3, bm3, Wl1, bl1, Wl2, bl2, Wl3, bl3):
    n = x.shape[0]
    src = edge_index[0]
    dst = edge_index[1]
    loop = jnp.arange(n, dtype=src.dtype)
    s = jnp.concatenate([src, loop])
    d = jnp.concatenate([dst, loop])
    # GCN symmetric normalization with self-loops (PyG GCNConv default)
    deg = jax.ops.segment_sum(jnp.ones(s.shape[0], jnp.float32), d, num_segments=n)
    dis = jnp.where(deg > 0, 1.0 / jnp.sqrt(deg), 0.0)
    norm = dis[s] * dis[d]

    def gcn(h, W, b):
        hw = h @ W
        msg = hw[s] * norm[:, None]
        agg = jax.ops.segment_sum(msg, d, num_segments=n)
        return agg + b

    h = jax.nn.relu(gcn(x, Wm1, bm1))
    h = jax.nn.relu(gcn(h, Wm2, bm2))
    mu = jax.nn.relu(gcn(h, Wm3, bm3))

    g = jax.nn.relu(gcn(x, Wl1, bl1))
    g = jax.nn.relu(gcn(g, Wl2, bl2))
    log = jax.nn.relu(gcn(g, Wl3, bl3))
    return (mu, log)

if __name__ == "__main__":
    import jax
    _d = setup_inputs()
    print(jax.jit(kernel)(*tuple(_d.values())))

</pallas_src>

<mosaic_0001>
#map = affine_map<(d0, d1) -> (0, 0)>
#map1 = affine_map<(d0, d1) -> (0)>
#map2 = affine_map<(d0, d1) -> (0, 0, 0)>
module attributes {stable_mosaic.version = 14 : i64} {
  func.func @_pass_body(%arg0: i32, %arg1: i32, %arg2: memref<10000x128xf32, #tpu.memory_space<hbm>>, %arg3: memref<327680xi32, #tpu.memory_space<hbm>>, %arg4: memref<327680xi32, #tpu.memory_space<hbm>>, %arg5: memref<640x128xf32, #tpu.memory_space<hbm>>, %arg6: memref<2x10240x128xf32, #tpu.memory_space<hbm>>, %arg7: memref<128xi32, #tpu.memory_space<vmem>>, %arg8: memref<128xi32, #tpu.memory_space<vmem>>, %arg9: memref<128xi32, #tpu.memory_space<vmem>>, %arg10: memref<128xi32, #tpu.memory_space<vmem>>, %arg11: memref<2x128x128xf32, #tpu.memory_space<vmem>>, %arg12: memref<10240x128xf32, #tpu.memory_space<vmem_shared>>, %arg13: memref<!tpu.dma_semaphore, #tpu.memory_space<semaphore_mem>>, %arg14: memref<!tpu.dma_semaphore, #tpu.memory_space<semaphore_mem>>, %arg15: memref<!tpu.dma_semaphore, #tpu.memory_space<semaphore_mem>>, %arg16: memref<!tpu.dma_semaphore, #tpu.memory_space<semaphore_mem>>) attributes {dimension_semantics = [#tpu.dimension_semantics<core_parallel>, #tpu.dimension_semantics<subcore_parallel>], iteration_bounds = array<i64: 2, 16>, scalar_prefetch = 0 : i64, scratch_operands = 10 : i64, tpu.core_type = #tpu.core_type<sc_vector_subcore>, window_params = [{transform_indices = #map}, {transform_indices = #map1}, {transform_indices = #map1}, {transform_indices = #map}, {transform_indices = #map2}]} {
    %mul3A = arith.constant 2 : i32
    %mul3A_0 = arith.muli %arg1, %mul3A : i32
    %add3A = arith.addi %mul3A_0, %arg0 : i32
    %mul3A_1 = arith.constant 640 : i32
    %mul3A_2 = arith.muli %arg1, %mul3A_1 : i32
    "tpu.region"() ({
      %run_scoped3A = tpu.sem_alloc : memref<!tpu.dma_semaphore, #tpu.memory_space<semaphore_mem>>
      %dma_start3A = arith.constant 0 : i32
      %dma_start3A_13 = tpu.memref_slice %arg12[%mul3A_2, %dma_start3A] : memref<10240x128xf32, #tpu.memory_space<vmem_shared>> -> memref<640x128xf32, #tpu.memory_space<vmem_shared>>
      tpu.enqueue_dma source(%arg5 : memref<640x128xf32, #tpu.memory_space<hbm>>) target(%dma_start3A_13 : memref<640x128xf32, #tpu.memory_space<vmem_shared>>) target_semaphore(%run_scoped3A : memref<!tpu.dma_semaphore, #tpu.memory_space<semaphore_mem>>)
      %dma_wait3A = arith.constant 0 : i32
      %dma_wait3A_14 = tpu.memref_slice %arg12[%mul3A_2, %dma_wait3A] : memref<10240x128xf32, #tpu.memory_space<vmem_shared>> -> memref<640x128xf32, #tpu.memory_space<vmem_shared>>
      tpu.wait_dma2 semaphore(%run_scoped3A : memref<!tpu.dma_semaphore, #tpu.memory_space<semaphore_mem>>) src(%arg5 : memref<640x128xf32, #tpu.memory_space<hbm>>) dst(%dma_wait3A_14 : memref<640x128xf32, #tpu.memory_space<vmem_shared>>)
      tpu.yield
    }) : () -> ()
    %barrier3A = arith.constant 0 : index
    tpu.barrier barrier_id(%barrier3A)
    %scan3A = arith.constant 0 : i32
    %scan3A_3 = arith.constant 0 : i32
    %scan3A_4 = arith.constant 40 : i32
    %scan3A_5 = arith.addi %scan3A_3, %scan3A_4 : i32
    %scan3A_6 = arith.constant 1 : i32
    scf.for %scan3A_13 = %scan3A_3 to %scan3A_5 step %scan3A_6  : i32 {
      %mul3A_14 = arith.constant 80 : i32
      %mul3A_15 = arith.muli %add3A, %mul3A_14 : i32
      %mul3A_16 = arith.constant 2 : i32
      %mul3A_17 = arith.muli %scan3A_13, %mul3A_16 : i32
      %add3A_18 = arith.addi %mul3A_15, %mul3A_17 : i32
      %add3A_19 = arith.constant 0 : i32
      %add3A_20 = arith.addi %add3A_18, %add3A_19 : i32
      %mul3A_21 = arith.constant 128 : i32
      %mul3A_22 = arith.muli %add3A_20, %mul3A_21 : i32
      "tpu.region"() ({
        %run_scoped3A = tpu.sem_alloc : memref<!tpu.dma_semaphore, #tpu.memory_space<semaphore_mem>>
        %dma_start3A_94 = tpu.memref_slice %arg3[%mul3A_22] : memref<327680xi32, #tpu.memory_space<hbm>> -> memref<128xi32, #tpu.memory_space<hbm>>
        %dma_start3A_95 = tpu.memref_slice %arg3[%mul3A_22] : memref<327680xi32, #tpu.memory_space<hbm>> -> memref<128xi32, #tpu.memory_space<hbm>>
        tpu.enqueue_dma source(%dma_start3A_95 : memref<128xi32, #tpu.memory_space<hbm>>) target(%arg7 : memref<128xi32, #tpu.memory_space<vmem>>) target_semaphore(%run_scoped3A : memref<!tpu.dma_semaphore, #tpu.memory_space<semaphore_mem>>)
        %dma_wait3A_96 = tpu.memref_slice %arg3[%mul3A_22] : memref<327680xi32, #tpu.memory_space<hbm>> -> memref<128xi32, #tpu.memory_space<hbm>>
        %dma_wait3A_97 = tpu.memref_slice %arg3[%mul3A_22] : memref<327680xi32, #tpu.memory_space<hbm>> -> memref<128xi32, #tpu.memory_space<hbm>>
        tpu.wait_dma2 semaphore(%run_scoped3A : memref<!tpu.dma_semaphore, #tpu.memory_space<semaphore_mem>>) src(%dma_wait3A_97 : memref<128xi32, #tpu.memory_space<hbm>>) dst(%arg7 : memref<128xi32, #tpu.memory_space<vmem>>)
        tpu.yield
      }) : () -> ()
      "tpu.region"() ({
        %run_scoped3A = tpu.sem_alloc : memref<!tpu.dma_semaphore, #tpu.memory_space<semaphore_mem>>
        %dma_start3A_94 = tpu.memref_slice %arg4[%mul3A_22] : memref<327680xi32, #tpu.memory_space<hbm>> -> memref<128xi32, #tpu.memory_space<hbm>>
        %dma_start3A_95 = tpu.memref_slice %arg4[%mul3A_22] : memref<327680xi32, #tpu.memory_space<hbm>> -> memref<128xi32, #tpu.memory_space<hbm>>
        tpu.enqueue_dma source(%dma_start3A_95 : memref<128xi32, #tpu.memory_space<hbm>>) target(%arg9 : memref<128xi32, #tpu.memory_space<vmem>>) target_semaphore(%run_scoped3A : memref<!tpu.dma_semaphore, #tpu.memory_space<semaphore_mem>>)
        %dma_wait3A_96 = tpu.memref_slice %arg4[%mul3A_22] : memref<327680xi32, #tpu.memory_space<hbm>> -> memref<128xi32, #tpu.memory_space<hbm>>
        %dma_wait3A_97 = tpu.memref_slice %arg4[%mul3A_22] : memref<327680xi32, #tpu.memory_space<hbm>> -> memref<128xi32, #tpu.memory_space<hbm>>
        tpu.wait_dma2 semaphore(%run_scoped3A : memref<!tpu.dma_semaphore, #tpu.memory_space<semaphore_mem>>) src(%dma_wait3A_97 : memref<128xi32, #tpu.memory_space<hbm>>) dst(%arg9 : memref<128xi32, #tpu.memory_space<vmem>>)
        tpu.yield
      }) : () -> ()
      %dma_start3A = arith.constant 0 : i32
      %dma_start3A_23 = arith.constant 0 : i32
      %dma_start3A_24 = arith.constant 0 : i32
      %dma_start3A_25 = tpu.memref_slice %arg11[%dma_start3A, %dma_start3A_23, %dma_start3A_24] : memref<2x128x128xf32, #tpu.memory_space<vmem>> -> memref<1x128x128xf32, #tpu.memory_space<vmem>>
      %dma_start3A_26 = tpu.memref_squeeze %dma_start3A_25 : memref<1x128x128xf32, #tpu.memory_space<vmem>> -> memref<128x128xf32, #tpu.memory_space<vmem>>
      %dma_start3A_27 = arith.constant 0 : i32
      %dma_start3A_28 = arith.constant 0 : i32
      %dma_start3A_29 = tpu.memref_slice %arg2[%dma_start3A_27, %dma_start3A_28] : memref<10000x128xf32, #tpu.memory_space<hbm>> -> memref<10000x128xf32, #tpu.memory_space<hbm>>
      tpu.enqueue_indirect_dma source(%dma_start3A_29 : memref<10000x128xf32, #tpu.memory_space<hbm>>) target(%dma_start3A_26 : memref<128x128xf32, #tpu.memory_space<vmem>>) offsets(%arg7 : memref<128xi32, #tpu.memory_space<vmem>>) semaphore(%arg13 : memref<!tpu.dma_semaphore, #tpu.memory_space<semaphore_mem>>)
      %mul3A_30 = arith.constant 80 : i32
      %mul3A_31 = arith.muli %add3A, %mul3A_30 : i32
      %mul3A_32 = arith.constant 2 : i32
      %mul3A_33 = arith.muli %scan3A_13, %mul3A_32 : i32
      %add3A_34 = arith.addi %mul3A_31, %mul3A_33 : i32
      %add3A_35 = arith.constant 1 : i32
      %add3A_36 = arith.addi %add3A_34, %add3A_35 : i32
      %mul3A_37 = arith.constant 128 : i32
      %mul3A_38 = arith.muli %add3A_36, %mul3A_37 : i32
      "tpu.region"() ({
        %run_scoped3A = tpu.sem_alloc : memref<!tpu.dma_semaphore, #tpu.memory_space<semaphore_mem>>
        %dma_start3A_94 = tpu.memref_slice %arg3[%mul3A_38] : memref<327680xi32, #tpu.memory_space<hbm>> -> memref<128xi32, #tpu.memory_space<hbm>>
        %dma_start3A_95 = tpu.memref_slice %arg3[%mul3A_38] : memref<327680xi32, #tpu.memory_space<hbm>> -> memref<128xi32, #tpu.memory_space<hbm>>
        tpu.enqueue_dma source(%dma_start3A_95 : memref<128xi32, #tpu.memory_space<hbm>>) target(%arg8 : memref<128xi32, #tpu.memory_space<vmem>>) target_semaphore(%run_scoped3A : memref<!tpu.dma_semaphore, #tpu.memory_space<semaphore_mem>>)
        %dma_wait3A_96 = tpu.memref_slice %arg3[%mul3A_38] : memref<327680xi32, #tpu.memory_space<hbm>> -> memref<128xi32, #tpu.memory_space<hbm>>
        %dma_wait3A_97 = tpu.memref_slice %arg3[%mul3A_38] : memref<327680xi32, #tpu.memory_space<hbm>> -> memref<128xi32, #tpu.memory_space<hbm>>
        tpu.wait_dma2 semaphore(%run_scoped3A : memref<!tpu.dma_semaphore, #tpu.memory_space<semaphore_mem>>) src(%dma_wait3A_97 : memref<128xi32, #tpu.memory_space<hbm>>) dst(%arg8 : memref<128xi32, #tpu.memory_space<vmem>>)
        tpu.yield
      }) : () -> ()
      "tpu.region"() ({
        %run_scoped3A = tpu.sem_alloc : memref<!tpu.dma_semaphore, #tpu.memory_space<semaphore_mem>>
        %dma_start3A_94 = tpu.memref_slice %arg4[%mul3A_38] : memref<327680xi32, #tpu.memory_space<hbm>> -> memref<128xi32, #tpu.memory_space<hbm>>
        %dma_start3A_95 = tpu.memref_slice %arg4[%mul3A_38] : memref<327680xi32, #tpu.memory_space<hbm>> -> memref<128xi32, #tpu.memory_space<hbm>>
        tpu.enqueue_dma source(%dma_start3A_95 : memref<128xi32, #tpu.memory_space<hbm>>) target(%arg10 : memref<128xi32, #tpu.memory_space<vmem>>) target_semaphore(%run_scoped3A : memref<!tpu.dma_semaphore, #tpu.memory_space<semaphore_mem>>)
        %dma_wait3A_96 = tpu.memref_slice %arg4[%mul3A_38] : memref<327680xi32, #tpu.memory_space<hbm>> -> memref<128xi32, #tpu.memory_space<hbm>>
        %dma_wait3A_97 = tpu.memref_slice %arg4[%mul3A_38] : memref<327680xi32, #tpu.memory_space<hbm>> -> memref<128xi32, #tpu.memory_space<hbm>>
        tpu.wait_dma2 semaphore(%run_scoped3A : memref<!tpu.dma_semaphore, #tpu.memory_space<semaphore_mem>>) src(%dma_wait3A_97 : memref<128xi32, #tpu.memory_space<hbm>>) dst(%arg10 : memref<128xi32, #tpu.memory_space<vmem>>)
        tpu.yield
      }) : () -> ()
      %dma_start3A_39 = arith.constant 1 : i32
      %dma_start3A_40 = arith.constant 0 : i32
      %dma_start3A_41 = arith.constant 0 : i32
      %dma_start3A_42 = tpu.memref_slice %arg11[%dma_start3A_39, %dma_start3A_40, %dma_start3A_41] : memref<2x128x128xf32, #tpu.memory_space<vmem>> -> memref<1x128x128xf32, #tpu.memory_space<vmem>>
      %dma_start3A_43 = tpu.memref_squeeze %dma_start3A_42 : memref<1x128x128xf32, #tpu.memory_space<vmem>> -> memref<128x128xf32, #tpu.memory_space<vmem>>
      %dma_start3A_44 = arith.constant 0 : i32
      %dma_start3A_45 = arith.constant 0 : i32
      %dma_start3A_46 = tpu.memref_slice %arg2[%dma_start3A_44, %dma_start3A_45] : memref<10000x128xf32, #tpu.memory_space<hbm>> -> memref<10000x128xf32, #tpu.memory_space<hbm>>
      tpu.enqueue_indirect_dma source(%dma_start3A_46 : memref<10000x128xf32, #tpu.memory_space<hbm>>) target(%dma_start3A_43 : memref<128x128xf32, #tpu.memory_space<vmem>>) offsets(%arg8 : memref<128xi32, #tpu.memory_space<vmem>>) semaphore(%arg14 : memref<!tpu.dma_semaphore, #tpu.memory_space<semaphore_mem>>)
      %dma_wait3A = arith.constant 0 : i32
      %dma_wait3A_47 = arith.constant 0 : i32
      %dma_wait3A_48 = arith.constant 0 : i32
      %dma_wait3A_49 = tpu.memref_slice %arg11[%dma_wait3A, %dma_wait3A_47, %dma_wait3A_48] : memref<2x128x128xf32, #tpu.memory_space<vmem>> -> memref<1x128x128xf32, #tpu.memory_space<vmem>>
      %dma_wait3A_50 = tpu.memref_squeeze %dma_wait3A_49 : memref<1x128x128xf32, #tpu.memory_space<vmem>> -> memref<128x128xf32, #tpu.memory_space<vmem>>
      %dma_wait3A_51 = arith.constant 0 : i32
      %dma_wait3A_52 = arith.constant 0 : i32
      %dma_wait3A_53 = tpu.memref_slice %arg2[%dma_wait3A_51, %dma_wait3A_52] : memref<10000x128xf32, #tpu.memory_space<hbm>> -> memref<10000x128xf32, #tpu.memory_space<hbm>>
      tpu.wait_indirect_dma semaphore(%arg13 : memref<!tpu.dma_semaphore, #tpu.memory_space<semaphore_mem>>) src(%dma_wait3A_53 : memref<10000x128xf32, #tpu.memory_space<hbm>>) dst(%dma_wait3A_50 : memref<128x128xf32, #tpu.memory_space<vmem>>)
      %dma_start3A_54 = arith.constant 0 : i32
      %dma_start3A_55 = arith.constant 0 : i32
      %dma_start3A_56 = arith.constant 0 : i32
      %dma_start3A_57 = tpu.memref_slice %arg11[%dma_start3A_54, %dma_start3A_55, %dma_start3A_56] : memref<2x128x128xf32, #tpu.memory_space<vmem>> -> memref<1x128x128xf32, #tpu.memory_space<vmem>>
      %dma_start3A_58 = tpu.memref_squeeze %dma_start3A_57 : memref<1x128x128xf32, #tpu.memory_space<vmem>> -> memref<128x128xf32, #tpu.memory_space<vmem>>
      %dma_start3A_59 = arith.constant 0 : i32
      %dma_start3A_60 = arith.constant 0 : i32
      %dma_start3A_61 = tpu.memref_slice %arg12[%dma_start3A_59, %dma_start3A_60] : memref<10240x128xf32, #tpu.memory_space<vmem_shared>> -> memref<10240x128xf32, #tpu.memory_space<vmem_shared>>
      tpu.enqueue_indirect_dma source(%dma_start3A_58 : memref<128x128xf32, #tpu.memory_space<vmem>>) target(%dma_start3A_61 : memref<10240x128xf32, #tpu.memory_space<vmem_shared>>) offsets(%arg9 : memref<128xi32, #tpu.memory_space<vmem>>) semaphore(%arg15 : memref<!tpu.dma_semaphore, #tpu.memory_space<semaphore_mem>>) {add = true}
      %dma_wait3A_62 = arith.constant 1 : i32
      %dma_wait3A_63 = arith.constant 0 : i32
      %dma_wait3A_64 = arith.constant 0 : i32
      %dma_wait3A_65 = tpu.memref_slice %arg11[%dma_wait3A_62, %dma_wait3A_63, %dma_wait3A_64] : memref<2x128x128xf32, #tpu.memory_space<vmem>> -> memref<1x128x128xf32, #tpu.memory_space<vmem>>
      %dma_wait3A_66 = tpu.memref_squeeze %dma_wait3A_65 : memref<1x128x128xf32, #tpu.memory_space<vmem>> -> memref<128x128xf32, #tpu.memory_space<vmem>>
      %dma_wait3A_67 = arith.constant 0 : i32
      %dma_wait3A_68 = arith.constant 0 : i32
      %dma_wait3A_69 = tpu.memref_slice %arg2[%dma_wait3A_67, %dma_wait3A_68] : memref<10000x128xf32, #tpu.memory_space<hbm>> -> memref<10000x128xf32, #tpu.memory_space<hbm>>
      tpu.wait_indirect_dma semaphore(%arg14 : memref<!tpu.dma_semaphore, #tpu.memory_space<semaphore_mem>>) src(%dma_wait3A_69 : memref<10000x128xf32, #tpu.memory_space<hbm>>) dst(%dma_wait3A_66 : memref<128x128xf32, #tpu.memory_space<vmem>>)
      %dma_start3A_70 = arith.constant 1 : i32
      %dma_start3A_71 = arith.constant 0 : i32
      %dma_start3A_72 = arith.constant 0 : i32
      %dma_start3A_73 = tpu.memref_slice %arg11[%dma_start3A_70, %dma_start3A_71, %dma_start3A_72] : memref<2x128x128xf32, #tpu.memory_space<vmem>> -> memref<1x128x128xf32, #tpu.memory_space<vmem>>
      %dma_start3A_74 = tpu.memref_squeeze %dma_start3A_73 : memref<1x128x128xf32, #tpu.memory_space<vmem>> -> memref<128x128xf32, #tpu.memory_space<vmem>>
      %dma_start3A_75 = arith.constant 0 : i32
      %dma_start3A_76 = arith.constant 0 : i32
      %dma_start3A_77 = tpu.memref_slice %arg12[%dma_start3A_75, %dma_start3A_76] : memref<10240x128xf32, #tpu.memory_space<vmem_shared>> -> memref<10240x128xf32, #tpu.memory_space<vmem_shared>>
      tpu.enqueue_indirect_dma source(%dma_start3A_74 : memref<128x128xf32, #tpu.memory_space<vmem>>) target(%dma_start3A_77 : memref<10240x128xf32, #tpu.memory_space<vmem_shared>>) offsets(%arg10 : memref<128xi32, #tpu.memory_space<vmem>>) semaphore(%arg16 : memref<!tpu.dma_semaphore, #tpu.memory_space<semaphore_mem>>) {add = true}
      %dma_wait3A_78 = arith.constant 0 : i32
      %dma_wait3A_79 = arith.constant 0 : i32
      %dma_wait3A_80 = arith.constant 0 : i32
      %dma_wait3A_81 = tpu.memref_slice %arg11[%dma_wait3A_78, %dma_wait3A_79, %dma_wait3A_80] : memref<2x128x128xf32, #tpu.memory_space<vmem>> -> memref<1x128x128xf32, #tpu.memory_space<vmem>>
      %dma_wait3A_82 = tpu.memref_squeeze %dma_wait3A_81 : memref<1x128x128xf32, #tpu.memory_space<vmem>> -> memref<128x128xf32, #tpu.memory_space<vmem>>
      %dma_wait3A_83 = arith.constant 0 : i32
      %dma_wait3A_84 = arith.constant 0 : i32
      %dma_wait3A_85 = tpu.memref_slice %arg12[%dma_wait3A_83, %dma_wait3A_84] : memref<10240x128xf32, #tpu.memory_space<vmem_shared>> -> memref<10240x128xf32, #tpu.memory_space<vmem_shared>>
      tpu.wait_indirect_dma semaphore(%arg15 : memref<!tpu.dma_semaphore, #tpu.memory_space<semaphore_mem>>) src(%dma_wait3A_82 : memref<128x128xf32, #tpu.memory_space<vmem>>) dst(%dma_wait3A_85 : memref<10240x128xf32, #tpu.memory_space<vmem_shared>>)
      %dma_wait3A_86 = arith.constant 1 : i32
      %dma_wait3A_87 = arith.constant 0 : i32
      %dma_wait3A_88 = arith.constant 0 : i32
      %dma_wait3A_89 = tpu.memref_slice %arg11[%dma_wait3A_86, %dma_wait3A_87, %dma_wait3A_88] : memref<2x128x128xf32, #tpu.memory_space<vmem>> -> memref<1x128x128xf32, #tpu.memory_space<vmem>>
      %dma_wait3A_90 = tpu.memref_squeeze %dma_wait3A_89 : memref<1x128x128xf32, #tpu.memory_space<vmem>> -> memref<128x128xf32, #tpu.memory_space<vmem>>
      %dma_wait3A_91 = arith.constant 0 : i32
      %dma_wait3A_92 = arith.constant 0 : i32
      %dma_wait3A_93 = tpu.memref_slice %arg12[%dma_wait3A_91, %dma_wait3A_92] : memref<10240x128xf32, #tpu.memory_space<vmem_shared>> -> memref<10240x128xf32, #tpu.memory_space<vmem_shared>>
      tpu.wait_indirect_dma semaphore(%arg16 : memref<!tpu.dma_semaphore, #tpu.memory_space<semaphore_mem>>) src(%dma_wait3A_90 : memref<128x128xf32, #tpu.memory_space<vmem>>) dst(%dma_wait3A_93 : memref<10240x128xf32, #tpu.memory_space<vmem_shared>>)
    }
    %scan3A_7 = arith.constant 40 : i32
    %barrier3A_8 = arith.constant 0 : index
    tpu.barrier barrier_id(%barrier3A_8)
    %mul3A_9 = arith.constant 640 : i32
    %mul3A_10 = arith.muli %arg1, %mul3A_9 : i32
    %mul3A_11 = arith.constant 640 : i32
    %mul3A_12 = arith.muli %arg1, %mul3A_11 : i32
    "tpu.region"() ({
      %run_scoped3A = tpu.sem_alloc : memref<!tpu.dma_semaphore, #tpu.memory_space<semaphore_mem>>
      %dma_start3A = arith.constant 0 : i32
      %dma_start3A_13 = tpu.memref_slice %arg6[%arg0, %mul3A_12, %dma_start3A] : memref<2x10240x128xf32, #tpu.memory_space<hbm>> -> memref<1x640x128xf32, #tpu.memory_space<hbm>>
      %dma_start3A_14 = tpu.memref_squeeze %dma_start3A_13 : memref<1x640x128xf32, #tpu.memory_space<hbm>> -> memref<640x128xf32, #tpu.memory_space<hbm>>
      %dma_start3A_15 = arith.constant 0 : i32
      %dma_start3A_16 = tpu.memref_slice %arg12[%mul3A_10, %dma_start3A_15] : memref<10240x128xf32, #tpu.memory_space<vmem_shared>> -> memref<640x128xf32, #tpu.memory_space<vmem_shared>>
      tpu.enqueue_dma source(%dma_start3A_16 : memref<640x128xf32, #tpu.memory_space<vmem_shared>>) target(%dma_start3A_14 : memref<640x128xf32, #tpu.memory_space<hbm>>) target_semaphore(%run_scoped3A : memref<!tpu.dma_semaphore, #tpu.memory_space<semaphore_mem>>)
      %dma_wait3A = arith.constant 0 : i32
      %dma_wait3A_17 = tpu.memref_slice %arg6[%arg0, %mul3A_12, %dma_wait3A] : memref<2x10240x128xf32, #tpu.memory_space<hbm>> -> memref<1x640x128xf32, #tpu.memory_space<hbm>>
      %dma_wait3A_18 = tpu.memref_squeeze %dma_wait3A_17 : memref<1x640x128xf32, #tpu.memory_space<hbm>> -> memref<640x128xf32, #tpu.memory_space<hbm>>
      %dma_wait3A_19 = arith.constant 0 : i32
      %dma_wait3A_20 = tpu.memref_slice %arg12[%mul3A_10, %dma_wait3A_19] : memref<10240x128xf32, #tpu.memory_space<vmem_shared>> -> memref<640x128xf32, #tpu.memory_space<vmem_shared>>
      tpu.wait_dma2 semaphore(%run_scoped3A : memref<!tpu.dma_semaphore, #tpu.memory_space<semaphore_mem>>) src(%dma_wait3A_20 : memref<640x128xf32, #tpu.memory_space<vmem_shared>>) dst(%dma_wait3A_18 : memref<640x128xf32, #tpu.memory_space<hbm>>)
      tpu.yield
    }) : () -> ()
    return
  }
}

#map = affine_map<(d0, d1) -> (0)>
#map1 = affine_map<(d0, d1) -> (0, 0)>
#map2 = affine_map<(d0, d1) -> (0, 0, 0)>
module attributes {stable_mosaic.version = 14 : i64} {
  func.func @_deg_body(%arg0: i32, %arg1: i32, %arg2: memref<327680xi32, #tpu.memory_space<hbm>>, %arg3: memref<128x128xf32, #tpu.memory_space<hbm>>, %arg4: memref<640x128xf32, #tpu.memory_space<hbm>>, %arg5: memref<2x10240x128xf32, #tpu.memory_space<hbm>>, %arg6: memref<128xi32, #tpu.memory_space<vmem>>, %arg7: memref<128xi32, #tpu.memory_space<vmem>>, %arg8: memref<128x128xf32, #tpu.memory_space<vmem>>, %arg9: memref<10240x128xf32, #tpu.memory_space<vmem_shared>>, %arg10: memref<!tpu.dma_semaphore, #tpu.memory_space<semaphore_mem>>, %arg11: memref<!tpu.dma_semaphore, #tpu.memory_space<semaphore_mem>>) attributes {dimension_semantics = [#tpu.dimension_semantics<core_parallel>, #tpu.dimension_semantics<subcore_parallel>], iteration_bounds = array<i64: 2, 16>, scalar_prefetch = 0 : i64, scratch_operands = 6 : i64, tpu.core_type = #tpu.core_type<sc_vector_subcore>, window_params = [{transform_indices = #map}, {transform_indices = #map1}, {transform_indices = #map1}, {transform_indices = #map2}]} {
    %mul3A = arith.constant 2 : i32
    %mul3A_0 = arith.muli %arg1, %mul3A : i32
    %add3A = arith.addi %mul3A_0, %arg0 : i32
    "tpu.region"() ({
      %run_scoped3A = tpu.sem_alloc : memref<!tpu.dma_semaphore, #tpu.memory_space<semaphore_mem>>
      tpu.enqueue_dma source(%arg3 : memref<128x128xf32, #tpu.memory_space<hbm>>) target(%arg8 : memref<128x128xf32, #tpu.memory_space<vmem>>) target_semaphore(%run_scoped3A : memref<!tpu.dma_semaphore, #tpu.memory_space<semaphore_mem>>)
      tpu.wait_dma2 semaphore(%run_scoped3A : memref<!tpu.dma_semaphore, #tpu.memory_space<semaphore_mem>>) src(%arg3 : memref<128x128xf32, #tpu.memory_space<hbm>>) dst(%arg8 : memref<128x128xf32, #tpu.memory_space<vmem>>)
      tpu.yield
    }) : () -> ()
    %mul3A_1 = arith.constant 640 : i32
    %mul3A_2 = arith.muli %arg1, %mul3A_1 : i32
    "tpu.region"() ({
      %run_scoped3A = tpu.sem_alloc : memref<!tpu.dma_semaphore, #tpu.memory_space<semaphore_mem>>
      %dma_start3A = arith.constant 0 : i32
      %dma_start3A_13 = tpu.memref_slice %arg9[%mul3A_2, %dma_start3A] : memref<10240x128xf32, #tpu.memory_space<vmem_shared>> -> memref<640x128xf32, #tpu.memory_space<vmem_shared>>
      tpu.enqueue_dma source(%arg4 : memref<640x128xf32, #tpu.memory_space<hbm>>) target(%dma_start3A_13 : memref<640x128xf32, #tpu.memory_space<vmem_shared>>) target_semaphore(%run_scoped3A : memref<!tpu.dma_semaphore, #tpu.memory_space<semaphore_mem>>)
      %dma_wait3A = arith.constant 0 : i32
      %dma_wait3A_14 = tpu.memref_slice %arg9[%mul3A_2, %dma_wait3A] : memref<10240x128xf32, #tpu.memory_space<vmem_shared>> -> memref<640x128xf32, #tpu.memory_space<vmem_shared>>
      tpu.wait_dma2 semaphore(%run_scoped3A : memref<!tpu.dma_semaphore, #tpu.memory_space<semaphore_mem>>) src(%arg4 : memref<640x128xf32, #tpu.memory_space<hbm>>) dst(%dma_wait3A_14 : memref<640x128xf32, #tpu.memory_space<vmem_shared>>)
      tpu.yield
    }) : () -> ()
    %barrier3A = arith.constant 0 : index
    tpu.barrier barrier_id(%barrier3A)
    %scan3A = arith.constant 0 : i32
    %scan3A_3 = arith.constant 0 : i32
    %scan3A_4 = arith.constant 40 : i32
    %scan3A_5 = arith.addi %scan3A_3, %scan3A_4 : i32
    %scan3A_6 = arith.constant 1 : i32
    scf.for %scan3A_13 = %scan3A_3 to %scan3A_5 step %scan3A_6  : i32 {
      %mul3A_14 = arith.constant 80 : i32
      %mul3A_15 = arith.muli %add3A, %mul3A_14 : i32
      %mul3A_16 = arith.constant 2 : i32
      %mul3A_17 = arith.muli %scan3A_13, %mul3A_16 : i32
      %add3A_18 = arith.addi %mul3A_15, %mul3A_17 : i32
      %add3A_19 = arith.constant 0 : i32
      %add3A_20 = arith.addi %add3A_18, %add3A_19 : i32
      %mul3A_21 = arith.constant 128 : i32
      %mul3A_22 = arith.muli %add3A_20, %mul3A_21 : i32
      "tpu.region"() ({
        %run_scoped3A = tpu.sem_alloc : memref<!tpu.dma_semaphore, #tpu.memory_space<semaphore_mem>>
        %dma_start3A_42 = tpu.memref_slice %arg2[%mul3A_22] : memref<327680xi32, #tpu.memory_space<hbm>> -> memref<128xi32, #tpu.memory_space<hbm>>
        %dma_start3A_43 = tpu.memref_slice %arg2[%mul3A_22] : memref<327680xi32, #tpu.memory_space<hbm>> -> memref<128xi32, #tpu.memory_space<hbm>>
        tpu.enqueue_dma source(%dma_start3A_43 : memref<128xi32, #tpu.memory_space<hbm>>) target(%arg6 : memref<128xi32, #tpu.memory_space<vmem>>) target_semaphore(%run_scoped3A : memref<!tpu.dma_semaphore, #tpu.memory_space<semaphore_mem>>)
        %dma_wait3A_44 = tpu.memref_slice %arg2[%mul3A_22] : memref<327680xi32, #tpu.memory_space<hbm>> -> memref<128xi32, #tpu.memory_space<hbm>>
        %dma_wait3A_45 = tpu.memref_slice %arg2[%mul3A_22] : memref<327680xi32, #tpu.memory_space<hbm>> -> memref<128xi32, #tpu.memory_space<hbm>>
        tpu.wait_dma2 semaphore(%run_scoped3A : memref<!tpu.dma_semaphore, #tpu.memory_space<semaphore_mem>>) src(%dma_wait3A_45 : memref<128xi32, #tpu.memory_space<hbm>>) dst(%arg6 : memref<128xi32, #tpu.memory_space<vmem>>)
        tpu.yield
      }) : () -> ()
      %dma_start3A = arith.constant 0 : i32
      %dma_start3A_23 = arith.constant 0 : i32
      %dma_start3A_24 = tpu.memref_slice %arg9[%dma_start3A, %dma_start3A_23] : memref<10240x128xf32, #tpu.memory_space<vmem_shared>> -> memref<10240x128xf32, #tpu.memory_space<vmem_shared>>
      tpu.enqueue_indirect_dma source(%arg8 : memref<128x128xf32, #tpu.memory_space<vmem>>) target(%dma_start3A_24 : memref<10240x128xf32, #tpu.memory_space<vmem_shared>>) offsets(%arg6 : memref<128xi32, #tpu.memory_space<vmem>>) semaphore(%arg10 : memref<!tpu.dma_semaphore, #tpu.memory_space<semaphore_mem>>) {add = true}
      %mul3A_25 = arith.constant 80 : i32
      %mul3A_26 = arith.muli %add3A, %mul3A_25 : i32
      %mul3A_27 = arith.constant 2 : i32
      %mul3A_28 = arith.muli %scan3A_13, %mul3A_27 : i32
      %add3A_29 = arith.addi %mul3A_26, %mul3A_28 : i32
      %add3A_30 = arith.constant 1 : i32
      %add3A_31 = arith.addi %add3A_29, %add3A_30 : i32
      %mul3A_32 = arith.constant 128 : i32
      %mul3A_33 = arith.muli %add3A_31, %mul3A_32 : i32
      "tpu.region"() ({
        %run_scoped3A = tpu.sem_alloc : memref<!tpu.dma_semaphore, #tpu.memory_space<semaphore_mem>>
        %dma_start3A_42 = tpu.memref_slice %arg2[%mul3A_33] : memref<327680xi32, #tpu.memory_space<hbm>> -> memref<128xi32, #tpu.memory_space<hbm>>
        %dma_start3A_43 = tpu.memref_slice %arg2[%mul3A_33] : memref<327680xi32, #tpu.memory_space<hbm>> -> memref<128xi32, #tpu.memory_space<hbm>>
        tpu.enqueue_dma source(%dma_start3A_43 : memref<128xi32, #tpu.memory_space<hbm>>) target(%arg7 : memref<128xi32, #tpu.memory_space<vmem>>) target_semaphore(%run_scoped3A : memref<!tpu.dma_semaphore, #tpu.memory_space<semaphore_mem>>)
        %dma_wait3A_44 = tpu.memref_slice %arg2[%mul3A_33] : memref<327680xi32, #tpu.memory_space<hbm>> -> memref<128xi32, #tpu.memory_space<hbm>>
        %dma_wait3A_45 = tpu.memref_slice %arg2[%mul3A_33] : memref<327680xi32, #tpu.memory_space<hbm>> -> memref<128xi32, #tpu.memory_space<hbm>>
        tpu.wait_dma2 semaphore(%run_scoped3A : memref<!tpu.dma_semaphore, #tpu.memory_space<semaphore_mem>>) src(%dma_wait3A_45 : memref<128xi32, #tpu.memory_space<hbm>>) dst(%arg7 : memref<128xi32, #tpu.memory_space<vmem>>)
        tpu.yield
      }) : () -> ()
      %dma_start3A_34 = arith.constant 0 : i32
      %dma_start3A_35 = arith.constant 0 : i32
      %dma_start3A_36 = tpu.memref_slice %arg9[%dma_start3A_34, %dma_start3A_35] : memref<10240x128xf32, #tpu.memory_space<vmem_shared>> -> memref<10240x128xf32, #tpu.memory_space<vmem_shared>>
      tpu.enqueue_indirect_dma source(%arg8 : memref<128x128xf32, #tpu.memory_space<vmem>>) target(%dma_start3A_36 : memref<10240x128xf32, #tpu.memory_space<vmem_shared>>) offsets(%arg7 : memref<128xi32, #tpu.memory_space<vmem>>) semaphore(%arg11 : memref<!tpu.dma_semaphore, #tpu.memory_space<semaphore_mem>>) {add = true}
      %dma_wait3A = arith.constant 0 : i32
      %dma_wait3A_37 = arith.constant 0 : i32
      %dma_wait3A_38 = tpu.memref_slice %arg9[%dma_wait3A, %dma_wait3A_37] : memref<10240x128xf32, #tpu.memory_space<vmem_shared>> -> memref<10240x128xf32, #tpu.memory_space<vmem_shared>>
      tpu.wait_indirect_dma semaphore(%arg10 : memref<!tpu.dma_semaphore, #tpu.memory_space<semaphore_mem>>) src(%arg8 : memref<128x128xf32, #tpu.memory_space<vmem>>) dst(%dma_wait3A_38 : memref<10240x128xf32, #tpu.memory_space<vmem_shared>>)
      %dma_wait3A_39 = arith.constant 0 : i32
      %dma_wait3A_40 = arith.constant 0 : i32
      %dma_wait3A_41 = tpu.memref_slice %arg9[%dma_wait3A_39, %dma_wait3A_40] : memref<10240x128xf32, #tpu.memory_space<vmem_shared>> -> memref<10240x128xf32, #tpu.memory_space<vmem_shared>>
      tpu.wait_indirect_dma semaphore(%arg11 : memref<!tpu.dma_semaphore, #tpu.memory_space<semaphore_mem>>) src(%arg8 : memref<128x128xf32, #tpu.memory_space<vmem>>) dst(%dma_wait3A_41 : memref<10240x128xf32, #tpu.memory_space<vmem_shared>>)
    }
    %scan3A_7 = arith.constant 40 : i32
    %barrier3A_8 = arith.constant 0 : index
    tpu.barrier barrier_id(%barrier3A_8)
    %mul3A_9 = arith.constant 640 : i32
    %mul3A_10 = arith.muli %arg1, %mul3A_9 : i32
    %mul3A_11 = arith.constant 640 : i32
    %mul3A_12 = arith.muli %arg1, %mul3A_11 : i32
    "tpu.region"() ({
      %run_scoped3A = tpu.sem_alloc : memref<!tpu.dma_semaphore, #tpu.memory_space<semaphore_mem>>
      %dma_start3A = arith.constant 0 : i32
      %dma_start3A_13 = tpu.memref_slice %arg5[%arg0, %mul3A_12, %dma_start3A] : memref<2x10240x128xf32, #tpu.memory_space<hbm>> -> memref<1x640x128xf32, #tpu.memory_space<hbm>>
      %dma_start3A_14 = tpu.memref_squeeze %dma_start3A_13 : memref<1x640x128xf32, #tpu.memory_space<hbm>> -> memref<640x128xf32, #tpu.memory_space<hbm>>
      %dma_start3A_15 = arith.constant 0 : i32
      %dma_start3A_16 = tpu.memref_slice %arg9[%mul3A_10, %dma_start3A_15] : memref<10240x128xf32, #tpu.memory_space<vmem_shared>> -> memref<640x128xf32, #tpu.memory_space<vmem_shared>>
      tpu.enqueue_dma source(%dma_start3A_16 : memref<640x128xf32, #tpu.memory_space<vmem_shared>>) target(%dma_start3A_14 : memref<640x128xf32, #tpu.memory_space<hbm>>) target_semaphore(%run_scoped3A : memref<!tpu.dma_semaphore, #tpu.memory_space<semaphore_mem>>)
      %dma_wait3A = arith.constant 0 : i32
      %dma_wait3A_17 = tpu.memref_slice %arg5[%arg0, %mul3A_12, %dma_wait3A] : memref<2x10240x128xf32, #tpu.memory_space<hbm>> -> memref<1x640x128xf32, #tpu.memory_space<hbm>>
      %dma_wait3A_18 = tpu.memref_squeeze %dma_wait3A_17 : memref<1x640x128xf32, #tpu.memory_space<hbm>> -> memref<640x128xf32, #tpu.memory_space<hbm>>
      %dma_wait3A_19 = arith.constant 0 : i32
      %dma_wait3A_20 = tpu.memref_slice %arg9[%mul3A_10, %dma_wait3A_19] : memref<10240x128xf32, #tpu.memory_space<vmem_shared>> -> memref<640x128xf32, #tpu.memory_space<vmem_shared>>
      tpu.wait_dma2 semaphore(%run_scoped3A : memref<!tpu.dma_semaphore, #tpu.memory_space<semaphore_mem>>) src(%dma_wait3A_20 : memref<640x128xf32, #tpu.memory_space<vmem_shared>>) dst(%dma_wait3A_18 : memref<640x128xf32, #tpu.memory_space<hbm>>)
      tpu.yield
    }) : () -> ()
    return
  }
}

#map = affine_map<(d0, d1) -> (0, 0)>
#map1 = affine_map<(d0, d1) -> (0)>
#map2 = affine_map<(d0, d1) -> (0, 0, 0)>
module attributes {stable_mosaic.version = 14 : i64} {
  func.func @_pass_body(%arg0: i32, %arg1: i32, %arg2: memref<10000x128xf32, #tpu.memory_space<hbm>>, %arg3: memref<327680xi32, #tpu.memory_space<hbm>>, %arg4: memref<327680xi32, #tpu.memory_space<hbm>>, %arg5: memref<640x128xf32, #tpu.memory_space<hbm>>, %arg6: memref<2x10240x128xf32, #tpu.memory_space<hbm>>, %arg7: memref<128xi32, #tpu.memory_space<vmem>>, %arg8: memref<128xi32, #tpu.memory_space<vmem>>, %arg9: memref<128xi32, #tpu.memory_space<vmem>>, %arg10: memref<128xi32, #tpu.memory_space<vmem>>, %arg11: memref<2x128x128xf32, #tpu.memory_space<vmem>>, %arg12: memref<10240x128xf32, #tpu.memory_space<vmem_shared>>, %arg13: memref<!tpu.dma_semaphore, #tpu.memory_space<semaphore_mem>>, %arg14: memref<!tpu.dma_semaphore, #tpu.memory_space<semaphore_mem>>, %arg15: memref<!tpu.dma_semaphore, #tpu.memory_space<semaphore_mem>>, %arg16: memref<!tpu.dma_semaphore, #tpu.memory_space<semaphore_mem>>) attributes {dimension_semantics = [#tpu.dimension_semantics<core_parallel>, #tpu.dimension_semantics<subcore_parallel>], iteration_bounds = array<i64: 2, 16>, scalar_prefetch = 0 : i64, scratch_operands = 10 : i64, tpu.core_type = #tpu.core_type<sc_vector_subcore>, window_params = [{transform_indices = #map}, {transform_indices = #map1}, {transform_indices = #map1}, {transform_indices = #map}, {transform_indices = #map2}]} {
    %mul3A = arith.constant 2 : i32
    %mul3A_0 = arith.muli %arg1, %mul3A : i32
    %add3A = arith.addi %mul3A_0, %arg0 : i32
    %mul3A_1 = arith.constant 640 : i32
    %mul3A_2 = arith.muli %arg1, %mul3A_1 : i32
    "tpu.region"() ({
      %run_scoped3A = tpu.sem_alloc : memref<!tpu.dma_semaphore, #tpu.memory_space<semaphore_mem>>
      %dma_start3A = arith.constant 0 : i32
      %dma_start3A_13 = tpu.memref_slice %arg12[%mul3A_2, %dma_start3A] : memref<10240x128xf32, #tpu.memory_space<vmem_shared>> -> memref<640x128xf32, #tpu.memory_space<vmem_shared>>
      tpu.enqueue_dma source(%arg5 : memref<640x128xf32, #tpu.memory_space<hbm>>) target(%dma_start3A_13 : memref<640x128xf32, #tpu.memory_space<vmem_shared>>) target_semaphore(%run_scoped3A : memref<!tpu.dma_semaphore, #tpu.memory_space<semaphore_mem>>)
      %dma_wait3A = arith.constant 0 : i32
      %dma_wait3A_14 = tpu.memref_slice %arg12[%mul3A_2, %dma_wait3A] : memref<10240x128xf32, #tpu.memory_space<vmem_shared>> -> memref<640x128xf32, #tpu.memory_space<vmem_shared>>
      tpu.wait_dma2 semaphore(%run_scoped3A : memref<!tpu.dma_semaphore, #tpu.memory_space<semaphore_mem>>) src(%arg5 : memref<640x128xf32, #tpu.memory_space<hbm>>) dst(%dma_wait3A_14 : memref<640x128xf32, #tpu.memory_space<vmem_shared>>)
      tpu.yield
    }) : () -> ()
    %barrier3A = arith.constant 0 : index
    tpu.barrier barrier_id(%barrier3A)
    %scan3A = arith.constant 0 : i32
    %scan3A_3 = arith.constant 0 : i32
    %scan3A_4 = arith.constant 40 : i32
    %scan3A_5 = arith.addi %scan3A_3, %scan3A_4 : i32
    %scan3A_6 = arith.constant 1 : i32
    scf.for %scan3A_13 = %scan3A_3 to %scan3A_5 step %scan3A_6  : i32 {
      %mul3A_14 = arith.constant 80 : i32
      %mul3A_15 = arith.muli %add3A, %mul3A_14 : i32
      %mul3A_16 = arith.constant 2 : i32
      %mul3A_17 = arith.muli %scan3A_13, %mul3A_16 : i32
      %add3A_18 = arith.addi %mul3A_15, %mul3A_17 : i32
      %add3A_19 = arith.constant 0 : i32
      %add3A_20 = arith.addi %add3A_18, %add3A_19 : i32
      %mul3A_21 = arith.constant 128 : i32
      %mul3A_22 = arith.muli %add3A_20, %mul3A_21 : i32
      "tpu.region"() ({
        %run_scoped3A = tpu.sem_alloc : memref<!tpu.dma_semaphore, #tpu.memory_space<semaphore_mem>>
        %dma_start3A_94 = tpu.memref_slice %arg3[%mul3A_22] : memref<327680xi32, #tpu.memory_space<hbm>> -> memref<128xi32, #tpu.memory_space<hbm>>
        %dma_start3A_95 = tpu.memref_slice %arg3[%mul3A_22] : memref<327680xi32, #tpu.memory_space<hbm>> -> memref<128xi32, #tpu.memory_space<hbm>>
        tpu.enqueue_dma source(%dma_start3A_95 : memref<128xi32, #tpu.memory_space<hbm>>) target(%arg7 : memref<128xi32, #tpu.memory_space<vmem>>) target_semaphore(%run_scoped3A : memref<!tpu.dma_semaphore, #tpu.memory_space<semaphore_mem>>)
        %dma_wait3A_96 = tpu.memref_slice %arg3[%mul3A_22] : memref<327680xi32, #tpu.memory_space<hbm>> -> memref<128xi32, #tpu.memory_space<hbm>>
        %dma_wait3A_97 = tpu.memref_slice %arg3[%mul3A_22] : memref<327680xi32, #tpu.memory_space<hbm>> -> memref<128xi32, #tpu.memory_space<hbm>>
        tpu.wait_dma2 semaphore(%run_scoped3A : memref<!tpu.dma_semaphore, #tpu.memory_space<semaphore_mem>>) src(%dma_wait3A_97 : memref<128xi32, #tpu.memory_space<hbm>>) dst(%arg7 : memref<128xi32, #tpu.memory_space<vmem>>)
        tpu.yield
      }) : () -> ()
      "tpu.region"() ({
        %run_scoped3A = tpu.sem_alloc : memref<!tpu.dma_semaphore, #tpu.memory_space<semaphore_mem>>
        %dma_start3A_94 = tpu.memref_slice %arg4[%mul3A_22] : memref<327680xi32, #tpu.memory_space<hbm>> -> memref<128xi32, #tpu.memory_space<hbm>>
        %dma_start3A_95 = tpu.memref_slice %arg4[%mul3A_22] : memref<327680xi32, #tpu.memory_space<hbm>> -> memref<128xi32, #tpu.memory_space<hbm>>
        tpu.enqueue_dma source(%dma_start3A_95 : memref<128xi32, #tpu.memory_space<hbm>>) target(%arg9 : memref<128xi32, #tpu.memory_space<vmem>>) target_semaphore(%run_scoped3A : memref<!tpu.dma_semaphore, #tpu.memory_space<semaphore_mem>>)
        %dma_wait3A_96 = tpu.memref_slice %arg4[%mul3A_22] : memref<327680xi32, #tpu.memory_space<hbm>> -> memref<128xi32, #tpu.memory_space<hbm>>
        %dma_wait3A_97 = tpu.memref_slice %arg4[%mul3A_22] : memref<327680xi32, #tpu.memory_space<hbm>> -> memref<128xi32, #tpu.memory_space<hbm>>
        tpu.wait_dma2 semaphore(%run_scoped3A : memref<!tpu.dma_semaphore, #tpu.memory_space<semaphore_mem>>) src(%dma_wait3A_97 : memref<128xi32, #tpu.memory_space<hbm>>) dst(%arg9 : memref<128xi32, #tpu.memory_space<vmem>>)
        tpu.yield
      }) : () -> ()
      %dma_start3A = arith.constant 0 : i32
      %dma_start3A_23 = arith.constant 0 : i32
      %dma_start3A_24 = arith.constant 0 : i32
      %dma_start3A_25 = tpu.memref_slice %arg11[%dma_start3A, %dma_start3A_23, %dma_start3A_24] : memref<2x128x128xf32, #tpu.memory_space<vmem>> -> memref<1x128x128xf32, #tpu.memory_space<vmem>>
      %dma_start3A_26 = tpu.memref_squeeze %dma_start3A_25 : memref<1x128x128xf32, #tpu.memory_space<vmem>> -> memref<128x128xf32, #tpu.memory_space<vmem>>
      %dma_start3A_27 = arith.constant 0 : i32
      %dma_start3A_28 = arith.constant 0 : i32
      %dma_start3A_29 = tpu.memref_slice %arg2[%dma_start3A_27, %dma_start3A_28] : memref<10000x128xf32, #tpu.memory_space<hbm>> -> memref<10000x128xf32, #tpu.memory_space<hbm>>
      tpu.enqueue_indirect_dma source(%dma_start3A_29 : memref<10000x128xf32, #tpu.memory_space<hbm>>) target(%dma_start3A_26 : memref<128x128xf32, #tpu.memory_space<vmem>>) offsets(%arg7 : memref<128xi32, #tpu.memory_space<vmem>>) semaphore(%arg13 : memref<!tpu.dma_semaphore, #tpu.memory_space<semaphore_mem>>)
      %mul3A_30 = arith.constant 80 : i32
      %mul3A_31 = arith.muli %add3A, %mul3A_30 : i32
      %mul3A_32 = arith.constant 2 : i32
      %mul3A_33 = arith.muli %scan3A_13, %mul3A_32 : i32
      %add3A_34 = arith.addi %mul3A_31, %mul3A_33 : i32
      %add3A_35 = arith.constant 1 : i32
      %add3A_36 = arith.addi %add3A_34, %add3A_35 : i32
      %mul3A_37 = arith.constant 128 : i32
      %mul3A_38 = arith.muli %add3A_36, %mul3A_37 : i32
      "tpu.region"() ({
        %run_scoped3A = tpu.sem_alloc : memref<!tpu.dma_semaphore, #tpu.memory_space<semaphore_mem>>
        %dma_start3A_94 = tpu.memref_slice %arg3[%mul3A_38] : memref<327680xi32, #tpu.memory_space<hbm>> -> memref<128xi32, #tpu.memory_space<hbm>>
        %dma_start3A_95 = tpu.memref_slice %arg3[%mul3A_38] : memref<327680xi32, #tpu.memory_space<hbm>> -> memref<128xi32, #tpu.memory_space<hbm>>
        tpu.enqueue_dma source(%dma_start3A_95 : memref<128xi32, #tpu.memory_space<hbm>>) target(%arg8 : memref<128xi32, #tpu.memory_space<vmem>>) target_semaphore(%run_scoped3A : memref<!tpu.dma_semaphore, #tpu.memory_space<semaphore_mem>>)
        %dma_wait3A_96 = tpu.memref_slice %arg3[%mul3A_38] : memref<327680xi32, #tpu.memory_space<hbm>> -> memref<128xi32, #tpu.memory_space<hbm>>
        %dma_wait3A_97 = tpu.memref_slice %arg3[%mul3A_38] : memref<327680xi32, #tpu.memory_space<hbm>> -> memref<128xi32, #tpu.memory_space<hbm>>
        tpu.wait_dma2 semaphore(%run_scoped3A : memref<!tpu.dma_semaphore, #tpu.memory_space<semaphore_mem>>) src(%dma_wait3A_97 : memref<128xi32, #tpu.memory_space<hbm>>) dst(%arg8 : memref<128xi32, #tpu.memory_space<vmem>>)
        tpu.yield
      }) : () -> ()
      "tpu.region"() ({
        %run_scoped3A = tpu.sem_alloc : memref<!tpu.dma_semaphore, #tpu.memory_space<semaphore_mem>>
        %dma_start3A_94 = tpu.memref_slice %arg4[%mul3A_38] : memref<327680xi32, #tpu.memory_space<hbm>> -> memref<128xi32, #tpu.memory_space<hbm>>
        %dma_start3A_95 = tpu.memref_slice %arg4[%mul3A_38] : memref<327680xi32, #tpu.memory_space<hbm>> -> memref<128xi32, #tpu.memory_space<hbm>>
        tpu.enqueue_dma source(%dma_start3A_95 : memref<128xi32, #tpu.memory_space<hbm>>) target(%arg10 : memref<128xi32, #tpu.memory_space<vmem>>) target_semaphore(%run_scoped3A : memref<!tpu.dma_semaphore, #tpu.memory_space<semaphore_mem>>)
        %dma_wait3A_96 = tpu.memref_slice %arg4[%mul3A_38] : memref<327680xi32, #tpu.memory_space<hbm>> -> memref<128xi32, #tpu.memory_space<hbm>>
        %dma_wait3A_97 = tpu.memref_slice %arg4[%mul3A_38] : memref<327680xi32, #tpu.memory_space<hbm>> -> memref<128xi32, #tpu.memory_space<hbm>>
        tpu.wait_dma2 semaphore(%run_scoped3A : memref<!tpu.dma_semaphore, #tpu.memory_space<semaphore_mem>>) src(%dma_wait3A_97 : memref<128xi32, #tpu.memory_space<hbm>>) dst(%arg10 : memref<128xi32, #tpu.memory_space<vmem>>)
        tpu.yield
      }) : () -> ()
      %dma_start3A_39 = arith.constant 1 : i32
      %dma_start3A_40 = arith.constant 0 : i32
      %dma_start3A_41 = arith.constant 0 : i32
      %dma_start3A_42 = tpu.memref_slice %arg11[%dma_start3A_39, %dma_start3A_40, %dma_start3A_41] : memref<2x128x128xf32, #tpu.memory_space<vmem>> -> memref<1x128x128xf32, #tpu.memory_space<vmem>>
      %dma_start3A_43 = tpu.memref_squeeze %dma_start3A_42 : memref<1x128x128xf32, #tpu.memory_space<vmem>> -> memref<128x128xf32, #tpu.memory_space<vmem>>
      %dma_start3A_44 = arith.constant 0 : i32
      %dma_start3A_45 = arith.constant 0 : i32
      %dma_start3A_46 = tpu.memref_slice %arg2[%dma_start3A_44, %dma_start3A_45] : memref<10000x128xf32, #tpu.memory_space<hbm>> -> memref<10000x128xf32, #tpu.memory_space<hbm>>
      tpu.enqueue_indirect_dma source(%dma_start3A_46 : memref<10000x128xf32, #tpu.memory_space<hbm>>) target(%dma_start3A_43 : memref<128x128xf32, #tpu.memory_space<vmem>>) offsets(%arg8 : memref<128xi32, #tpu.memory_space<vmem>>) semaphore(%arg14 : memref<!tpu.dma_semaphore, #tpu.memory_space<semaphore_mem>>)
      %dma_wait3A = arith.constant 0 : i32
      %dma_wait3A_47 = arith.constant 0 : i32
      %dma_wait3A_48 = arith.constant 0 : i32
      %dma_wait3A_49 = tpu.memref_slice %arg11[%dma_wait3A, %dma_wait3A_47, %dma_wait3A_48] : memref<2x128x128xf32, #tpu.memory_space<vmem>> -> memref<1x128x128xf32, #tpu.memory_space<vmem>>
      %dma_wait3A_50 = tpu.memref_squeeze %dma_wait3A_49 : memref<1x128x128xf32, #tpu.memory_space<vmem>> -> memref<128x128xf32, #tpu.memory_space<vmem>>
      %dma_wait3A_51 = arith.constant 0 : i32
      %dma_wait3A_52 = arith.constant 0 : i32
      %dma_wait3A_53 = tpu.memref_slice %arg2[%dma_wait3A_51, %dma_wait3A_52] : memref<10000x128xf32, #tpu.memory_space<hbm>> -> memref<10000x128xf32, #tpu.memory_space<hbm>>
      tpu.wait_indirect_dma semaphore(%arg13 : memref<!tpu.dma_semaphore, #tpu.memory_space<semaphore_mem>>) src(%dma_wait3A_53 : memref<10000x128xf32, #tpu.memory_space<hbm>>) dst(%dma_wait3A_50 : memref<128x128xf32, #tpu.memory_space<vmem>>)
      %dma_start3A_54 = arith.constant 0 : i32
      %dma_start3A_55 = arith.constant 0 : i32
      %dma_start3A_56 = arith.constant 0 : i32
      %dma_start3A_57 = tpu.memref_slice %arg11[%dma_start3A_54, %dma_start3A_55, %dma_start3A_56] : memref<2x128x128xf32, #tpu.memory_space<vmem>> -> memref<1x128x128xf32, #tpu.memory_space<vmem>>
      %dma_start3A_58 = tpu.memref_squeeze %dma_start3A_57 : memref<1x128x128xf32, #tpu.memory_space<vmem>> -> memref<128x128xf32, #tpu.memory_space<vmem>>
      %dma_start3A_59 = arith.constant 0 : i32
      %dma_start3A_60 = arith.constant 0 : i32
      %dma_start3A_61 = tpu.memref_slice %arg12[%dma_start3A_59, %dma_start3A_60] : memref<10240x128xf32, #tpu.memory_space<vmem_shared>> -> memref<10240x128xf32, #tpu.memory_space<vmem_shared>>
      tpu.enqueue_indirect_dma source(%dma_start3A_58 : memref<128x128xf32, #tpu.memory_space<vmem>>) target(%dma_start3A_61 : memref<10240x128xf32, #tpu.memory_space<vmem_shared>>) offsets(%arg9 : memref<128xi32, #tpu.memory_space<vmem>>) semaphore(%arg15 : memref<!tpu.dma_semaphore, #tpu.memory_space<semaphore_mem>>) {add = true}
      %dma_wait3A_62 = arith.constant 1 : i32
      %dma_wait3A_63 = arith.constant 0 : i32
      %dma_wait3A_64 = arith.constant 0 : i32
      %dma_wait3A_65 = tpu.memref_slice %arg11[%dma_wait3A_62, %dma_wait3A_63, %dma_wait3A_64] : memref<2x128x128xf32, #tpu.memory_space<vmem>> -> memref<1x128x128xf32, #tpu.memory_space<vmem>>
      %dma_wait3A_66 = tpu.memref_squeeze %dma_wait3A_65 : memref<1x128x128xf32, #tpu.memory_space<vmem>> -> memref<128x128xf32, #tpu.memory_space<vmem>>
      %dma_wait3A_67 = arith.constant 0 : i32
      %dma_wait3A_68 = arith.constant 0 : i32
      %dma_wait3A_69 = tpu.memref_slice %arg2[%dma_wait3A_67, %dma_wait3A_68] : memref<10000x128xf32, #tpu.memory_space<hbm>> -> memref<10000x128xf32, #tpu.memory_space<hbm>>
      tpu.wait_indirect_dma semaphore(%arg14 : memref<!tpu.dma_semaphore, #tpu.memory_space<semaphore_mem>>) src(%dma_wait3A_69 : memref<10000x128xf32, #tpu.memory_space<hbm>>) dst(%dma_wait3A_66 : memref<128x128xf32, #tpu.memory_space<vmem>>)
      %dma_start3A_70 = arith.constant 1 : i32
      %dma_start3A_71 = arith.constant 0 : i32
      %dma_start3A_72 = arith.constant 0 : i32
      %dma_start3A_73 = tpu.memref_slice %arg11[%dma_start3A_70, %dma_start3A_71, %dma_start3A_72] : memref<2x128x128xf32, #tpu.memory_space<vmem>> -> memref<1x128x128xf32, #tpu.memory_space<vmem>>
      %dma_start3A_74 = tpu.memref_squeeze %dma_start3A_73 : memref<1x128x128xf32, #tpu.memory_space<vmem>> -> memref<128x128xf32, #tpu.memory_space<vmem>>
      %dma_start3A_75 = arith.constant 0 : i32
      %dma_start3A_76 = arith.constant 0 : i32
      %dma_start3A_77 = tpu.memref_slice %arg12[%dma_start3A_75, %dma_start3A_76] : memref<10240x128xf32, #tpu.memory_space<vmem_shared>> -> memref<10240x128xf32, #tpu.memory_space<vmem_shared>>
      tpu.enqueue_indirect_dma source(%dma_start3A_74 : memref<128x128xf32, #tpu.memory_space<vmem>>) target(%dma_start3A_77 : memref<10240x128xf32, #tpu.memory_space<vmem_shared>>) offsets(%arg10 : memref<128xi32, #tpu.memory_space<vmem>>) semaphore(%arg16 : memref<!tpu.dma_semaphore, #tpu.memory_space<semaphore_mem>>) {add = true}
      %dma_wait3A_78 = arith.constant 0 : i32
      %dma_wait3A_79 = arith.constant 0 : i32
      %dma_wait3A_80 = arith.constant 0 : i32
      %dma_wait3A_81 = tpu.memref_slice %arg11[%dma_wait3A_78, %dma_wait3A_79, %dma_wait3A_80] : memref<2x128x128xf32, #tpu.memory_space<vmem>> -> memref<1x128x128xf32, #tpu.memory_space<vmem>>
      %dma_wait3A_82 = tpu.memref_squeeze %dma_wait3A_81 : memref<1x128x128xf32, #tpu.memory_space<vmem>> -> memref<128x128xf32, #tpu.memory_space<vmem>>
      %dma_wait3A_83 = arith.constant 0 : i32
      %dma_wait3A_84 = arith.constant 0 : i32
      %dma_wait3A_85 = tpu.memref_slice %arg12[%dma_wait3A_83, %dma_wait3A_84] : memref<10240x128xf32, #tpu.memory_space<vmem_shared>> -> memref<10240x128xf32, #tpu.memory_space<vmem_shared>>
      tpu.wait_indirect_dma semaphore(%arg15 : memref<!tpu.dma_semaphore, #tpu.memory_space<semaphore_mem>>) src(%dma_wait3A_82 : memref<128x128xf32, #tpu.memory_space<vmem>>) dst(%dma_wait3A_85 : memref<10240x128xf32, #tpu.memory_space<vmem_shared>>)
      %dma_wait3A_86 = arith.constant 1 : i32
      %dma_wait3A_87 = arith.constant 0 : i32
      %dma_wait3A_88 = arith.constant 0 : i32
      %dma_wait3A_89 = tpu.memref_slice %arg11[%dma_wait3A_86, %dma_wait3A_87, %dma_wait3A_88] : memref<2x128x128xf32, #tpu.memory_space<vmem>> -> memref<1x128x128xf32, #tpu.memory_space<vmem>>
      %dma_wait3A_90 = tpu.memref_squeeze %dma_wait3A_89 : memref<1x128x128xf32, #tpu.memory_space<vmem>> -> memref<128x128xf32, #tpu.memory_space<vmem>>
      %dma_wait3A_91 = arith.constant 0 : i32
      %dma_wait3A_92 = arith.constant 0 : i32
      %dma_wait3A_93 = tpu.memref_slice %arg12[%dma_wait3A_91, %dma_wait3A_92] : memref<10240x128xf32, #tpu.memory_space<vmem_shared>> -> memref<10240x128xf32, #tpu.memory_space<vmem_shared>>
      tpu.wait_indirect_dma semaphore(%arg16 : memref<!tpu.dma_semaphore, #tpu.memory_space<semaphore_mem>>) src(%dma_wait3A_90 : memref<128x128xf32, #tpu.memory_space<vmem>>) dst(%dma_wait3A_93 : memref<10240x128xf32, #tpu.memory_space<vmem_shared>>)
    }
    %scan3A_7 = arith.constant 40 : i32
    %barrier3A_8 = arith.constant 0 : index
    tpu.barrier barrier_id(%barrier3A_8)
    %mul3A_9 = arith.constant 640 : i32
    %mul3A_10 = arith.muli %arg1, %mul3A_9 : i32
    %mul3A_11 = arith.constant 640 : i32
    %mul3A_12 = arith.muli %arg1, %mul3A_11 : i32
    "tpu.region"() ({
      %run_scoped3A = tpu.sem_alloc : memref<!tpu.dma_semaphore, #tpu.memory_space<semaphore_mem>>
      %dma_start3A = arith.constant 0 : i32
      %dma_start3A_13 = tpu.memref_slice %arg6[%arg0, %mul3A_12, %dma_start3A] : memref<2x10240x128xf32, #tpu.memory_space<hbm>> -> memref<1x640x128xf32, #tpu.memory_space<hbm>>
      %dma_start3A_14 = tpu.memref_squeeze %dma_start3A_13 : memref<1x640x128xf32, #tpu.memory_space<hbm>> -> memref<640x128xf32, #tpu.memory_space<hbm>>
      %dma_start3A_15 = arith.constant 0 : i32
      %dma_start3A_16 = tpu.memref_slice %arg12[%mul3A_10, %dma_start3A_15] : memref<10240x128xf32, #tpu.memory_space<vmem_shared>> -> memref<640x128xf32, #tpu.memory_space<vmem_shared>>
      tpu.enqueue_dma source(%dma_start3A_16 : memref<640x128xf32, #tpu.memory_space<vmem_shared>>) target(%dma_start3A_14 : memref<640x128xf32, #tpu.memory_space<hbm>>) target_semaphore(%run_scoped3A : memref<!tpu.dma_semaphore, #tpu.memory_space<semaphore_mem>>)
      %dma_wait3A = arith.constant 0 : i32
      %dma_wait3A_17 = tpu.memref_slice %arg6[%arg0, %mul3A_12, %dma_wait3A] : memref<2x10240x128xf32, #tpu.memory_space<hbm>> -> memref<1x640x128xf32, #tpu.memory_space<hbm>>
      %dma_wait3A_18 = tpu.memref_squeeze %dma_wait3A_17 : memref<1x640x128xf32, #tpu.memory_space<hbm>> -> memref<640x128xf32, #tpu.memory_space<hbm>>
      %dma_wait3A_19 = arith.constant 0 : i32
      %dma_wait3A_20 = tpu.memref_slice %arg12[%mul3A_10, %dma_wait3A_19] : memref<10240x128xf32, #tpu.memory_space<vmem_shared>> -> memref<640x128xf32, #tpu.memory_space<vmem_shared>>
      tpu.wait_dma2 semaphore(%run_scoped3A : memref<!tpu.dma_semaphore, #tpu.memory_space<semaphore_mem>>) src(%dma_wait3A_20 : memref<640x128xf32, #tpu.memory_space<vmem_shared>>) dst(%dma_wait3A_18 : memref<640x128xf32, #tpu.memory_space<hbm>>)
      tpu.yield
    }) : () -> ()
    return
  }
}

#map = affine_map<(d0, d1) -> (0, 0)>
#map1 = affine_map<(d0, d1) -> (0)>
#map2 = affine_map<(d0, d1) -> (0, 0, 0)>
module attributes {stable_mosaic.version = 14 : i64} {
  func.func @_pass_body(%arg0: i32, %arg1: i32, %arg2: memref<10000x128xf32, #tpu.memory_space<hbm>>, %arg3: memref<327680xi32, #tpu.memory_space<hbm>>, %arg4: memref<327680xi32, #tpu.memory_space<hbm>>, %arg5: memref<640x128xf32, #tpu.memory_space<hbm>>, %arg6: memref<2x10240x128xf32, #tpu.memory_space<hbm>>, %arg7: memref<128xi32, #tpu.memory_space<vmem>>, %arg8: memref<128xi32, #tpu.memory_space<vmem>>, %arg9: memref<128xi32, #tpu.memory_space<vmem>>, %arg10: memref<128xi32, #tpu.memory_space<vmem>>, %arg11: memref<2x128x128xf32, #tpu.memory_space<vmem>>, %arg12: memref<10240x128xf32, #tpu.memory_space<vmem_shared>>, %arg13: memref<!tpu.dma_semaphore, #tpu.memory_space<semaphore_mem>>, %arg14: memref<!tpu.dma_semaphore, #tpu.memory_space<semaphore_mem>>, %arg15: memref<!tpu.dma_semaphore, #tpu.memory_space<semaphore_mem>>, %arg16: memref<!tpu.dma_semaphore, #tpu.memory_space<semaphore_mem>>) attributes {dimension_semantics = [#tpu.dimension_semantics<core_parallel>, #tpu.dimension_semantics<subcore_parallel>], iteration_bounds = array<i64: 2, 16>, scalar_prefetch = 0 : i64, scratch_operands = 10 : i64, tpu.core_type = #tpu.core_type<sc_vector_subcore>, window_params = [{transform_indices = #map}, {transform_indices = #map1}, {transform_indices = #map1}, {transform_indices = #map}, {transform_indices = #map2}]} {
    %mul3A = arith.constant 2 : i32
    %mul3A_0 = arith.muli %arg1, %mul3A : i32
    %add3A = arith.addi %mul3A_0, %arg0 : i32
    %mul3A_1 = arith.constant 640 : i32
    %mul3A_2 = arith.muli %arg1, %mul3A_1 : i32
    "tpu.region"() ({
      %run_scoped3A = tpu.sem_alloc : memref<!tpu.dma_semaphore, #tpu.memory_space<semaphore_mem>>
      %dma_start3A = arith.constant 0 : i32
      %dma_start3A_13 = tpu.memref_slice %arg12[%mul3A_2, %dma_start3A] : memref<10240x128xf32, #tpu.memory_space<vmem_shared>> -> memref<640x128xf32, #tpu.memory_space<vmem_shared>>
      tpu.enqueue_dma source(%arg5 : memref<640x128xf32, #tpu.memory_space<hbm>>) target(%dma_start3A_13 : memref<640x128xf32, #tpu.memory_space<vmem_shared>>) target_semaphore(%run_scoped3A : memref<!tpu.dma_semaphore, #tpu.memory_space<semaphore_mem>>)
      %dma_wait3A = arith.constant 0 : i32
      %dma_wait3A_14 = tpu.memref_slice %arg12[%mul3A_2, %dma_wait3A] : memref<10240x128xf32, #tpu.memory_space<vmem_shared>> -> memref<640x128xf32, #tpu.memory_space<vmem_shared>>
      tpu.wait_dma2 semaphore(%run_scoped3A : memref<!tpu.dma_semaphore, #tpu.memory_space<semaphore_mem>>) src(%arg5 : memref<640x128xf32, #tpu.memory_space<hbm>>) dst(%dma_wait3A_14 : memref<640x128xf32, #tpu.memory_space<vmem_shared>>)
      tpu.yield
    }) : () -> ()
    %barrier3A = arith.constant 0 : index
    tpu.barrier barrier_id(%barrier3A)
    %scan3A = arith.constant 0 : i32
    %scan3A_3 = arith.constant 0 : i32
    %scan3A_4 = arith.constant 40 : i32
    %scan3A_5 = arith.addi %scan3A_3, %scan3A_4 : i32
    %scan3A_6 = arith.constant 1 : i32
    scf.for %scan3A_13 = %scan3A_3 to %scan3A_5 step %scan3A_6  : i32 {
      %mul3A_14 = arith.constant 80 : i32
      %mul3A_15 = arith.muli %add3A, %mul3A_14 : i32
      %mul3A_16 = arith.constant 2 : i32
      %mul3A_17 = arith.muli %scan3A_13, %mul3A_16 : i32
      %add3A_18 = arith.addi %mul3A_15, %mul3A_17 : i32
      %add3A_19 = arith.constant 0 : i32
      %add3A_20 = arith.addi %add3A_18, %add3A_19 : i32
      %mul3A_21 = arith.constant 128 : i32
      %mul3A_22 = arith.muli %add3A_20, %mul3A_21 : i32
      "tpu.region"() ({
        %run_scoped3A = tpu.sem_alloc : memref<!tpu.dma_semaphore, #tpu.memory_space<semaphore_mem>>
        %dma_start3A_94 = tpu.memref_slice %arg3[%mul3A_22] : memref<327680xi32, #tpu.memory_space<hbm>> -> memref<128xi32, #tpu.memory_space<hbm>>
        %dma_start3A_95 = tpu.memref_slice %arg3[%mul3A_22] : memref<327680xi32, #tpu.memory_space<hbm>> -> memref<128xi32, #tpu.memory_space<hbm>>
        tpu.enqueue_dma source(%dma_start3A_95 : memref<128xi32, #tpu.memory_space<hbm>>) target(%arg7 : memref<128xi32, #tpu.memory_space<vmem>>) target_semaphore(%run_scoped3A : memref<!tpu.dma_semaphore, #tpu.memory_space<semaphore_mem>>)
        %dma_wait3A_96 = tpu.memref_slice %arg3[%mul3A_22] : memref<327680xi32, #tpu.memory_space<hbm>> -> memref<128xi32, #tpu.memory_space<hbm>>
        %dma_wait3A_97 = tpu.memref_slice %arg3[%mul3A_22] : memref<327680xi32, #tpu.memory_space<hbm>> -> memref<128xi32, #tpu.memory_space<hbm>>
        tpu.wait_dma2 semaphore(%run_scoped3A : memref<!tpu.dma_semaphore, #tpu.memory_space<semaphore_mem>>) src(%dma_wait3A_97 : memref<128xi32, #tpu.memory_space<hbm>>) dst(%arg7 : memref<128xi32, #tpu.memory_space<vmem>>)
        tpu.yield
      }) : () -> ()
      "tpu.region"() ({
        %run_scoped3A = tpu.sem_alloc : memref<!tpu.dma_semaphore, #tpu.memory_space<semaphore_mem>>
        %dma_start3A_94 = tpu.memref_slice %arg4[%mul3A_22] : memref<327680xi32, #tpu.memory_space<hbm>> -> memref<128xi32, #tpu.memory_space<hbm>>
        %dma_start3A_95 = tpu.memref_slice %arg4[%mul3A_22] : memref<327680xi32, #tpu.memory_space<hbm>> -> memref<128xi32, #tpu.memory_space<hbm>>
        tpu.enqueue_dma source(%dma_start3A_95 : memref<128xi32, #tpu.memory_space<hbm>>) target(%arg9 : memref<128xi32, #tpu.memory_space<vmem>>) target_semaphore(%run_scoped3A : memref<!tpu.dma_semaphore, #tpu.memory_space<semaphore_mem>>)
        %dma_wait3A_96 = tpu.memref_slice %arg4[%mul3A_22] : memref<327680xi32, #tpu.memory_space<hbm>> -> memref<128xi32, #tpu.memory_space<hbm>>
        %dma_wait3A_97 = tpu.memref_slice %arg4[%mul3A_22] : memref<327680xi32, #tpu.memory_space<hbm>> -> memref<128xi32, #tpu.memory_space<hbm>>
        tpu.wait_dma2 semaphore(%run_scoped3A : memref<!tpu.dma_semaphore, #tpu.memory_space<semaphore_mem>>) src(%dma_wait3A_97 : memref<128xi32, #tpu.memory_space<hbm>>) dst(%arg9 : memref<128xi32, #tpu.memory_space<vmem>>)
        tpu.yield
      }) : () -> ()
      %dma_start3A = arith.constant 0 : i32
      %dma_start3A_23 = arith.constant 0 : i32
      %dma_start3A_24 = arith.constant 0 : i32
      %dma_start3A_25 = tpu.memref_slice %arg11[%dma_start3A, %dma_start3A_23, %dma_start3A_24] : memref<2x128x128xf32, #tpu.memory_space<vmem>> -> memref<1x128x128xf32, #tpu.memory_space<vmem>>
      %dma_start3A_26 = tpu.memref_squeeze %dma_start3A_25 : memref<1x128x128xf32, #tpu.memory_space<vmem>> -> memref<128x128xf32, #tpu.memory_space<vmem>>
      %dma_start3A_27 = arith.constant 0 : i32
      %dma_start3A_28 = arith.constant 0 : i32
      %dma_start3A_29 = tpu.memref_slice %arg2[%dma_start3A_27, %dma_start3A_28] : memref<10000x128xf32, #tpu.memory_space<hbm>> -> memref<10000x128xf32, #tpu.memory_space<hbm>>
      tpu.enqueue_indirect_dma source(%dma_start3A_29 : memref<10000x128xf32, #tpu.memory_space<hbm>>) target(%dma_start3A_26 : memref<128x128xf32, #tpu.memory_space<vmem>>) offsets(%arg7 : memref<128xi32, #tpu.memory_space<vmem>>) semaphore(%arg13 : memref<!tpu.dma_semaphore, #tpu.memory_space<semaphore_mem>>)
      %mul3A_30 = arith.constant 80 : i32
      %mul3A_31 = arith.muli %add3A, %mul3A_30 : i32
      %mul3A_32 = arith.constant 2 : i32
      %mul3A_33 = arith.muli %scan3A_13, %mul3A_32 : i32
      %add3A_34 = arith.addi %mul3A_31, %mul3A_33 : i32
      %add3A_35 = arith.constant 1 : i32
      %add3A_36 = arith.addi %add3A_34, %add3A_35 : i32
      %mul3A_37 = arith.constant 128 : i32
      %mul3A_38 = arith.muli %add3A_36, %mul3A_37 : i32
      "tpu.region"() ({
        %run_scoped3A = tpu.sem_alloc : memref<!tpu.dma_semaphore, #tpu.memory_space<semaphore_mem>>
        %dma_start3A_94 = tpu.memref_slice %arg3[%mul3A_38] : memref<327680xi32, #tpu.memory_space<hbm>> -> memref<128xi32, #tpu.memory_space<hbm>>
        %dma_start3A_95 = tpu.memref_slice %arg3[%mul3A_38] : memref<327680xi32, #tpu.memory_space<hbm>> -> memref<128xi32, #tpu.memory_space<hbm>>
        tpu.enqueue_dma source(%dma_start3A_95 : memref<128xi32, #tpu.memory_space<hbm>>) target(%arg8 : memref<128xi32, #tpu.memory_space<vmem>>) target_semaphore(%run_scoped3A : memref<!tpu.dma_semaphore, #tpu.memory_space<semaphore_mem>>)
        %dma_wait3A_96 = tpu.memref_slice %arg3[%mul3A_38] : memref<327680xi32, #tpu.memory_space<hbm>> -> memref<128xi32, #tpu.memory_space<hbm>>
        %dma_wait3A_97 = tpu.memref_slice %arg3[%mul3A_38] : memref<327680xi32, #tpu.memory_space<hbm>> -> memref<128xi32, #tpu.memory_space<hbm>>
        tpu.wait_dma2 semaphore(%run_scoped3A : memref<!tpu.dma_semaphore, #tpu.memory_space<semaphore_mem>>) src(%dma_wait3A_97 : memref<128xi32, #tpu.memory_space<hbm>>) dst(%arg8 : memref<128xi32, #tpu.memory_space<vmem>>)
        tpu.yield
      }) : () -> ()
      "tpu.region"() ({
        %run_scoped3A = tpu.sem_alloc : memref<!tpu.dma_semaphore, #tpu.memory_space<semaphore_mem>>
        %dma_start3A_94 = tpu.memref_slice %arg4[%mul3A_38] : memref<327680xi32, #tpu.memory_space<hbm>> -> memref<128xi32, #tpu.memory_space<hbm>>
        %dma_start3A_95 = tpu.memref_slice %arg4[%mul3A_38] : memref<327680xi32, #tpu.memory_space<hbm>> -> memref<128xi32, #tpu.memory_space<hbm>>
        tpu.enqueue_dma source(%dma_start3A_95 : memref<128xi32, #tpu.memory_space<hbm>>) target(%arg10 : memref<128xi32, #tpu.memory_space<vmem>>) target_semaphore(%run_scoped3A : memref<!tpu.dma_semaphore, #tpu.memory_space<semaphore_mem>>)
        %dma_wait3A_96 = tpu.memref_slice %arg4[%mul3A_38] : memref<327680xi32, #tpu.memory_space<hbm>> -> memref<128xi32, #tpu.memory_space<hbm>>
        %dma_wait3A_97 = tpu.memref_slice %arg4[%mul3A_38] : memref<327680xi32, #tpu.memory_space<hbm>> -> memref<128xi32, #tpu.memory_space<hbm>>
        tpu.wait_dma2 semaphore(%run_scoped3A : memref<!tpu.dma_semaphore, #tpu.memory_space<semaphore_mem>>) src(%dma_wait3A_97 : memref<128xi32, #tpu.memory_space<hbm>>) dst(%arg10 : memref<128xi32, #tpu.memory_space<vmem>>)
        tpu.yield
      }) : () -> ()
      %dma_start3A_39 = arith.constant 1 : i32
      %dma_start3A_40 = arith.constant 0 : i32
      %dma_start3A_41 = arith.constant 0 : i32
      %dma_start3A_42 = tpu.memref_slice %arg11[%dma_start3A_39, %dma_start3A_40, %dma_start3A_41] : memref<2x128x128xf32, #tpu.memory_space<vmem>> -> memref<1x128x128xf32, #tpu.memory_space<vmem>>
      %dma_start3A_43 = tpu.memref_squeeze %dma_start3A_42 : memref<1x128x128xf32, #tpu.memory_space<vmem>> -> memref<128x128xf32, #tpu.memory_space<vmem>>
      %dma_start3A_44 = arith.constant 0 : i32
      %dma_start3A_45 = arith.constant 0 : i32
      %dma_start3A_46 = tpu.memref_slice %arg2[%dma_start3A_44, %dma_start3A_45] : memref<10000x128xf32, #tpu.memory_space<hbm>> -> memref<10000x128xf32, #tpu.memory_space<hbm>>
      tpu.enqueue_indirect_dma source(%dma_start3A_46 : memref<10000x128xf32, #tpu.memory_space<hbm>>) target(%dma_start3A_43 : memref<128x128xf32, #tpu.memory_space<vmem>>) offsets(%arg8 : memref<128xi32, #tpu.memory_space<vmem>>) semaphore(%arg14 : memref<!tpu.dma_semaphore, #tpu.memory_space<semaphore_mem>>)
      %dma_wait3A = arith.constant 0 : i32
      %dma_wait3A_47 = arith.constant 0 : i32
      %dma_wait3A_48 = arith.constant 0 : i32
      %dma_wait3A_49 = tpu.memref_slice %arg11[%dma_wait3A, %dma_wait3A_47, %dma_wait3A_48] : memref<2x128x128xf32, #tpu.memory_space<vmem>> -> memref<1x128x128xf32, #tpu.memory_space<vmem>>
      %dma_wait3A_50 = tpu.memref_squeeze %dma_wait3A_49 : memref<1x128x128xf32, #tpu.memory_space<vmem>> -> memref<128x128xf32, #tpu.memory_space<vmem>>
      %dma_wait3A_51 = arith.constant 0 : i32
      %dma_wait3A_52 = arith.constant 0 : i32
      %dma_wait3A_53 = tpu.memref_slice %arg2[%dma_wait3A_51, %dma_wait3A_52] : memref<10000x128xf32, #tpu.memory_space<hbm>> -> memref<10000x128xf32, #tpu.memory_space<hbm>>
      tpu.wait_indirect_dma semaphore(%arg13 : memref<!tpu.dma_semaphore, #tpu.memory_space<semaphore_mem>>) src(%dma_wait3A_53 : memref<10000x128xf32, #tpu.memory_space<hbm>>) dst(%dma_wait3A_50 : memref<128x128xf32, #tpu.memory_space<vmem>>)
      %dma_start3A_54 = arith.constant 0 : i32
      %dma_start3A_55 = arith.constant 0 : i32
      %dma_start3A_56 = arith.constant 0 : i32
      %dma_start3A_57 = tpu.memref_slice %arg11[%dma_start3A_54, %dma_start3A_55, %dma_start3A_56] : memref<2x128x128xf32, #tpu.memory_space<vmem>> -> memref<1x128x128xf32, #tpu.memory_space<vmem>>
      %dma_start3A_58 = tpu.memref_squeeze %dma_start3A_57 : memref<1x128x128xf32, #tpu.memory_space<vmem>> -> memref<128x128xf32, #tpu.memory_space<vmem>>
      %dma_start3A_59 = arith.constant 0 : i32
      %dma_start3A_60 = arith.constant 0 : i32
      %dma_start3A_61 = tpu.memref_slice %arg12[%dma_start3A_59, %dma_start3A_60] : memref<10240x128xf32, #tpu.memory_space<vmem_shared>> -> memref<10240x128xf32, #tpu.memory_space<vmem_shared>>
      tpu.enqueue_indirect_dma source(%dma_start3A_58 : memref<128x128xf32, #tpu.memory_space<vmem>>) target(%dma_start3A_61 : memref<10240x128xf32, #tpu.memory_space<vmem_shared>>) offsets(%arg9 : memref<128xi32, #tpu.memory_space<vmem>>) semaphore(%arg15 : memref<!tpu.dma_semaphore, #tpu.memory_space<semaphore_mem>>) {add = true}
      %dma_wait3A_62 = arith.constant 1 : i32
      %dma_wait3A_63 = arith.constant 0 : i32
      %dma_wait3A_64 = arith.constant 0 : i32
      %dma_wait3A_65 = tpu.memref_slice %arg11[%dma_wait3A_62, %dma_wait3A_63, %dma_wait3A_64] : memref<2x128x128xf32, #tpu.memory_space<vmem>> -> memref<1x128x128xf32, #tpu.memory_space<vmem>>
      %dma_wait3A_66 = tpu.memref_squeeze %dma_wait3A_65 : memref<1x128x128xf32, #tpu.memory_space<vmem>> -> memref<128x128xf32, #tpu.memory_space<vmem>>
      %dma_wait3A_67 = arith.constant 0 : i32
      %dma_wait3A_68 = arith.constant 0 : i32
      %dma_wait3A_69 = tpu.memref_slice %arg2[%dma_wait3A_67, %dma_wait3A_68] : memref<10000x128xf32, #tpu.memory_space<hbm>> -> memref<10000x128xf32, #tpu.memory_space<hbm>>
      tpu.wait_indirect_dma semaphore(%arg14 : memref<!tpu.dma_semaphore, #tpu.memory_space<semaphore_mem>>) src(%dma_wait3A_69 : memref<10000x128xf32, #tpu.memory_space<hbm>>) dst(%dma_wait3A_66 : memref<128x128xf32, #tpu.memory_space<vmem>>)
      %dma_start3A_70 = arith.constant 1 : i32
      %dma_start3A_71 = arith.constant 0 : i32
      %dma_start3A_72 = arith.constant 0 : i32
      %dma_start3A_73 = tpu.memref_slice %arg11[%dma_start3A_70, %dma_start3A_71, %dma_start3A_72] : memref<2x128x128xf32, #tpu.memory_space<vmem>> -> memref<1x128x128xf32, #tpu.memory_space<vmem>>
      %dma_start3A_74 = tpu.memref_squeeze %dma_start3A_73 : memref<1x128x128xf32, #tpu.memory_space<vmem>> -> memref<128x128xf32, #tpu.memory_space<vmem>>
      %dma_start3A_75 = arith.constant 0 : i32
      %dma_start3A_76 = arith.constant 0 : i32
      %dma_start3A_77 = tpu.memref_slice %arg12[%dma_start3A_75, %dma_start3A_76] : memref<10240x128xf32, #tpu.memory_space<vmem_shared>> -> memref<10240x128xf32, #tpu.memory_space<vmem_shared>>
      tpu.enqueue_indirect_dma source(%dma_start3A_74 : memref<128x128xf32, #tpu.memory_space<vmem>>) target(%dma_start3A_77 : memref<10240x128xf32, #tpu.memory_space<vmem_shared>>) offsets(%arg10 : memref<128xi32, #tpu.memory_space<vmem>>) semaphore(%arg16 : memref<!tpu.dma_semaphore, #tpu.memory_space<semaphore_mem>>) {add = true}
      %dma_wait3A_78 = arith.constant 0 : i32
      %dma_wait3A_79 = arith.constant 0 : i32
      %dma_wait3A_80 = arith.constant 0 : i32
      %dma_wait3A_81 = tpu.memref_slice %arg11[%dma_wait3A_78, %dma_wait3A_79, %dma_wait3A_80] : memref<2x128x128xf32, #tpu.memory_space<vmem>> -> memref<1x128x128xf32, #tpu.memory_space<vmem>>
      %dma_wait3A_82 = tpu.memref_squeeze %dma_wait3A_81 : memref<1x128x128xf32, #tpu.memory_space<vmem>> -> memref<128x128xf32, #tpu.memory_space<vmem>>
      %dma_wait3A_83 = arith.constant 0 : i32
      %dma_wait3A_84 = arith.constant 0 : i32
      %dma_wait3A_85 = tpu.memref_slice %arg12[%dma_wait3A_83, %dma_wait3A_84] : memref<10240x128xf32, #tpu.memory_space<vmem_shared>> -> memref<10240x128xf32, #tpu.memory_space<vmem_shared>>
      tpu.wait_indirect_dma semaphore(%arg15 : memref<!tpu.dma_semaphore, #tpu.memory_space<semaphore_mem>>) src(%dma_wait3A_82 : memref<128x128xf32, #tpu.memory_space<vmem>>) dst(%dma_wait3A_85 : memref<10240x128xf32, #tpu.memory_space<vmem_shared>>)
      %dma_wait3A_86 = arith.constant 1 : i32
      %dma_wait3A_87 = arith.constant 0 : i32
      %dma_wait3A_88 = arith.constant 0 : i32
      %dma_wait3A_89 = tpu.memref_slice %arg11[%dma_wait3A_86, %dma_wait3A_87, %dma_wait3A_88] : memref<2x128x128xf32, #tpu.memory_space<vmem>> -> memref<1x128x128xf32, #tpu.memory_space<vmem>>
      %dma_wait3A_90 = tpu.memref_squeeze %dma_wait3A_89 : memref<1x128x128xf32, #tpu.memory_space<vmem>> -> memref<128x128xf32, #tpu.memory_space<vmem>>
      %dma_wait3A_91 = arith.constant 0 : i32
      %dma_wait3A_92 = arith.constant 0 : i32
      %dma_wait3A_93 = tpu.memref_slice %arg12[%dma_wait3A_91, %dma_wait3A_92] : memref<10240x128xf32, #tpu.memory_space<vmem_shared>> -> memref<10240x128xf32, #tpu.memory_space<vmem_shared>>
      tpu.wait_indirect_dma semaphore(%arg16 : memref<!tpu.dma_semaphore, #tpu.memory_space<semaphore_mem>>) src(%dma_wait3A_90 : memref<128x128xf32, #tpu.memory_space<vmem>>) dst(%dma_wait3A_93 : memref<10240x128xf32, #tpu.memory_space<vmem_shared>>)
    }
    %scan3A_7 = arith.constant 40 : i32
    %barrier3A_8 = arith.constant 0 : index
    tpu.barrier barrier_id(%barrier3A_8)
    %mul3A_9 = arith.constant 640 : i32
    %mul3A_10 = arith.muli %arg1, %mul3A_9 : i32
    %mul3A_11 = arith.constant 640 : i32
    %mul3A_12 = arith.muli %arg1, %mul3A_11 : i32
    "tpu.region"() ({
      %run_scoped3A = tpu.sem_alloc : memref<!tpu.dma_semaphore, #tpu.memory_space<semaphore_mem>>
      %dma_start3A = arith.constant 0 : i32
      %dma_start3A_13 = tpu.memref_slice %arg6[%arg0, %mul3A_12, %dma_start3A] : memref<2x10240x128xf32, #tpu.memory_space<hbm>> -> memref<1x640x128xf32, #tpu.memory_space<hbm>>
      %dma_start3A_14 = tpu.memref_squeeze %dma_start3A_13 : memref<1x640x128xf32, #tpu.memory_space<hbm>> -> memref<640x128xf32, #tpu.memory_space<hbm>>
      %dma_start3A_15 = arith.constant 0 : i32
      %dma_start3A_16 = tpu.memref_slice %arg12[%mul3A_10, %dma_start3A_15] : memref<10240x128xf32, #tpu.memory_space<vmem_shared>> -> memref<640x128xf32, #tpu.memory_space<vmem_shared>>
      tpu.enqueue_dma source(%dma_start3A_16 : memref<640x128xf32, #tpu.memory_space<vmem_shared>>) target(%dma_start3A_14 : memref<640x128xf32, #tpu.memory_space<hbm>>) target_semaphore(%run_scoped3A : memref<!tpu.dma_semaphore, #tpu.memory_space<semaphore_mem>>)
      %dma_wait3A = arith.constant 0 : i32
      %dma_wait3A_17 = tpu.memref_slice %arg6[%arg0, %mul3A_12, %dma_wait3A] : memref<2x10240x128xf32, #tpu.memory_space<hbm>> -> memref<1x640x128xf32, #tpu.memory_space<hbm>>
      %dma_wait3A_18 = tpu.memref_squeeze %dma_wait3A_17 : memref<1x640x128xf32, #tpu.memory_space<hbm>> -> memref<640x128xf32, #tpu.memory_space<hbm>>
      %dma_wait3A_19 = arith.constant 0 : i32
      %dma_wait3A_20 = tpu.memref_slice %arg12[%mul3A_10, %dma_wait3A_19] : memref<10240x128xf32, #tpu.memory_space<vmem_shared>> -> memref<640x128xf32, #tpu.memory_space<vmem_shared>>
      tpu.wait_dma2 semaphore(%run_scoped3A : memref<!tpu.dma_semaphore, #tpu.memory_space<semaphore_mem>>) src(%dma_wait3A_20 : memref<640x128xf32, #tpu.memory_space<vmem_shared>>) dst(%dma_wait3A_18 : memref<640x128xf32, #tpu.memory_space<hbm>>)
      tpu.yield
    }) : () -> ()
    return
  }
}

#map = affine_map<(d0, d1) -> (0, 0)>
#map1 = affine_map<(d0, d1) -> (0)>
#map2 = affine_map<(d0, d1) -> (0, 0, 0)>
module attributes {stable_mosaic.version = 14 : i64} {
  func.func @_pass_body(%arg0: i32, %arg1: i32, %arg2: memref<10000x128xf32, #tpu.memory_space<hbm>>, %arg3: memref<327680xi32, #tpu.memory_space<hbm>>, %arg4: memref<327680xi32, #tpu.memory_space<hbm>>, %arg5: memref<640x128xf32, #tpu.memory_space<hbm>>, %arg6: memref<2x10240x128xf32, #tpu.memory_space<hbm>>, %arg7: memref<128xi32, #tpu.memory_space<vmem>>, %arg8: memref<128xi32, #tpu.memory_space<vmem>>, %arg9: memref<128xi32, #tpu.memory_space<vmem>>, %arg10: memref<128xi32, #tpu.memory_space<vmem>>, %arg11: memref<2x128x128xf32, #tpu.memory_space<vmem>>, %arg12: memref<10240x128xf32, #tpu.memory_space<vmem_shared>>, %arg13: memref<!tpu.dma_semaphore, #tpu.memory_space<semaphore_mem>>, %arg14: memref<!tpu.dma_semaphore, #tpu.memory_space<semaphore_mem>>, %arg15: memref<!tpu.dma_semaphore, #tpu.memory_space<semaphore_mem>>, %arg16: memref<!tpu.dma_semaphore, #tpu.memory_space<semaphore_mem>>) attributes {dimension_semantics = [#tpu.dimension_semantics<core_parallel>, #tpu.dimension_semantics<subcore_parallel>], iteration_bounds = array<i64: 2, 16>, scalar_prefetch = 0 : i64, scratch_operands = 10 : i64, tpu.core_type = #tpu.core_type<sc_vector_subcore>, window_params = [{transform_indices = #map}, {transform_indices = #map1}, {transform_indices = #map1}, {transform_indices = #map}, {transform_indices = #map2}]} {
    %mul3A = arith.constant 2 : i32
    %mul3A_0 = arith.muli %arg1, %mul3A : i32
    %add3A = arith.addi %mul3A_0, %arg0 : i32
    %mul3A_1 = arith.constant 640 : i32
    %mul3A_2 = arith.muli %arg1, %mul3A_1 : i32
    "tpu.region"() ({
      %run_scoped3A = tpu.sem_alloc : memref<!tpu.dma_semaphore, #tpu.memory_space<semaphore_mem>>
      %dma_start3A = arith.constant 0 : i32
      %dma_start3A_13 = tpu.memref_slice %arg12[%mul3A_2, %dma_start3A] : memref<10240x128xf32, #tpu.memory_space<vmem_shared>> -> memref<640x128xf32, #tpu.memory_space<vmem_shared>>
      tpu.enqueue_dma source(%arg5 : memref<640x128xf32, #tpu.memory_space<hbm>>) target(%dma_start3A_13 : memref<640x128xf32, #tpu.memory_space<vmem_shared>>) target_semaphore(%run_scoped3A : memref<!tpu.dma_semaphore, #tpu.memory_space<semaphore_mem>>)
      %dma_wait3A = arith.constant 0 : i32
      %dma_wait3A_14 = tpu.memref_slice %arg12[%mul3A_2, %dma_wait3A] : memref<10240x128xf32, #tpu.memory_space<vmem_shared>> -> memref<640x128xf32, #tpu.memory_space<vmem_shared>>
      tpu.wait_dma2 semaphore(%run_scoped3A : memref<!tpu.dma_semaphore, #tpu.memory_space<semaphore_mem>>) src(%arg5 : memref<640x128xf32, #tpu.memory_space<hbm>>) dst(%dma_wait3A_14 : memref<640x128xf32, #tpu.memory_space<vmem_shared>>)
      tpu.yield
    }) : () -> ()
    %barrier3A = arith.constant 0 : index
    tpu.barrier barrier_id(%barrier3A)
    %scan3A = arith.constant 0 : i32
    %scan3A_3 = arith.constant 0 : i32
    %scan3A_4 = arith.constant 40 : i32
    %scan3A_5 = arith.addi %scan3A_3, %scan3A_4 : i32
    %scan3A_6 = arith.constant 1 : i32
    scf.for %scan3A_13 = %scan3A_3 to %scan3A_5 step %scan3A_6  : i32 {
      %mul3A_14 = arith.constant 80 : i32
      %mul3A_15 = arith.muli %add3A, %mul3A_14 : i32
      %mul3A_16 = arith.constant 2 : i32
      %mul3A_17 = arith.muli %scan3A_13, %mul3A_16 : i32
      %add3A_18 = arith.addi %mul3A_15, %mul3A_17 : i32
      %add3A_19 = arith.constant 0 : i32
      %add3A_20 = arith.addi %add3A_18, %add3A_19 : i32
      %mul3A_21 = arith.constant 128 : i32
      %mul3A_22 = arith.muli %add3A_20, %mul3A_21 : i32
      "tpu.region"() ({
        %run_scoped3A = tpu.sem_alloc : memref<!tpu.dma_semaphore, #tpu.memory_space<semaphore_mem>>
        %dma_start3A_94 = tpu.memref_slice %arg3[%mul3A_22] : memref<327680xi32, #tpu.memory_space<hbm>> -> memref<128xi32, #tpu.memory_space<hbm>>
        %dma_start3A_95 = tpu.memref_slice %arg3[%mul3A_22] : memref<327680xi32, #tpu.memory_space<hbm>> -> memref<128xi32, #tpu.memory_space<hbm>>
        tpu.enqueue_dma source(%dma_start3A_95 : memref<128xi32, #tpu.memory_space<hbm>>) target(%arg7 : memref<128xi32, #tpu.memory_space<vmem>>) target_semaphore(%run_scoped3A : memref<!tpu.dma_semaphore, #tpu.memory_space<semaphore_mem>>)
        %dma_wait3A_96 = tpu.memref_slice %arg3[%mul3A_22] : memref<327680xi32, #tpu.memory_space<hbm>> -> memref<128xi32, #tpu.memory_space<hbm>>
        %dma_wait3A_97 = tpu.memref_slice %arg3[%mul3A_22] : memref<327680xi32, #tpu.memory_space<hbm>> -> memref<128xi32, #tpu.memory_space<hbm>>
        tpu.wait_dma2 semaphore(%run_scoped3A : memref<!tpu.dma_semaphore, #tpu.memory_space<semaphore_mem>>) src(%dma_wait3A_97 : memref<128xi32, #tpu.memory_space<hbm>>) dst(%arg7 : memref<128xi32, #tpu.memory_space<vmem>>)
        tpu.yield
      }) : () -> ()
      "tpu.region"() ({
        %run_scoped3A = tpu.sem_alloc : memref<!tpu.dma_semaphore, #tpu.memory_space<semaphore_mem>>
        %dma_start3A_94 = tpu.memref_slice %arg4[%mul3A_22] : memref<327680xi32, #tpu.memory_space<hbm>> -> memref<128xi32, #tpu.memory_space<hbm>>
        %dma_start3A_95 = tpu.memref_slice %arg4[%mul3A_22] : memref<327680xi32, #tpu.memory_space<hbm>> -> memref<128xi32, #tpu.memory_space<hbm>>
        tpu.enqueue_dma source(%dma_start3A_95 : memref<128xi32, #tpu.memory_space<hbm>>) target(%arg9 : memref<128xi32, #tpu.memory_space<vmem>>) target_semaphore(%run_scoped3A : memref<!tpu.dma_semaphore, #tpu.memory_space<semaphore_mem>>)
        %dma_wait3A_96 = tpu.memref_slice %arg4[%mul3A_22] : memref<327680xi32, #tpu.memory_space<hbm>> -> memref<128xi32, #tpu.memory_space<hbm>>
        %dma_wait3A_97 = tpu.memref_slice %arg4[%mul3A_22] : memref<327680xi32, #tpu.memory_space<hbm>> -> memref<128xi32, #tpu.memory_space<hbm>>
        tpu.wait_dma2 semaphore(%run_scoped3A : memref<!tpu.dma_semaphore, #tpu.memory_space<semaphore_mem>>) src(%dma_wait3A_97 : memref<128xi32, #tpu.memory_space<hbm>>) dst(%arg9 : memref<128xi32, #tpu.memory_space<vmem>>)
        tpu.yield
      }) : () -> ()
      %dma_start3A = arith.constant 0 : i32
      %dma_start3A_23 = arith.constant 0 : i32
      %dma_start3A_24 = arith.constant 0 : i32
      %dma_start3A_25 = tpu.memref_slice %arg11[%dma_start3A, %dma_start3A_23, %dma_start3A_24] : memref<2x128x128xf32, #tpu.memory_space<vmem>> -> memref<1x128x128xf32, #tpu.memory_space<vmem>>
      %dma_start3A_26 = tpu.memref_squeeze %dma_start3A_25 : memref<1x128x128xf32, #tpu.memory_space<vmem>> -> memref<128x128xf32, #tpu.memory_space<vmem>>
      %dma_start3A_27 = arith.constant 0 : i32
      %dma_start3A_28 = arith.constant 0 : i32
      %dma_start3A_29 = tpu.memref_slice %arg2[%dma_start3A_27, %dma_start3A_28] : memref<10000x128xf32, #tpu.memory_space<hbm>> -> memref<10000x128xf32, #tpu.memory_space<hbm>>
      tpu.enqueue_indirect_dma source(%dma_start3A_29 : memref<10000x128xf32, #tpu.memory_space<hbm>>) target(%dma_start3A_26 : memref<128x128xf32, #tpu.memory_space<vmem>>) offsets(%arg7 : memref<128xi32, #tpu.memory_space<vmem>>) semaphore(%arg13 : memref<!tpu.dma_semaphore, #tpu.memory_space<semaphore_mem>>)
      %mul3A_30 = arith.constant 80 : i32
      %mul3A_31 = arith.muli %add3A, %mul3A_30 : i32
      %mul3A_32 = arith.constant 2 : i32
      %mul3A_33 = arith.muli %scan3A_13, %mul3A_32 : i32
      %add3A_34 = arith.addi %mul3A_31, %mul3A_33 : i32
      %add3A_35 = arith.constant 1 : i32
      %add3A_36 = arith.addi %add3A_34, %add3A_35 : i32
      %mul3A_37 = arith.constant 128 : i32
      %mul3A_38 = arith.muli %add3A_36, %mul3A_37 : i32
      "tpu.region"() ({
        %run_scoped3A = tpu.sem_alloc : memref<!tpu.dma_semaphore, #tpu.memory_space<semaphore_mem>>
        %dma_start3A_94 = tpu.memref_slice %arg3[%mul3A_38] : memref<327680xi32, #tpu.memory_space<hbm>> -> memref<128xi32, #tpu.memory_space<hbm>>
        %dma_start3A_95 = tpu.memref_slice %arg3[%mul3A_38] : memref<327680xi32, #tpu.memory_space<hbm>> -> memref<128xi32, #tpu.memory_space<hbm>>
        tpu.enqueue_dma source(%dma_start3A_95 : memref<128xi32, #tpu.memory_space<hbm>>) target(%arg8 : memref<128xi32, #tpu.memory_space<vmem>>) target_semaphore(%run_scoped3A : memref<!tpu.dma_semaphore, #tpu.memory_space<semaphore_mem>>)
        %dma_wait3A_96 = tpu.memref_slice %arg3[%mul3A_38] : memref<327680xi32, #tpu.memory_space<hbm>> -> memref<128xi32, #tpu.memory_space<hbm>>
        %dma_wait3A_97 = tpu.memref_slice %arg3[%mul3A_38] : memref<327680xi32, #tpu.memory_space<hbm>> -> memref<128xi32, #tpu.memory_space<hbm>>
        tpu.wait_dma2 semaphore(%run_scoped3A : memref<!tpu.dma_semaphore, #tpu.memory_space<semaphore_mem>>) src(%dma_wait3A_97 : memref<128xi32, #tpu.memory_space<hbm>>) dst(%arg8 : memref<128xi32, #tpu.memory_space<vmem>>)
        tpu.yield
      }) : () -> ()
      "tpu.region"() ({
        %run_scoped3A = tpu.sem_alloc : memref<!tpu.dma_semaphore, #tpu.memory_space<semaphore_mem>>
        %dma_start3A_94 = tpu.memref_slice %arg4[%mul3A_38] : memref<327680xi32, #tpu.memory_space<hbm>> -> memref<128xi32, #tpu.memory_space<hbm>>
        %dma_start3A_95 = tpu.memref_slice %arg4[%mul3A_38] : memref<327680xi32, #tpu.memory_space<hbm>> -> memref<128xi32, #tpu.memory_space<hbm>>
        tpu.enqueue_dma source(%dma_start3A_95 : memref<128xi32, #tpu.memory_space<hbm>>) target(%arg10 : memref<128xi32, #tpu.memory_space<vmem>>) target_semaphore(%run_scoped3A : memref<!tpu.dma_semaphore, #tpu.memory_space<semaphore_mem>>)
        %dma_wait3A_96 = tpu.memref_slice %arg4[%mul3A_38] : memref<327680xi32, #tpu.memory_space<hbm>> -> memref<128xi32, #tpu.memory_space<hbm>>
        %dma_wait3A_97 = tpu.memref_slice %arg4[%mul3A_38] : memref<327680xi32, #tpu.memory_space<hbm>> -> memref<128xi32, #tpu.memory_space<hbm>>
        tpu.wait_dma2 semaphore(%run_scoped3A : memref<!tpu.dma_semaphore, #tpu.memory_space<semaphore_mem>>) src(%dma_wait3A_97 : memref<128xi32, #tpu.memory_space<hbm>>) dst(%arg10 : memref<128xi32, #tpu.memory_space<vmem>>)
        tpu.yield
      }) : () -> ()
      %dma_start3A_39 = arith.constant 1 : i32
      %dma_start3A_40 = arith.constant 0 : i32
      %dma_start3A_41 = arith.constant 0 : i32
      %dma_start3A_42 = tpu.memref_slice %arg11[%dma_start3A_39, %dma_start3A_40, %dma_start3A_41] : memref<2x128x128xf32, #tpu.memory_space<vmem>> -> memref<1x128x128xf32, #tpu.memory_space<vmem>>
      %dma_start3A_43 = tpu.memref_squeeze %dma_start3A_42 : memref<1x128x128xf32, #tpu.memory_space<vmem>> -> memref<128x128xf32, #tpu.memory_space<vmem>>
      %dma_start3A_44 = arith.constant 0 : i32
      %dma_start3A_45 = arith.constant 0 : i32
      %dma_start3A_46 = tpu.memref_slice %arg2[%dma_start3A_44, %dma_start3A_45] : memref<10000x128xf32, #tpu.memory_space<hbm>> -> memref<10000x128xf32, #tpu.memory_space<hbm>>
      tpu.enqueue_indirect_dma source(%dma_start3A_46 : memref<10000x128xf32, #tpu.memory_space<hbm>>) target(%dma_start3A_43 : memref<128x128xf32, #tpu.memory_space<vmem>>) offsets(%arg8 : memref<128xi32, #tpu.memory_space<vmem>>) semaphore(%arg14 : memref<!tpu.dma_semaphore, #tpu.memory_space<semaphore_mem>>)
      %dma_wait3A = arith.constant 0 : i32
      %dma_wait3A_47 = arith.constant 0 : i32
      %dma_wait3A_48 = arith.constant 0 : i32
      %dma_wait3A_49 = tpu.memref_slice %arg11[%dma_wait3A, %dma_wait3A_47, %dma_wait3A_48] : memref<2x128x128xf32, #tpu.memory_space<vmem>> -> memref<1x128x128xf32, #tpu.memory_space<vmem>>
      %dma_wait3A_50 = tpu.memref_squeeze %dma_wait3A_49 : memref<1x128x128xf32, #tpu.memory_space<vmem>> -> memref<128x128xf32, #tpu.memory_space<vmem>>
      %dma_wait3A_51 = arith.constant 0 : i32
      %dma_wait3A_52 = arith.constant 0 : i32
      %dma_wait3A_53 = tpu.memref_slice %arg2[%dma_wait3A_51, %dma_wait3A_52] : memref<10000x128xf32, #tpu.memory_space<hbm>> -> memref<10000x128xf32, #tpu.memory_space<hbm>>
      tpu.wait_indirect_dma semaphore(%arg13 : memref<!tpu.dma_semaphore, #tpu.memory_space<semaphore_mem>>) src(%dma_wait3A_53 : memref<10000x128xf32, #tpu.memory_space<hbm>>) dst(%dma_wait3A_50 : memref<128x128xf32, #tpu.memory_space<vmem>>)
      %dma_start3A_54 = arith.constant 0 : i32
      %dma_start3A_55 = arith.constant 0 : i32
      %dma_start3A_56 = arith.constant 0 : i32
      %dma_start3A_57 = tpu.memref_slice %arg11[%dma_start3A_54, %dma_start3A_55, %dma_start3A_56] : memref<2x128x128xf32, #tpu.memory_space<vmem>> -> memref<1x128x128xf32, #tpu.memory_space<vmem>>
      %dma_start3A_58 = tpu.memref_squeeze %dma_start3A_57 : memref<1x128x128xf32, #tpu.memory_space<vmem>> -> memref<128x128xf32, #tpu.memory_space<vmem>>
      %dma_start3A_59 = arith.constant 0 : i32
      %dma_start3A_60 = arith.constant 0 : i32
      %dma_start3A_61 = tpu.memref_slice %arg12[%dma_start3A_59, %dma_start3A_60] : memref<10240x128xf32, #tpu.memory_space<vmem_shared>> -> memref<10240x128xf32, #tpu.memory_space<vmem_shared>>
      tpu.enqueue_indirect_dma source(%dma_start3A_58 : memref<128x128xf32, #tpu.memory_space<vmem>>) target(%dma_start3A_61 : memref<10240x128xf32, #tpu.memory_space<vmem_shared>>) offsets(%arg9 : memref<128xi32, #tpu.memory_space<vmem>>) semaphore(%arg15 : memref<!tpu.dma_semaphore, #tpu.memory_space<semaphore_mem>>) {add = true}
      %dma_wait3A_62 = arith.constant 1 : i32
      %dma_wait3A_63 = arith.constant 0 : i32
      %dma_wait3A_64 = arith.constant 0 : i32
      %dma_wait3A_65 = tpu.memref_slice %arg11[%dma_wait3A_62, %dma_wait3A_63, %dma_wait3A_64] : memref<2x128x128xf32, #tpu.memory_space<vmem>> -> memref<1x128x128xf32, #tpu.memory_space<vmem>>
      %dma_wait3A_66 = tpu.memref_squeeze %dma_wait3A_65 : memref<1x128x128xf32, #tpu.memory_space<vmem>> -> memref<128x128xf32, #tpu.memory_space<vmem>>
      %dma_wait3A_67 = arith.constant 0 : i32
      %dma_wait3A_68 = arith.constant 0 : i32
      %dma_wait3A_69 = tpu.memref_slice %arg2[%dma_wait3A_67, %dma_wait3A_68] : memref<10000x128xf32, #tpu.memory_space<hbm>> -> memref<10000x128xf32, #tpu.memory_space<hbm>>
      tpu.wait_indirect_dma semaphore(%arg14 : memref<!tpu.dma_semaphore, #tpu.memory_space<semaphore_mem>>) src(%dma_wait3A_69 : memref<10000x128xf32, #tpu.memory_space<hbm>>) dst(%dma_wait3A_66 : memref<128x128xf32, #tpu.memory_space<vmem>>)
      %dma_start3A_70 = arith.constant 1 : i32
      %dma_start3A_71 = arith.constant 0 : i32
      %dma_start3A_72 = arith.constant 0 : i32
      %dma_start3A_73 = tpu.memref_slice %arg11[%dma_start3A_70, %dma_start3A_71, %dma_start3A_72] : memref<2x128x128xf32, #tpu.memory_space<vmem>> -> memref<1x128x128xf32, #tpu.memory_space<vmem>>
      %dma_start3A_74 = tpu.memref_squeeze %dma_start3A_73 : memref<1x128x128xf32, #tpu.memory_space<vmem>> -> memref<128x128xf32, #tpu.memory_space<vmem>>
      %dma_start3A_75 = arith.constant 0 : i32
      %dma_start3A_76 = arith.constant 0 : i32
      %dma_start3A_77 = tpu.memref_slice %arg12[%dma_start3A_75, %dma_start3A_76] : memref<10240x128xf32, #tpu.memory_space<vmem_shared>> -> memref<10240x128xf32, #tpu.memory_space<vmem_shared>>
      tpu.enqueue_indirect_dma source(%dma_start3A_74 : memref<128x128xf32, #tpu.memory_space<vmem>>) target(%dma_start3A_77 : memref<10240x128xf32, #tpu.memory_space<vmem_shared>>) offsets(%arg10 : memref<128xi32, #tpu.memory_space<vmem>>) semaphore(%arg16 : memref<!tpu.dma_semaphore, #tpu.memory_space<semaphore_mem>>) {add = true}
      %dma_wait3A_78 = arith.constant 0 : i32
      %dma_wait3A_79 = arith.constant 0 : i32
      %dma_wait3A_80 = arith.constant 0 : i32
      %dma_wait3A_81 = tpu.memref_slice %arg11[%dma_wait3A_78, %dma_wait3A_79, %dma_wait3A_80] : memref<2x128x128xf32, #tpu.memory_space<vmem>> -> memref<1x128x128xf32, #tpu.memory_space<vmem>>
      %dma_wait3A_82 = tpu.memref_squeeze %dma_wait3A_81 : memref<1x128x128xf32, #tpu.memory_space<vmem>> -> memref<128x128xf32, #tpu.memory_space<vmem>>
      %dma_wait3A_83 = arith.constant 0 : i32
      %dma_wait3A_84 = arith.constant 0 : i32
      %dma_wait3A_85 = tpu.memref_slice %arg12[%dma_wait3A_83, %dma_wait3A_84] : memref<10240x128xf32, #tpu.memory_space<vmem_shared>> -> memref<10240x128xf32, #tpu.memory_space<vmem_shared>>
      tpu.wait_indirect_dma semaphore(%arg15 : memref<!tpu.dma_semaphore, #tpu.memory_space<semaphore_mem>>) src(%dma_wait3A_82 : memref<128x128xf32, #tpu.memory_space<vmem>>) dst(%dma_wait3A_85 : memref<10240x128xf32, #tpu.memory_space<vmem_shared>>)
      %dma_wait3A_86 = arith.constant 1 : i32
      %dma_wait3A_87 = arith.constant 0 : i32
      %dma_wait3A_88 = arith.constant 0 : i32
      %dma_wait3A_89 = tpu.memref_slice %arg11[%dma_wait3A_86, %dma_wait3A_87, %dma_wait3A_88] : memref<2x128x128xf32, #tpu.memory_space<vmem>> -> memref<1x128x128xf32, #tpu.memory_space<vmem>>
      %dma_wait3A_90 = tpu.memref_squeeze %dma_wait3A_89 : memref<1x128x128xf32, #tpu.memory_space<vmem>> -> memref<128x128xf32, #tpu.memory_space<vmem>>
      %dma_wait3A_91 = arith.constant 0 : i32
      %dma_wait3A_92 = arith.constant 0 : i32
      %dma_wait3A_93 = tpu.memref_slice %arg12[%dma_wait3A_91, %dma_wait3A_92] : memref<10240x128xf32, #tpu.memory_space<vmem_shared>> -> memref<10240x128xf32, #tpu.memory_space<vmem_shared>>
      tpu.wait_indirect_dma semaphore(%arg16 : memref<!tpu.dma_semaphore, #tpu.memory_space<semaphore_mem>>) src(%dma_wait3A_90 : memref<128x128xf32, #tpu.memory_space<vmem>>) dst(%dma_wait3A_93 : memref<10240x128xf32, #tpu.memory_space<vmem_shared>>)
    }
    %scan3A_7 = arith.constant 40 : i32
    %barrier3A_8 = arith.constant 0 : index
    tpu.barrier barrier_id(%barrier3A_8)
    %mul3A_9 = arith.constant 640 : i32
    %mul3A_10 = arith.muli %arg1, %mul3A_9 : i32
    %mul3A_11 = arith.constant 640 : i32
    %mul3A_12 = arith.muli %arg1, %mul3A_11 : i32
    "tpu.region"() ({
      %run_scoped3A = tpu.sem_alloc : memref<!tpu.dma_semaphore, #tpu.memory_space<semaphore_mem>>
      %dma_start3A = arith.constant 0 : i32
      %dma_start3A_13 = tpu.memref_slice %arg6[%arg0, %mul3A_12, %dma_start3A] : memref<2x10240x128xf32, #tpu.memory_space<hbm>> -> memref<1x640x128xf32, #tpu.memory_space<hbm>>
      %dma_start3A_14 = tpu.memref_squeeze %dma_start3A_13 : memref<1x640x128xf32, #tpu.memory_space<hbm>> -> memref<640x128xf32, #tpu.memory_space<hbm>>
      %dma_start3A_15 = arith.constant 0 : i32
      %dma_start3A_16 = tpu.memref_slice %arg12[%mul3A_10, %dma_start3A_15] : memref<10240x128xf32, #tpu.memory_space<vmem_shared>> -> memref<640x128xf32, #tpu.memory_space<vmem_shared>>
      tpu.enqueue_dma source(%dma_start3A_16 : memref<640x128xf32, #tpu.memory_space<vmem_shared>>) target(%dma_start3A_14 : memref<640x128xf32, #tpu.memory_space<hbm>>) target_semaphore(%run_scoped3A : memref<!tpu.dma_semaphore, #tpu.memory_space<semaphore_mem>>)
      %dma_wait3A = arith.constant 0 : i32
      %dma_wait3A_17 = tpu.memref_slice %arg6[%arg0, %mul3A_12, %dma_wait3A] : memref<2x10240x128xf32, #tpu.memory_space<hbm>> -> memref<1x640x128xf32, #tpu.memory_space<hbm>>
      %dma_wait3A_18 = tpu.memref_squeeze %dma_wait3A_17 : memref<1x640x128xf32, #tpu.memory_space<hbm>> -> memref<640x128xf32, #tpu.memory_space<hbm>>
      %dma_wait3A_19 = arith.constant 0 : i32
      %dma_wait3A_20 = tpu.memref_slice %arg12[%mul3A_10, %dma_wait3A_19] : memref<10240x128xf32, #tpu.memory_space<vmem_shared>> -> memref<640x128xf32, #tpu.memory_space<vmem_shared>>
      tpu.wait_dma2 semaphore(%run_scoped3A : memref<!tpu.dma_semaphore, #tpu.memory_space<semaphore_mem>>) src(%dma_wait3A_20 : memref<640x128xf32, #tpu.memory_space<vmem_shared>>) dst(%dma_wait3A_18 : memref<640x128xf32, #tpu.memory_space<hbm>>)
      tpu.yield
    }) : () -> ()
    return
  }
}

module attributes {stable_mosaic.version = 14 : i64} {
  func.func @_tc1_body(%arg0: i32, %arg1: memref<1000x128xf32, #tpu.memory_space<vmem>>, %arg2: memref<128x128xf32, #tpu.memory_space<vmem>>, %arg3: memref<1000x16xf32, #tpu.memory_space<vmem>>, %arg4: memref<1000x16xf32, #tpu.memory_space<vmem>>, %arg5: memref<1000x128xf32, #tpu.memory_space<vmem>>, %arg6: memref<1000x128xf32, #tpu.memory_space<vmem>>) attributes {dimension_semantics = [#tpu.dimension_semantics<arbitrary>], iteration_bounds = array<i64: 10>, scalar_prefetch = 0 : i64, scratch_operands = 0 : i64, tpu.core_type = #tpu.core_type<tc>, window_params = [{transform_indices = @transform_0, window_bounds = array<i64: 1000, 128>}, {pipeline_mode = #tpu.pipeline_mode<synchronous>, transform_indices = @transform_1, window_bounds = array<i64: 128, 128>}, {transform_indices = @transform_2, window_bounds = array<i64: 1000, 16>}, {transform_indices = @transform_3, window_bounds = array<i64: 1000, 16>}, {transform_indices = @transform_4, window_bounds = array<i64: 1000, 128>}, {transform_indices = @transform_5, window_bounds = array<i64: 1000, 128>}]} {
    %get3A = arith.constant 0 : index
    %get3A_0 = arith.constant 0 : index
    %get3A_1 = vector.load %arg3[%get3A, %get3A_0] : memref<1000x16xf32, #tpu.memory_space<vmem>>, vector<1000x16xf32>
    %slice3A = vector.extract_strided_slice %get3A_1 {offsets = [0, 0], sizes = [1000, 1], strides = [1, 1]} : vector<1000x16xf32> to vector<1000x1xf32>
    %get3A_2 = arith.constant 0 : index
    %get3A_3 = arith.constant 0 : index
    %get3A_4 = vector.load %arg4[%get3A_2, %get3A_3] : memref<1000x16xf32, #tpu.memory_space<vmem>>, vector<1000x16xf32>
    %slice3A_5 = vector.extract_strided_slice %get3A_4 {offsets = [0, 0], sizes = [1000, 1], strides = [1, 1]} : vector<1000x16xf32> to vector<1000x1xf32>
    %add3A = arith.addf %slice3A, %slice3A_5 : vector<1000x1xf32>
    %add3A_6 = arith.constant 1.000000e+00 : f32
    %add3A_7 = vector.broadcast %add3A_6 : f32 to vector<1000x1xf32>
    %add3A_8 = arith.addf %add3A, %add3A_7 : vector<1000x1xf32>
    %rsqrt3A = math.rsqrt %add3A_8 : vector<1000x1xf32>
    %broadcast_in_dim3A = vector.shape_cast %rsqrt3A : vector<1000x1xf32> to vector<1000x1xf32>
    %broadcast_in_dim3A_9 = vector.broadcast %broadcast_in_dim3A : vector<1000x1xf32> to vector<1000x128xf32>
    %get3A_10 = arith.constant 0 : index
    %get3A_11 = arith.constant 0 : index
    %get3A_12 = vector.load %arg1[%get3A_10, %get3A_11] : memref<1000x128xf32, #tpu.memory_space<vmem>>, vector<1000x128xf32>
    %get3A_13 = arith.constant 0 : index
    %get3A_14 = arith.constant 0 : index
    %get3A_15 = vector.load %arg2[%get3A_13, %get3A_14] : memref<128x128xf32, #tpu.memory_space<vmem>>, vector<128x128xf32>
    %dot_general3A = arith.constant dense<0.000000e+00> : vector<1000x128xf32>
    %dot_general3A_16 = tpu.matmul %get3A_12, %get3A_15, %dot_general3A {dimension_numbers = #tpu.dot_dimension_numbers<[1], [0], [0], [1], [0, 0, 1, 1], [], []>, transpose_lhs_hint = false} : vector<1000x128xf32>, vector<128x128xf32>, vector<1000x128xf32> -> vector<1000x128xf32>
    %swap3A = arith.constant 0 : index
    %swap3A_17 = arith.constant 0 : index
    %swap3A_18 = vector.load %arg5[%swap3A, %swap3A_17] : memref<1000x128xf32, #tpu.memory_space<vmem>>, vector<1000x128xf32>
    tpu.vector_store %arg5[%swap3A, %swap3A_17], %broadcast_in_dim3A_9 {strides = array<i32>} : memref<1000x128xf32, #tpu.memory_space<vmem>>, vector<1000x128xf32>,
    %mul3A = arith.mulf %dot_general3A_16, %broadcast_in_dim3A_9 : vector<1000x128xf32>
    %swap3A_19 = arith.constant 0 : index
    %swap3A_20 = arith.constant 0 : index
    %swap3A_21 = vector.load %arg6[%swap3A_19, %swap3A_20] : memref<1000x128xf32, #tpu.memory_space<vmem>>, vector<1000x128xf32>
    tpu.vector_store %arg6[%swap3A_19, %swap3A_20], %mul3A {strides = array<i32>} : memref<1000x128xf32, #tpu.memory_space<vmem>>, vector<1000x128xf32>,
    return
  }
  func.func @transform_0(%arg0: i32) -> (i32, i32) {
    %c0_i32 = arith.constant 0 : i32
    %c0_i32_0 = arith.constant 0 : i32
    return %arg0, %c0_i32 : i32, i32
  }
  func.func @transform_1(%arg0: i32) -> (i32, i32) {
    %c0_i32 = arith.constant 0 : i32
    %c0_i32_0 = arith.constant 0 : i32
    %c0_i32_1 = arith.constant 0 : i32
    return %c0_i32, %c0_i32_0 : i32, i32
  }
  func.func @transform_2(%arg0: i32) -> (i32, i32) {
    %c0_i32 = arith.constant 0 : i32
    %c0_i32_0 = arith.constant 0 : i32
    return %arg0, %c0_i32 : i32, i32
  }
  func.func @transform_3(%arg0: i32) -> (i32, i32) {
    %c0_i32 = arith.constant 0 : i32
    %c0_i32_0 = arith.constant 0 : i32
    return %arg0, %c0_i32 : i32, i32
  }
  func.func @transform_4(%arg0: i32) -> (i32, i32) {
    %c0_i32 = arith.constant 0 : i32
    %c0_i32_0 = arith.constant 0 : i32
    return %arg0, %c0_i32 : i32, i32
  }
  func.func @transform_5(%arg0: i32) -> (i32, i32) {
    %c0_i32 = arith.constant 0 : i32
    %c0_i32_0 = arith.constant 0 : i32
    return %arg0, %c0_i32 : i32, i32
  }
}

module attributes {stable_mosaic.version = 14 : i64} {
  func.func @_tc2_body(%arg0: i32, %arg1: memref<1000x128xf32, #tpu.memory_space<vmem>>, %arg2: memref<1000x128xf32, #tpu.memory_space<vmem>>, %arg3: memref<1000x128xf32, #tpu.memory_space<vmem>>, %arg4: memref<1000x128xf32, #tpu.memory_space<vmem>>, %arg5: memref<64x128xf32, #tpu.memory_space<vmem>>, %arg6: memref<64x128xf32, #tpu.memory_space<vmem>>, %arg7: memref<1x64xf32, #tpu.memory_space<vmem>>, %arg8: memref<1x64xf32, #tpu.memory_space<vmem>>, %arg9: memref<1000x128xf32, #tpu.memory_space<vmem>>, %arg10: memref<1000x128xf32, #tpu.memory_space<vmem>>) attributes {dimension_semantics = [#tpu.dimension_semantics<arbitrary>], iteration_bounds = array<i64: 10>, scalar_prefetch = 0 : i64, scratch_operands = 0 : i64, tpu.core_type = #tpu.core_type<tc>, window_params = [{transform_indices = @transform_0, window_bounds = array<i64: 1000, 128>}, {transform_indices = @transform_1, window_bounds = array<i64: 1000, 128>}, {transform_indices = @transform_2, window_bounds = array<i64: 1000, 128>}, {transform_indices = @transform_3, window_bounds = array<i64: 1000, 128>}, {pipeline_mode = #tpu.pipeline_mode<synchronous>, transform_indices = @transform_4, window_bounds = array<i64: 64, 128>}, {pipeline_mode = #tpu.pipeline_mode<synchronous>, transform_indices = @transform_5, window_bounds = array<i64: 64, 128>}, {pipeline_mode = #tpu.pipeline_mode<synchronous>, transform_indices = @transform_6, window_bounds = array<i64: 1, 64>}, {pipeline_mode = #tpu.pipeline_mode<synchronous>, transform_indices = @transform_7, window_bounds = array<i64: 1, 64>}, {transform_indices = @transform_8, window_bounds = array<i64: 1000, 128>}, {transform_indices = @transform_9, window_bounds = array<i64: 1000, 128>}]} {
    %get3A = arith.constant 0 : index
    %get3A_0 = arith.constant 0 : index
    %get3A_1 = vector.load %arg4[%get3A, %get3A_0] : memref<1000x128xf32, #tpu.memory_space<vmem>>, vector<1000x128xf32>
    %get3A_2 = arith.constant 0 : index
    %get3A_3 = arith.constant 0 : index
    %get3A_4 = vector.load %arg1[%get3A_2, %get3A_3] : memref<1000x128xf32, #tpu.memory_space<vmem>>, vector<1000x128xf32>
    %get3A_5 = arith.constant 0 : index
    %get3A_6 = arith.constant 0 : index
    %get3A_7 = vector.load %arg2[%get3A_5, %get3A_6] : memref<1000x128xf32, #tpu.memory_space<vmem>>, vector<1000x128xf32>
    %add3A = arith.addf %get3A_4, %get3A_7 : vector<1000x128xf32>
    %get3A_8 = arith.constant 0 : index
    %get3A_9 = arith.constant 0 : index
    %get3A_10 = vector.load %arg3[%get3A_8, %get3A_9] : memref<1000x128xf32, #tpu.memory_space<vmem>>, vector<1000x128xf32>
    %add3A_11 = arith.addf %add3A, %get3A_10 : vector<1000x128xf32>
    %mul3A = arith.mulf %get3A_1, %add3A_11 : vector<1000x128xf32>
    %slice3A = vector.extract_strided_slice %mul3A {offsets = [0, 0], sizes = [1000, 64], strides = [1, 1]} : vector<1000x128xf32> to vector<1000x64xf32>
    %get3A_12 = arith.constant 0 : index
    %get3A_13 = arith.constant 0 : index
    %get3A_14 = vector.load %arg7[%get3A_12, %get3A_13] : memref<1x64xf32, #tpu.memory_space<vmem>>, vector<1x64xf32>
    %add3A_15 = vector.broadcast %get3A_14 : vector<1x64xf32> to vector<1000x64xf32>
    %add3A_16 = arith.addf %slice3A, %add3A_15 : vector<1000x64xf32>
    %max3A = arith.constant 0.000000e+00 : f32
    %max3A_17 = vector.broadcast %max3A : f32 to vector<1000x64xf32>
    %max3A_18 = arith.maximumf %add3A_16, %max3A_17 : vector<1000x64xf32>
    %slice3A_19 = vector.extract_strided_slice %mul3A {offsets = [0, 64], sizes = [1000, 64], strides = [1, 1]} : vector<1000x128xf32> to vector<1000x64xf32>
    %get3A_20 = arith.constant 0 : index
    %get3A_21 = arith.constant 0 : index
    %get3A_22 = vector.load %arg8[%get3A_20, %get3A_21] : memref<1x64xf32, #tpu.memory_space<vmem>>, vector<1x64xf32>
    %add3A_23 = vector.broadcast %get3A_22 : vector<1x64xf32> to vector<1000x64xf32>
    %add3A_24 = arith.addf %slice3A_19, %add3A_23 : vector<1000x64xf32>
    %max3A_25 = arith.constant 0.000000e+00 : f32
    %max3A_26 = vector.broadcast %max3A_25 : f32 to vector<1000x64xf32>
    %max3A_27 = arith.maximumf %add3A_24, %max3A_26 : vector<1000x64xf32>
    %get3A_28 = arith.constant 0 : index
    %get3A_29 = arith.constant 0 : index
    %get3A_30 = vector.load %arg5[%get3A_28, %get3A_29] : memref<64x128xf32, #tpu.memory_space<vmem>>, vector<64x128xf32>
    %dot_general3A = arith.constant dense<0.000000e+00> : vector<1000x128xf32>
    %dot_general3A_31 = tpu.matmul %max3A_18, %get3A_30, %dot_general3A {dimension_numbers = #tpu.dot_dimension_numbers<[1], [0], [0], [1], [0, 0, 1, 1], [], []>, transpose_lhs_hint = false} : vector<1000x64xf32>, vector<64x128xf32>, vector<1000x128xf32> -> vector<1000x128xf32>
    %mul3A_32 = arith.mulf %dot_general3A_31, %get3A_1 : vector<1000x128xf32>
    %swap3A = arith.constant 0 : index
    %swap3A_33 = arith.constant 0 : index
    %swap3A_34 = vector.load %arg9[%swap3A, %swap3A_33] : memref<1000x128xf32, #tpu.memory_space<vmem>>, vector<1000x128xf32>
    tpu.vector_store %arg9[%swap3A, %swap3A_33], %mul3A_32 {strides = array<i32>} : memref<1000x128xf32, #tpu.memory_space<vmem>>, vector<1000x128xf32>,
    %get3A_35 = arith.constant 0 : index
    %get3A_36 = arith.constant 0 : index
    %get3A_37 = vector.load %arg6[%get3A_35, %get3A_36] : memref<64x128xf32, #tpu.memory_space<vmem>>, vector<64x128xf32>
    %dot_general3A_38 = arith.constant dense<0.000000e+00> : vector<1000x128xf32>
    %dot_general3A_39 = tpu.matmul %max3A_27, %get3A_37, %dot_general3A_38 {dimension_numbers = #tpu.dot_dimension_numbers<[1], [0], [0], [1], [0, 0, 1, 1], [], []>, transpose_lhs_hint = false} : vector<1000x64xf32>, vector<64x128xf32>, vector<1000x128xf32> -> vector<1000x128xf32>
    %mul3A_40 = arith.mulf %dot_general3A_39, %get3A_1 : vector<1000x128xf32>
    %swap3A_41 = arith.constant 0 : index
    %swap3A_42 = arith.constant 0 : index
    %swap3A_43 = vector.load %arg10[%swap3A_41, %swap3A_42] : memref<1000x128xf32, #tpu.memory_space<vmem>>, vector<1000x128xf32>
    tpu.vector_store %arg10[%swap3A_41, %swap3A_42], %mul3A_40 {strides = array<i32>} : memref<1000x128xf32, #tpu.memory_space<vmem>>, vector<1000x128xf32>,
    return
  }
  func.func @transform_0(%arg0: i32) -> (i32, i32) {
    %c0_i32 = arith.constant 0 : i32
    %c0_i32_0 = arith.constant 0 : i32
    return %arg0, %c0_i32 : i32, i32
  }
  func.func @transform_1(%arg0: i32) -> (i32, i32) {
    %c0_i32 = arith.constant 0 : i32
    %c0_i32_0 = arith.constant 0 : i32
    return %arg0, %c0_i32 : i32, i32
  }
  func.func @transform_2(%arg0: i32) -> (i32, i32) {
    %c0_i32 = arith.constant 0 : i32
    %c0_i32_0 = arith.constant 0 : i32
    return %arg0, %c0_i32 : i32, i32
  }
  func.func @transform_3(%arg0: i32) -> (i32, i32) {
    %c0_i32 = arith.constant 0 : i32
    %c0_i32_0 = arith.constant 0 : i32
    return %arg0, %c0_i32 : i32, i32
  }
  func.func @transform_4(%arg0: i32) -> (i32, i32) {
    %c0_i32 = arith.constant 0 : i32
    %c0_i32_0 = arith.constant 0 : i32
    %c0_i32_1 = arith.constant 0 : i32
    return %c0_i32, %c0_i32_0 : i32, i32
  }
  func.func @transform_5(%arg0: i32) -> (i32, i32) {
    %c0_i32 = arith.constant 0 : i32
    %c0_i32_0 = arith.constant 0 : i32
    %c0_i32_1 = arith.constant 0 : i32
    return %c0_i32, %c0_i32_0 : i32, i32
  }
  func.func @transform_6(%arg0: i32) -> (i32, i32) {
    %c0_i32 = arith.constant 0 : i32
    %c0_i32_0 = arith.constant 0 : i32
    %c0_i32_1 = arith.constant 0 : i32
    return %c0_i32, %c0_i32_0 : i32, i32
  }
  func.func @transform_7(%arg0: i32) -> (i32, i32) {
    %c0_i32 = arith.constant 0 : i32
    %c0_i32_0 = arith.constant 0 : i32
    %c0_i32_1 = arith.constant 0 : i32
    return %c0_i32, %c0_i32_0 : i32, i32
  }
  func.func @transform_8(%arg0: i32) -> (i32, i32) {
    %c0_i32 = arith.constant 0 : i32
    %c0_i32_0 = arith.constant 0 : i32
    return %arg0, %c0_i32 : i32, i32
  }
  func.func @transform_9(%arg0: i32) -> (i32, i32) {
    %c0_i32 = arith.constant 0 : i32
    %c0_i32_0 = arith.constant 0 : i32
    return %arg0, %c0_i32 : i32, i32
  }
}

module attributes {stable_mosaic.version = 14 : i64} {
  func.func @_tc3_body(%arg0: i32, %arg1: memref<1000x128xf32, #tpu.memory_space<vmem>>, %arg2: memref<1000x128xf32, #tpu.memory_space<vmem>>, %arg3: memref<1000x128xf32, #tpu.memory_space<vmem>>, %arg4: memref<1000x128xf32, #tpu.memory_space<vmem>>, %arg5: memref<1000x128xf32, #tpu.memory_space<vmem>>, %arg6: memref<1000x128xf32, #tpu.memory_space<vmem>>, %arg7: memref<1000x128xf32, #tpu.memory_space<vmem>>, %arg8: memref<128x64xf32, #tpu.memory_space<vmem>>, %arg9: memref<128x64xf32, #tpu.memory_space<vmem>>, %arg10: memref<1x128xf32, #tpu.memory_space<vmem>>, %arg11: memref<1x128xf32, #tpu.memory_space<vmem>>, %arg12: memref<1000x128xf32, #tpu.memory_space<vmem>>) attributes {dimension_semantics = [#tpu.dimension_semantics<arbitrary>], iteration_bounds = array<i64: 10>, scalar_prefetch = 0 : i64, scratch_operands = 0 : i64, tpu.core_type = #tpu.core_type<tc>, window_params = [{transform_indices = @transform_0, window_bounds = array<i64: 1000, 128>}, {transform_indices = @transform_1, window_bounds = array<i64: 1000, 128>}, {transform_indices = @transform_2, window_bounds = array<i64: 1000, 128>}, {transform_indices = @transform_3, window_bounds = array<i64: 1000, 128>}, {transform_indices = @transform_4, window_bounds = array<i64: 1000, 128>}, {transform_indices = @transform_5, window_bounds = array<i64: 1000, 128>}, {transform_indices = @transform_6, window_bounds = array<i64: 1000, 128>}, {pipeline_mode = #tpu.pipeline_mode<synchronous>, transform_indices = @transform_7, window_bounds = array<i64: 128, 64>}, {pipeline_mode = #tpu.pipeline_mode<synchronous>, transform_indices = @transform_8, window_bounds = array<i64: 128, 64>}, {pipeline_mode = #tpu.pipeline_mode<synchronous>, transform_indices = @transform_9, window_bounds = array<i64: 1, 128>}, {pipeline_mode = #tpu.pipeline_mode<synchronous>, transform_indices = @transform_10, window_bounds = array<i64: 1, 128>}, {transform_indices = @transform_11, window_bounds = array<i64: 1000, 128>}]} {
    %get3A = arith.constant 0 : index
    %get3A_0 = arith.constant 0 : index
    %get3A_1 = vector.load %arg7[%get3A, %get3A_0] : memref<1000x128xf32, #tpu.memory_space<vmem>>, vector<1000x128xf32>
    %get3A_2 = arith.constant 0 : index
    %get3A_3 = arith.constant 0 : index
    %get3A_4 = vector.load %arg1[%get3A_2, %get3A_3] : memref<1000x128xf32, #tpu.memory_space<vmem>>, vector<1000x128xf32>
    %get3A_5 = arith.constant 0 : index
    %get3A_6 = arith.constant 0 : index
    %get3A_7 = vector.load %arg2[%get3A_5, %get3A_6] : memref<1000x128xf32, #tpu.memory_space<vmem>>, vector<1000x128xf32>
    %add3A = arith.addf %get3A_4, %get3A_7 : vector<1000x128xf32>
    %get3A_8 = arith.constant 0 : index
    %get3A_9 = arith.constant 0 : index
    %get3A_10 = vector.load %arg3[%get3A_8, %get3A_9] : memref<1000x128xf32, #tpu.memory_space<vmem>>, vector<1000x128xf32>
    %add3A_11 = arith.addf %add3A, %get3A_10 : vector<1000x128xf32>
    %mul3A = arith.mulf %get3A_1, %add3A_11 : vector<1000x128xf32>
    %get3A_12 = arith.constant 0 : index
    %get3A_13 = arith.constant 0 : index
    %get3A_14 = vector.load %arg10[%get3A_12, %get3A_13] : memref<1x128xf32, #tpu.memory_space<vmem>>, vector<1x128xf32>
    %add3A_15 = vector.broadcast %get3A_14 : vector<1x128xf32> to vector<1000x128xf32>
    %add3A_16 = arith.addf %mul3A, %add3A_15 : vector<1000x128xf32>
    %max3A = arith.constant 0.000000e+00 : f32
    %max3A_17 = vector.broadcast %max3A : f32 to vector<1000x128xf32>
    %max3A_18 = arith.maximumf %add3A_16, %max3A_17 : vector<1000x128xf32>
    %get3A_19 = arith.constant 0 : index
    %get3A_20 = arith.constant 0 : index
    %get3A_21 = vector.load %arg4[%get3A_19, %get3A_20] : memref<1000x128xf32, #tpu.memory_space<vmem>>, vector<1000x128xf32>
    %get3A_22 = arith.constant 0 : index
    %get3A_23 = arith.constant 0 : index
    %get3A_24 = vector.load %arg5[%get3A_22, %get3A_23] : memref<1000x128xf32, #tpu.memory_space<vmem>>, vector<1000x128xf32>
    %add3A_25 = arith.addf %get3A_21, %get3A_24 : vector<1000x128xf32>
    %get3A_26 = arith.constant 0 : index
    %get3A_27 = arith.constant 0 : index
    %get3A_28 = vector.load %arg6[%get3A_26, %get3A_27] : memref<1000x128xf32, #tpu.memory_space<vmem>>, vector<1000x128xf32>
    %add3A_29 = arith.addf %add3A_25, %get3A_28 : vector<1000x128xf32>
    %mul3A_30 = arith.mulf %get3A_1, %add3A_29 : vector<1000x128xf32>
    %get3A_31 = arith.constant 0 : index
    %get3A_32 = arith.constant 0 : index
    %get3A_33 = vector.load %arg11[%get3A_31, %get3A_32] : memref<1x128xf32, #tpu.memory_space<vmem>>, vector<1x128xf32>
    %add3A_34 = vector.broadcast %get3A_33 : vector<1x128xf32> to vector<1000x128xf32>
    %add3A_35 = arith.addf %mul3A_30, %add3A_34 : vector<1000x128xf32>
    %max3A_36 = arith.constant 0.000000e+00 : f32
    %max3A_37 = vector.broadcast %max3A_36 : f32 to vector<1000x128xf32>
    %max3A_38 = arith.maximumf %add3A_35, %max3A_37 : vector<1000x128xf32>
    %get3A_39 = arith.constant 0 : index
    %get3A_40 = arith.constant 0 : index
    %get3A_41 = vector.load %arg8[%get3A_39, %get3A_40] : memref<128x64xf32, #tpu.memory_space<vmem>>, vector<128x64xf32>
    %dot_general3A = arith.constant dense<0.000000e+00> : vector<1000x64xf32>
    %dot_general3A_42 = tpu.matmul %max3A_18, %get3A_41, %dot_general3A {dimension_numbers = #tpu.dot_dimension_numbers<[1], [0], [0], [1], [0, 0, 1, 1], [], []>, transpose_lhs_hint = false} : vector<1000x128xf32>, vector<128x64xf32>, vector<1000x64xf32> -> vector<1000x64xf32>
    %get3A_43 = arith.constant 0 : index
    %get3A_44 = arith.constant 0 : index
    %get3A_45 = vector.load %arg9[%get3A_43, %get3A_44] : memref<128x64xf32, #tpu.memory_space<vmem>>, vector<128x64xf32>
    %dot_general3A_46 = arith.constant dense<0.000000e+00> : vector<1000x64xf32>
    %dot_general3A_47 = tpu.matmul %max3A_38, %get3A_45, %dot_general3A_46 {dimension_numbers = #tpu.dot_dimension_numbers<[1], [0], [0], [1], [0, 0, 1, 1], [], []>, transpose_lhs_hint = false} : vector<1000x128xf32>, vector<128x64xf32>, vector<1000x64xf32> -> vector<1000x64xf32>
    %concatenate3A = tpu.concatenate %dot_general3A_42, %dot_general3A_47 in 1 : vector<1000x64xf32>, vector<1000x64xf32> -> vector<1000x128xf32>
    %mul3A_48 = arith.mulf %concatenate3A, %get3A_1 : vector<1000x128xf32>
    %swap3A = arith.constant 0 : index
    %swap3A_49 = arith.constant 0 : index
    %swap3A_50 = vector.load %arg12[%swap3A, %swap3A_49] : memref<1000x128xf32, #tpu.memory_space<vmem>>, vector<1000x128xf32>
    tpu.vector_store %arg12[%swap3A, %swap3A_49], %mul3A_48 {strides = array<i32>} : memref<1000x128xf32, #tpu.memory_space<vmem>>, vector<1000x128xf32>,
    return
  }
  func.func @transform_0(%arg0: i32) -> (i32, i32) {
    %c0_i32 = arith.constant 0 : i32
    %c0_i32_0 = arith.constant 0 : i32
    return %arg0, %c0_i32 : i32, i32
  }
  func.func @transform_1(%arg0: i32) -> (i32, i32) {
    %c0_i32 = arith.constant 0 : i32
    %c0_i32_0 = arith.constant 0 : i32
    return %arg0, %c0_i32 : i32, i32
  }
  func.func @transform_2(%arg0: i32) -> (i32, i32) {
    %c0_i32 = arith.constant 0 : i32
    %c0_i32_0 = arith.constant 0 : i32
    return %arg0, %c0_i32 : i32, i32
  }
  func.func @transform_3(%arg0: i32) -> (i32, i32) {
    %c0_i32 = arith.constant 0 : i32
    %c0_i32_0 = arith.constant 0 : i32
    return %arg0, %c0_i32 : i32, i32
  }
  func.func @transform_4(%arg0: i32) -> (i32, i32) {
    %c0_i32 = arith.constant 0 : i32
    %c0_i32_0 = arith.constant 0 : i32
    return %arg0, %c0_i32 : i32, i32
  }
  func.func @transform_5(%arg0: i32) -> (i32, i32) {
    %c0_i32 = arith.constant 0 : i32
    %c0_i32_0 = arith.constant 0 : i32
    return %arg0, %c0_i32 : i32, i32
  }
  func.func @transform_6(%arg0: i32) -> (i32, i32) {
    %c0_i32 = arith.constant 0 : i32
    %c0_i32_0 = arith.constant 0 : i32
    return %arg0, %c0_i32 : i32, i32
  }
  func.func @transform_7(%arg0: i32) -> (i32, i32) {
    %c0_i32 = arith.constant 0 : i32
    %c0_i32_0 = arith.constant 0 : i32
    %c0_i32_1 = arith.constant 0 : i32
    return %c0_i32, %c0_i32_0 : i32, i32
  }
  func.func @transform_8(%arg0: i32) -> (i32, i32) {
    %c0_i32 = arith.constant 0 : i32
    %c0_i32_0 = arith.constant 0 : i32
    %c0_i32_1 = arith.constant 0 : i32
    return %c0_i32, %c0_i32_0 : i32, i32
  }
  func.func @transform_9(%arg0: i32) -> (i32, i32) {
    %c0_i32 = arith.constant 0 : i32
    %c0_i32_0 = arith.constant 0 : i32
    %c0_i32_1 = arith.constant 0 : i32
    return %c0_i32, %c0_i32_0 : i32, i32
  }
  func.func @transform_10(%arg0: i32) -> (i32, i32) {
    %c0_i32 = arith.constant 0 : i32
    %c0_i32_0 = arith.constant 0 : i32
    %c0_i32_1 = arith.constant 0 : i32
    return %c0_i32, %c0_i32_0 : i32, i32
  }
  func.func @transform_11(%arg0: i32) -> (i32, i32) {
    %c0_i32 = arith.constant 0 : i32
    %c0_i32_0 = arith.constant 0 : i32
    return %arg0, %c0_i32 : i32, i32
  }
}

module attributes {stable_mosaic.version = 14 : i64} {
  func.func @_tc4_body(%arg0: i32, %arg1: memref<1000x128xf32, #tpu.memory_space<vmem>>, %arg2: memref<1000x128xf32, #tpu.memory_space<vmem>>, %arg3: memref<1000x128xf32, #tpu.memory_space<vmem>>, %arg4: memref<1000x128xf32, #tpu.memory_space<vmem>>, %arg5: memref<1x64xf32, #tpu.memory_space<vmem>>, %arg6: memref<1x64xf32, #tpu.memory_space<vmem>>, %arg7: memref<1000x64xf32, #tpu.memory_space<vmem>>, %arg8: memref<1000x64xf32, #tpu.memory_space<vmem>>) attributes {dimension_semantics = [#tpu.dimension_semantics<arbitrary>], iteration_bounds = array<i64: 10>, scalar_prefetch = 0 : i64, scratch_operands = 0 : i64, tpu.core_type = #tpu.core_type<tc>, window_params = [{transform_indices = @transform_0, window_bounds = array<i64: 1000, 128>}, {transform_indices = @transform_1, window_bounds = array<i64: 1000, 128>}, {transform_indices = @transform_2, window_bounds = array<i64: 1000, 128>}, {transform_indices = @transform_3, window_bounds = array<i64: 1000, 128>}, {pipeline_mode = #tpu.pipeline_mode<synchronous>, transform_indices = @transform_4, window_bounds = array<i64: 1, 64>}, {pipeline_mode = #tpu.pipeline_mode<synchronous>, transform_indices = @transform_5, window_bounds = array<i64: 1, 64>}, {transform_indices = @transform_6, window_bounds = array<i64: 1000, 64>}, {transform_indices = @transform_7, window_bounds = array<i64: 1000, 64>}]} {
    %get3A = arith.constant 0 : index
    %get3A_0 = arith.constant 0 : index
    %get3A_1 = vector.load %arg4[%get3A, %get3A_0] : memref<1000x128xf32, #tpu.memory_space<vmem>>, vector<1000x128xf32>
    %get3A_2 = arith.constant 0 : index
    %get3A_3 = arith.constant 0 : index
    %get3A_4 = vector.load %arg1[%get3A_2, %get3A_3] : memref<1000x128xf32, #tpu.memory_space<vmem>>, vector<1000x128xf32>
    %get3A_5 = arith.constant 0 : index
    %get3A_6 = arith.constant 0 : index
    %get3A_7 = vector.load %arg2[%get3A_5, %get3A_6] : memref<1000x128xf32, #tpu.memory_space<vmem>>, vector<1000x128xf32>
    %add3A = arith.addf %get3A_4, %get3A_7 : vector<1000x128xf32>
    %get3A_8 = arith.constant 0 : index
    %get3A_9 = arith.constant 0 : index
    %get3A_10 = vector.load %arg3[%get3A_8, %get3A_9] : memref<1000x128xf32, #tpu.memory_space<vmem>>, vector<1000x128xf32>
    %add3A_11 = arith.addf %add3A, %get3A_10 : vector<1000x128xf32>
    %mul3A = arith.mulf %get3A_1, %add3A_11 : vector<1000x128xf32>
    %slice3A = vector.extract_strided_slice %mul3A {offsets = [0, 0], sizes = [1000, 64], strides = [1, 1]} : vector<1000x128xf32> to vector<1000x64xf32>
    %get3A_12 = arith.constant 0 : index
    %get3A_13 = arith.constant 0 : index
    %get3A_14 = vector.load %arg5[%get3A_12, %get3A_13] : memref<1x64xf32, #tpu.memory_space<vmem>>, vector<1x64xf32>
    %add3A_15 = vector.broadcast %get3A_14 : vector<1x64xf32> to vector<1000x64xf32>
    %add3A_16 = arith.addf %slice3A, %add3A_15 : vector<1000x64xf32>
    %max3A = arith.constant 0.000000e+00 : f32
    %max3A_17 = vector.broadcast %max3A : f32 to vector<1000x64xf32>
    %max3A_18 = arith.maximumf %add3A_16, %max3A_17 : vector<1000x64xf32>
    %swap3A = arith.constant 0 : index
    %swap3A_19 = arith.constant 0 : index
    %swap3A_20 = vector.load %arg7[%swap3A, %swap3A_19] : memref<1000x64xf32, #tpu.memory_space<vmem>>, vector<1000x64xf32>
    tpu.vector_store %arg7[%swap3A, %swap3A_19], %max3A_18 {strides = array<i32>} : memref<1000x64xf32, #tpu.memory_space<vmem>>, vector<1000x64xf32>,
    %slice3A_21 = vector.extract_strided_slice %mul3A {offsets = [0, 64], sizes = [1000, 64], strides = [1, 1]} : vector<1000x128xf32> to vector<1000x64xf32>
    %get3A_22 = arith.constant 0 : index
    %get3A_23 = arith.constant 0 : index
    %get3A_24 = vector.load %arg6[%get3A_22, %get3A_23] : memref<1x64xf32, #tpu.memory_space<vmem>>, vector<1x64xf32>
    %add3A_25 = vector.broadcast %get3A_24 : vector<1x64xf32> to vector<1000x64xf32>
    %add3A_26 = arith.addf %slice3A_21, %add3A_25 : vector<1000x64xf32>
    %max3A_27 = arith.constant 0.000000e+00 : f32
    %max3A_28 = vector.broadcast %max3A_27 : f32 to vector<1000x64xf32>
    %max3A_29 = arith.maximumf %add3A_26, %max3A_28 : vector<1000x64xf32>
    %swap3A_30 = arith.constant 0 : index
    %swap3A_31 = arith.constant 0 : index
    %swap3A_32 = vector.load %arg8[%swap3A_30, %swap3A_31] : memref<1000x64xf32, #tpu.memory_space<vmem>>, vector<1000x64xf32>
    tpu.vector_store %arg8[%swap3A_30, %swap3A_31], %max3A_29 {strides = array<i32>} : memref<1000x64xf32, #tpu.memory_space<vmem>>, vector<1000x64xf32>,
    return
  }
  func.func @transform_0(%arg0: i32) -> (i32, i32) {
    %c0_i32 = arith.constant 0 : i32
    %c0_i32_0 = arith.constant 0 : i32
    return %arg0, %c0_i32 : i32, i32
  }
  func.func @transform_1(%arg0: i32) -> (i32, i32) {
    %c0_i32 = arith.constant 0 : i32
    %c0_i32_0 = arith.constant 0 : i32
    return %arg0, %c0_i32 : i32, i32
  }
  func.func @transform_2(%arg0: i32) -> (i32, i32) {
    %c0_i32 = arith.constant 0 : i32
    %c0_i32_0 = arith.constant 0 : i32
    return %arg0, %c0_i32 : i32, i32
  }
  func.func @transform_3(%arg0: i32) -> (i32, i32) {
    %c0_i32 = arith.constant 0 : i32
    %c0_i32_0 = arith.constant 0 : i32
    return %arg0, %c0_i32 : i32, i32
  }
  func.func @transform_4(%arg0: i32) -> (i32, i32) {
    %c0_i32 = arith.constant 0 : i32
    %c0_i32_0 = arith.constant 0 : i32
    %c0_i32_1 = arith.constant 0 : i32
    return %c0_i32, %c0_i32_0 : i32, i32
  }
  func.func @transform_5(%arg0: i32) -> (i32, i32) {
    %c0_i32 = arith.constant 0 : i32
    %c0_i32_0 = arith.constant 0 : i32
    %c0_i32_1 = arith.constant 0 : i32
    return %c0_i32, %c0_i32_0 : i32, i32
  }
  func.func @transform_6(%arg0: i32) -> (i32, i32) {
    %c0_i32 = arith.constant 0 : i32
    %c0_i32_0 = arith.constant 0 : i32
    return %arg0, %c0_i32 : i32, i32
  }
  func.func @transform_7(%arg0: i32) -> (i32, i32) {
    %c0_i32 = arith.constant 0 : i32
    %c0_i32_0 = arith.constant 0 : i32
    return %arg0, %c0_i32 : i32, i32
  }
}

</mosaic_0001>

<sc_bundles>
// kernel: kernel.11.cloned.1.call-start
scs
__scs_entry_jumppad:
0x0: {  	(pc) =	sbr.rel $0x88, $3  }
0x1: {  	(tag) =	ssettag $0x0;
	lr =	simm.s32 $0x1  }
0x2: {  	[smem:$0x3F93] =	sst lr;
	_ =	strace $0xD0000000  }
0x3: {  	_ = 	snop  }
0x4: {  	_ = 	snop  }
0x5: {  	_ = 	snop  }
0x6: {  	_ = 	snop  }
0x7: {  	_ = 	snop  }
__scs_overlays_trampoline_lowered:
0x8: {  	[smem:$0x3FA2] =	sst s0  }
0x9: {  	[smem:$0x3FA3] =	sst s1  }
0xa: {  	[smem:$0x3FA4] =	sst s2  }
0xb: {  	[smem:$0x3FA5] =	sst s3  }
0xc: {  	[smem:$0x3FA6] =	sst s4  }
0xd: {  	[smem:$0x3FA7] =	sst s5  }
0xe: {  	[smem:$0x3FA8] =	sst s6  }
0xf: {  	[smem:$0x3FA9] =	sst s7  }
0x10: {  	[smem:$0x3FAA] =	sst s8  }
0x11: {  	[smem:$0x3FAB] =	sst s9;
	s0 =	simm.s32 @!p0 $0x0  }
0x12: {  	s1 =	sld [smem:$0x3F91];
	s0 =	simm.s32 @p0 $0x1  }
0x13: {  	[smem:$0x3FAC] =	sst s0;
	s0 =	simm.s32 @!p1 $0x0  }
0x14: {  	s2 =	sld [smem:$0x3F90];
	s0 =	simm.s32 @p1 $0x1  }
0x15: {  	[smem:$0x3FAD] =	sst s0;
	s0 =	simm.s32 @!p2 $0x0  }
0x16: {  	s3 =	sld [smem:$0x3FDB];
	s0 =	simm.s32 @p2 $0x1  }
0x17: {  	s4 =	simm.s32 $0x1BF5;
	[smem:$0x3FAF] =	sst s0  }
0x18: {  	s0 =	sld [smem:$0x3F92];
	_ =	swait.ge [sflag:s4], $0x0  }
0x19: {  	s7 =	sld [smem:$0x3F93]  }
0x1a: {  	s8 =	sadd.s32 $0xFFFFE003, lr  }
0x1b: {  	s9 =	sadd.s32 $0xFFFFFEF7, lr;
	s5 =	simm.s32 $0xFFFFFFFF;
	p2 =	slt.u32 s8, $0xFFFFF086  }
0x1c: {  	p1 =	slt.u32 s9, $0xF7A;
	s5 =	simm.s32 @!p2 $0x0  }
0x1d: {  	s5 =	simm.s32 @p1 $0x1;
	p0 =	seq.s32 s7, s2  }
0x1e: {  	s7 =	smul.u32 @!p0 $0xF7A, s2;
	p2 =	seq.s32 @!p0 s5, $0x0  }
0x1f: {  	s9 =	smul.u32 $0xF7A, s1;
	s8 =	simm.s32 @!p0 $0x1BF5;
	p2 =	por !p2, p0  }
0x20: {  	[sflag:s8] =	ssyncset.s32 @!p0 $0xFFFFF086;
	s6 =	sadd.s32 @!p0 s3, s7;
	s7 =	simm.s32 @!p0 $0x108  }
0x21: {  	s3 =	sadd.s32 s3, s9;
	s6 =	sadd.s32 @!p0 $0x88, s6;
	s7 =	simm.s32 @p2 $0x1082  }
0x22: {  	[simem:s7], [sflag:s8] =	dma.local @!p0 [hbm:s6], $0xF7A  }
0x23: {  	s9 =	sor.u32 $0xD0000000, s2;
	s6 =	simm.s32 $0x108;
	_ =	swait.ge @!p0 [sflag:s8], $0x0  }
0x24: {  	s3 =	sadd.s32 $0x88, s3;
	s6 =	simm.s32 @!p1 $0x1082;
	[sflag:s4] =	ssyncset.s32 $0xFFFFF086  }
0x25: {  	[simem:s6], [sflag:s4] =	dma.local [hbm:s3], $0xF7A  }
0x26: {  	[smem:$0x3F93] =	sst s1;
	(tag) =	ssettag s2;
	_ =	strace s9  }
0x27: {  	s1 =	sld [smem:$0x3FA3]  }
0x28: {  	s2 =	sld [smem:$0x3FA4]  }
0x29: {  	s4 =	sld [smem:$0x3FA6]  }
0x2a: {  	p0 =	seq.s32 s5, $0x0;
	s5 =	sld [smem:$0x3FA7]  }
0x2b: {  	s6 =	sld [smem:$0x3FA8]  }
0x2c: {  	s7 =	sld [smem:$0x3FA9]  }
0x2d: {  	s3 =	simm.s32 $0x108;
	s8 =	sld [smem:$0x3FAA]  }
0x2e: {  	s3 =	simm.s32 @!p0 $0x1082;
	s9 =	sld [smem:$0x3FAB]  }
0x2f: {  	lr =	sadd.s32 s0, s3;
	s0 =	sld [smem:$0x3FA2]  }
0x30: {  	s3 =	sld [smem:$0x3FA5]  }
0x31: {  	[smem:$0x3FAE] =	sst s10  }
0x32: {  	s10 =	sld [smem:$0x3FAC];
	_ =	sdelay $0x3  }
0x33: {  	p0 =	seq.s32 s10, $0x1;
	s10 =	sld [smem:$0x3FAE];
	_ =	sdelay $0x3  }
0x34: {  	[smem:$0x3FAE] =	sst s10  }
0x35: {  	s10 =	sld [smem:$0x3FAD];
	_ =	sdelay $0x3  }
0x36: {  	p1 =	seq.s32 s10, $0x1;
	s10 =	sld [smem:$0x3FAE];
	_ =	sdelay $0x3  }
0x37: {  	[smem:$0x3FAE] =	sst s10  }
0x38: {  	s10 =	sld [smem:$0x3FAF]  }
0x39: {  	_ = 	snop;
	(pc) =	sbr.ind lr, $3  }
0x3a: {  	_ = 	snop  }
0x3b: {  	_ = 	snop  }
0x3c: {  	p2 =	seq.s32 s10, $0x1;
	s10 =	sld [smem:$0x3FAE]  }
0x3d: {  	_ =	shalt  }
0x3e: {  	_ =	shalt  }
0x3f: {  	_ =	shalt  }
0x40: {  	_ =	shalt  }
0x41: {  	_ =	shalt  }
0x42: {  	_ =	shalt  }
0x43: {  	_ =	shalt  }
0x44: {  	_ =	shalt  }
0x45: {  	_ =	shalt  }
0x46: {  	_ =	shalt  }
0x47: {  	_ =	shalt  }
0x48: {  	_ =	shalt  }
0x49: {  	_ =	shalt  }
0x4a: {  	_ =	shalt  }
0x4b: {  	_ =	shalt  }
0x4c: {  	_ =	shalt  }
0x4d: {  	_ =	shalt  }
0x4e: {  	_ =	shalt  }
0x4f: {  	_ =	shalt  }
0x50: {  	_ =	shalt  }
0x51: {  	_ =	shalt  }
0x52: {  	_ =	shalt  }
0x53: {  	_ =	shalt  }
0x54: {  	_ =	shalt  }
0x55: {  	_ =	shalt  }
0x56: {  	_ =	shalt  }
0x57: {  	_ =	shalt  }
0x58: {  	_ =	shalt  }
0x59: {  	_ =	shalt  }
0x5a: {  	_ =	shalt  }
0x5b: {  	_ =	shalt  }
0x5c: {  	_ =	shalt  }
0x5d: {  	_ =	shalt  }
0x5e: {  	_ =	shalt  }
0x5f: {  	_ =	shalt  }
0x60: {  	_ =	shalt  }
0x61: {  	_ =	shalt  }
0x62: {  	_ =	shalt  }
0x63: {  	_ =	shalt  }
0x64: {  	_ =	shalt  }
0x65: {  	_ =	shalt  }
0x66: {  	_ =	shalt  }
0x67: {  	_ =	shalt  }
0x68: {  	_ =	shalt  }
0x69: {  	_ =	shalt  }
0x6a: {  	_ =	shalt  }
0x6b: {  	_ =	shalt  }
0x6c: {  	_ =	shalt  }
0x6d: {  	_ =	shalt  }
0x6e: {  	_ =	shalt  }
0x6f: {  	_ =	shalt  }
0x70: {  	_ =	shalt  }
0x71: {  	_ =	shalt  }
0x72: {  	_ =	shalt  }
0x73: {  	_ =	shalt  }
0x74: {  	_ =	shalt  }
0x75: {  	_ =	shalt  }
0x76: {  	_ =	shalt  }
0x77: {  	_ =	shalt  }
0x78: {  	_ =	shalt  }
0x79: {  	_ =	shalt  }
0x7a: {  	_ =	shalt  }
0x7b: {  	_ =	shalt  }
0x7c: {  	_ =	shalt  }
0x7d: {  	_ =	shalt  }
0x7e: {  	_ =	shalt  }
0x7f: {  	_ =	shalt  }
0x80: {  	_ =	shalt  }
0x81: {  	_ =	shalt  }
0x82: {  	_ =	shalt  }
0x83: {  	_ =	shalt  }
0x84: {  	_ =	shalt  }
0x85: {  	_ =	shalt  }
0x86: {  	_ =	shalt  }
0x87: {  	_ =	shalt  }
.Lfunc_end0:
.L_simem_size_0:
called_computation_lowered:
.L_overlay_start_0:
0x88: {  	s2 =	sld [smem:$0x3FD9]  }
0x89: {  	s3 =	sld [smem:$0x3FFE];
	_ =	sdelay $0x1  }
0x8a: {  	s1 =	srdreg.scid  }
0x8b: {  	s0 =	sand.u32 $0x1, s1  }
0x8c: {  	s14 =	sshll.u32 s0, $0xA;
	s2 =	sadd.s32 s3, s2  }
0x8d: {  	s2 =	sadd.s32 s2, s14  }
0x8e: {  	[smem:$0x3FBA] =	sst s2  }
0x8f: {  	_ = 	snop  }
0x90: {  	s2 =	sld [smem:$0x3FD0];
	_ =	sdelay $0x2  }
0x91: {  	s15 =	simm.s32 $0xB;
	s4 =	simm.s32 $0x10  }
0x92: {  	[smem:s4], [sflag:s15] =	dma.local [hbm:s2], $0x1  }
0x93: {  	_ =	swait.eq [sflag:s15], $0x1  }
0x94: {  	[sflag:s15] =	ssyncset.done $0x0  }
0x95: {  	[sflag:s15] =	ssyncadd.s32 $0xFFFFFFFF  }
0x96: {  	s16 =	sld [smem:$0x11];
	(tm) =	ssettm $0x1  }
0x97: {  	s17 =	sld [smem:$0x3FFB];
	_ =	sdelay $0x3  }
0x98: {  	_ =	strace s17  }
0x99: {  	s3 =	sld [smem:$0x3FFC];
	_ =	sdelay $0x3  }
0x9a: {  	_ =	strace s3  }
0x9b: {  	s3 =	sld [smem:$0x3FFD];
	_ =	sdelay $0x3  }
0x9c: {  	_ =	strace s3  }
0x9d: {  	_ =	strace $0x8FFFFFFF  }
0x9e: {  	s18 =	sld [smem:$0x3FDB];
	_ =	sdelay $0x1  }
0x9f: {  	s19 =	simm.s32 $_scs_section_size  }
0xa0: {  	s5 =	simm.s32 $_size__tile_overlayer_lowered;
	s6 =	simm.s32 $_tile_overlayer_lowered  }
0xa1: {  	s22 =	simm.s32 $0x1BFF;
	s21 =	sshll.u32 s6, $0x1;
	s3 =	sadd.s32 s19, s18  }
0xa2: {  	s7 =	simm.s32 $0x0;
	s20 =	sshll.u32 s5, $0x1;
	s5 =	sadd.s32 s21, s3  }
0xa3: {  	[timem:s7], [sflag:s22] =	dma.local [hbm:s5], s20  }
0xa4: {  	_ =	swait.ge [sflag:s22], s20  }
0xa5: {  	s4 =	ssub.s32 $0x0, s20;
	[sflag:s22] =	ssyncset.done $0x0  }
0xa6: {  	[sflag:s22] =	ssyncadd.s32 s4;
	_ =	sdelay $0x1  }
0xa7: {  	s23 =	simm.s32 $0x1B8B  }
0xa8: {  	_ =	swait.ge [sflag:s23], $0x1  }
0xa9: {  	[sflag:s23] =	ssyncset.done $0x0  }
0xaa: {  	s25 =	simm.s32 $0x1B8E;
	s24 =	sld [smem:$0x3FFE];
	[sflag:s23] =	ssyncadd.s32 $0xFFFFFFFF  }
0xab: {  	s26 =	simm.s32 $execute0_lowered;
	[smem:$0x3FD2] =	sst s25  }
0xac: {  	s5 =	sshll.u32 s26, $0x1;
	_ =	strace $0x80000046;
	[dreg:$0x1] =	wrdreg $0xFFFFFFFF  }
0xad: {  	s28 =	simm.s32 $_size_execute0_lowered;
	s3 =	sadd.s32 s3, s5;
	[dreg:$0x0] =	wrdreg $0x0  }
0xae: {  	s5 =	sshll.u32 s28, $0x1;
	[dreg:$0x2] =	wrdreg s3  }
0xaf: {  	[dreg:$0x3] =	wrdreg s5  }
0xb0: {  	[dreg:$0x4] =	wrdreg $0xC0  }
0xb1: {  	_ =	task [dreg:s7], $0x5FFFF  }
0xb2: {  	[dreg:$0x1] =	wrdreg $0xFFFFFFFF  }
0xb3: {  	[dreg:$0x0] =	wrdreg $0x60  }
0xb4: {  	[dreg:$0x2] =	wrdreg s16  }
0xb5: {  	[dreg:$0x3] =	wrdreg s24  }
0xb6: {  	[dreg:$0x4] =	wrdreg $0x41000  }
0xb7: {  	[dreg:$0x5] =	wrdreg $0x9  }
0xb8: {  	_ =	task.clear_ibuf [dreg:s7], $0x6FFFF;
	_ =	strace $0x90000046  }
0xb9: {  	s29 =	simm.s32 $0x9;
	_ =	strace $0x80000048  }
0xba: {  	_ =	swait.ge [sflag:s29], $0x1  }
0xbb: {  	[sflag:s29] =	ssyncadd.s32 $0xFFFFFFFF  }
0xbc: {  	_ =	strace $0x90000048  }
0xbd: {  	_ =	sfence  }
0xbe: {  	s30 =	sld [smem:$0x0];
	_ =	sdelay $0x2  }
0xbf: {  	s31 =	sshll.u32 s1, $0xD;
	s1 =	sshrl.u32 s1, $0x2  }
0xc0: {  	s3 =	sand.u32 $0x4000, s31;
	s1 =	sadd.s32 s1, s30  }
0xc1: {  	s0 =	sor.u32 s3, s0;
	s1 =	sshll.u32 s1, $0x11  }
0xc2: {  	s0 =	sor.u32 s1, s0  }
0xc3: {  	s0 =	sadd.s32 $0x8F2B, s0  }
0xc4: {  	[sflag:s0] =	ssyncadd.remote.s32 $0x1  }
0xc5: {  	_ =	sfence.sel $0xFFFF  }
0xc6: {  	[dreg:$0x0] =	wrdreg $0xFFFFFFFF;
	(pc) =	sbr.abs _section_cstart, $3  }
0xc7: {  	[dreg:$0x1] =	wrdreg $0xFFFFFFFF  }
0xc8: {  	_ =	task.clear_ibuf [dreg:s7], $0x2FFFF;
	_ =	strace $0x9FFFFFFF  }
0xc9: {  	(tm) =	ssettm $0x7FFFFFFF  }
tec
execute0_lowered:
.L_overlay_start_1:
0x0: {  	(tag) =	ssettag $0x1  }
0x1: {  	s6 =	rddreg [dreg:$0x0]  }
0x2: {  	s7 =	rddreg [dreg:$0x1];
	s0 =	srdreg.scid  }
0x3: {  	s2 =	rddreg [dreg:$0x2];
	s1 =	stileid.u32  }
0x4: {  	s3 =	simm.s32 $0x0;
	s13 =	simm.s32 $0x80;
	s14 =	simm.s32 $0x1  }
0x5: {  	s15 =	simm.s32 $0x2;
	s16 =	simm.s32 $0x0;
	s9 =	smul.u32 $0x14000, s1  }
0x6: {  	s8 =	sand.u32 $0x1, s0;
	s0 =	rddreg [dreg:$0x3];
	s10 =	smul.u32 $0x50000, s1  }
0x7: {  	[smem:$0x7FF] =	sst s3;
	s4 =	sadd.s32 $0x7400, s7;
	s11 =	smul.u32 $0xA00, s1  }
0x8: {  	s31 =	sshll.u32 s1, $0x6;
	s5 =	smul.u32 $0x140000, s8;
	s28 =	ssub.s32 $0x2, s8  }
0x9: {  	_ =	strace $0x80000047;
	s8 =	smul.u32 $0x500, s8;
	s12 =	sshrl.u32 s28, $0x1  }
0xa: {  	s10 =	sshrl.u32 s10, $0x2;
	s30 =	sadd.s32 s11, s6;
	s11 =	sor.u32 $0x1C03, s31  }
0xb: {  	s9 =	sadd.s32 s9, s5;
	s5 =	sadd.s32 $0x4C00, s7;
	s29 =	sadd.s32 s10, s2  }
0xc: {  	s8 =	sadd.s32 s8, s30;
	s10 =	simm.s32 $0x3;
	s9 =	sshrl.u32 s9, $0x3  }
0xd: {  	s7 =	sadd.s32 s9, s7;
	s9 =	ssub.s32 s28, s12;
	s12 =	sshrl.u32 s29, $0x3  }
0xe: {  	s6 =	sadd.s32 $0x7C00, s7;
	s7 =	smax.u32 s9, $0x1;
	s9 =	simm.s32 $0x100  }
.LBB2_1:
0xf: {  	[tilespmem:s9], [sflag:$0x3] =	stream.linear.gather [hbm4b:s4+s3], $0x4000, $0x38;
	[tilespmem:$0x18100] =	vst v63  }
0x10: {  	_ =	swait.ge [sflag:s10], $0x4000  }
0x11: {  	[sflag:s10] =	ssyncset.done $0x0  }
0x12: {  	[sflag:s10] =	ssyncadd.s32 $0xFFFFC000  }
0x13: {  	[spmem:s12], [sflag:s11] =	dma.local [hbm:s5], $0x2800  }
0x14: {  	_ =	swait.ge [sflag:s10], $0x2800  }
0x15: {  	[sflag:s10] =	ssyncset.done $0x0  }
0x16: {  	[sflag:s10] =	ssyncadd.s32 $0xFFFFD800  }
0x17: {  	s17 =	sadd.s32 $0x0, s8;
	[bflag:$0x0] =	sbarrier.arrive $0xFFFF  }
0x18: {  	[tilespmem:s3], [sflag:$0x3] =	stream.linear.gather [hbm4b:s17+s3], $0x80, $0x38;
	[tilespmem:$0x18100] =	vst v63  }
0x19: {  	_ =	swait.ge [sflag:s10], $0x80  }
0x1a: {  	[sflag:s10] =	ssyncset.done $0x0  }
0x1b: {  	[sflag:s10] =	ssyncadd.s32 $0xFFFFFF80  }
0x1c: {  	[spmem:s2] =	stream.indirect.scatter.add.f32 [tilespmem:s9], [sflag:$0x1], $0x80, s3, s13, $0xb8;
	[tilespmem:$0x18100] =	vst v63  }
0x1d: {  	s17 =	sadd.s32 $0x10, s17  }
0x1e: {  	[tilespmem:s13], [sflag:$0x3] =	stream.linear.gather [hbm4b:s17+s3], $0x80, $0x38;
	[tilespmem:$0x18100] =	vst v63  }
0x1f: {  	_ =	swait.ge [sflag:s10], $0x80  }
0x20: {  	[sflag:s10] =	ssyncset.done $0x0  }
0x21: {  	[sflag:s10] =	ssyncadd.s32 $0xFFFFFF80  }
0x22: {  	[spmem:s2] =	stream.indirect.scatter.add.f32 [tilespmem:s9], [sflag:$0x2], $0x80, s13, s13, $0xb8;
	[tilespmem:$0x18100] =	vst v63  }
0x23: {  	_ =	swait.ge [sflag:s14], $0x4000  }
0x24: {  	[sflag:s14] =	ssyncset.done $0x0  }
0x25: {  	[sflag:s14] =	ssyncadd.s32 $0xFFFFC000  }
0x26: {  	_ =	swait.ge [sflag:s15], $0x4000  }
0x27: {  	s18 =	simm.s32 $0x40;
	s17 =	simm.s32 $0x20;
	[sflag:s15] =	ssyncset.done $0x0  }
.LBB2_2:
0x28: {  	s19 =	sadd.s32 s17, s8  }
0x29: {  	[sflag:s15] =	ssyncadd.s32 $0xFFFFC000;
	s17 =	smov.u32 s18;
	s20 =	sadd.s32 $0x20, s18  }
0x2a: {  	[tilespmem:s3], [sflag:$0x3] =	stream.linear.gather [hbm4b:s19+s3], $0x80, $0x38;
	[tilespmem:$0x18100] =	vst v63  }
0x2b: {  	p0 =	sne.s32 s18, $0x4E0;
	_ =	swait.ge [sflag:s10], $0x80  }
0x2c: {  	[sflag:s10] =	ssyncset.done $0x0  }
0x2d: {  	[sflag:s10] =	ssyncadd.s32 $0xFFFFFF80  }
0x2e: {  	[spmem:s2] =	stream.indirect.scatter.add.f32 [tilespmem:s9], [sflag:$0x1], $0x80, s3, s13, $0xb8;
	[tilespmem:$0x18100] =	vst v63  }
0x2f: {  	s18 =	sadd.s32 $0x10, s19  }
0x30: {  	[tilespmem:s13], [sflag:$0x3] =	stream.linear.gather [hbm4b:s18+s3], $0x80, $0x38;
	[tilespmem:$0x18100] =	vst v63  }
0x31: {  	_ =	swait.ge [sflag:s10], $0x80  }
0x32: {  	[sflag:s10] =	ssyncset.done $0x0  }
0x33: {  	[sflag:s10] =	ssyncadd.s32 $0xFFFFFF80  }
0x34: {  	[spmem:s2] =	stream.indirect.scatter.add.f32 [tilespmem:s9], [sflag:$0x2], $0x80, s13, s13, $0xb8;
	[tilespmem:$0x18100] =	vst v63  }
.Ltmp0:
0x35: {  	_ =	swait.ge [sflag:s14], $0x4000;
	(pc) =	sbr.rel @p0 .LBB2_2-.Ltmp0, $4  }
0x36: {  	[sflag:s14] =	ssyncset.done $0x0  }
0x37: {  	[sflag:s14] =	ssyncadd.s32 $0xFFFFC000  }
0x38: {  	_ =	swait.ge [sflag:s15], $0x4000  }
0x39: {  	s18 =	smov.u32 s20;
	[sflag:s15] =	ssyncset.done $0x0  }
0x3a: {  	s17 =	sadd.s32 s17, s8;
	[sflag:s15] =	ssyncadd.s32 $0xFFFFC000  }
0x3b: {  	[tilespmem:s3], [sflag:$0x3] =	stream.linear.gather [hbm4b:s17+s3], $0x80, $0x38;
	[tilespmem:$0x18100] =	vst v63  }
0x3c: {  	_ =	swait.ge [sflag:s10], $0x80  }
0x3d: {  	[sflag:s10] =	ssyncset.done $0x0  }
0x3e: {  	[sflag:s10] =	ssyncadd.s32 $0xFFFFFF80  }
0x3f: {  	[spmem:s2] =	stream.indirect.scatter.add.f32 [tilespmem:s9], [sflag:$0x1], $0x80, s3, s13, $0xb8;
	[tilespmem:$0x18100] =	vst v63  }
0x40: {  	s17 =	sadd.s32 $0x10, s17  }
0x41: {  	[tilespmem:s13], [sflag:$0x3] =	stream.linear.gather [hbm4b:s17+s3], $0x80, $0x38;
	[tilespmem:$0x18100] =	vst v63  }
0x42: {  	_ =	swait.ge [sflag:s10], $0x80  }
0x43: {  	[sflag:s10] =	ssyncset.done $0x0  }
0x44: {  	[sflag:s10] =	ssyncadd.s32 $0xFFFFFF80  }
0x45: {  	[spmem:s2] =	stream.indirect.scatter.add.f32 [tilespmem:s9], [sflag:$0x2], $0x80, s13, s13, $0xb8;
	[tilespmem:$0x18100] =	vst v63  }
0x46: {  	_ =	swait.ge [sflag:s14], $0x4000  }
0x47: {  	[sflag:s14] =	ssyncset.done $0x0  }
0x48: {  	[sflag:s14] =	ssyncadd.s32 $0xFFFFC000  }
0x49: {  	_ =	swait.ge [sflag:s15], $0x4000  }
0x4a: {  	s16 =	sadd.s32 $0x1, s16;
	[sflag:s15] =	ssyncset.done $0x0  }
0x4b: {  	p0 =	sne.s32 s16, s7;
	[sflag:s15] =	ssyncadd.s32 $0xFFFFC000  }
.Ltmp1:
0x4c: {  	[bflag:$0x0] =	sbarrier.arrive $0xFFFF;
	(pc) =	sbr.rel @p0 .LBB2_1-.Ltmp1, $4  }
0x4d: {  	[hbm:s6], [sflag:s11] =	dma.local [spmem:s12], $0x2800  }
0x4e: {  	_ =	swait.ge [sflag:s10], $0x2800  }
0x4f: {  	[sflag:s10] =	ssyncset.done $0x0  }
0x50: {  	[sflag:s10] =	ssyncadd.s32 $0xFFFFD800  }
0x51: {  	_ =	sfence.sel $0x180000  }
0x52: {  	[bflag:$0x0] =	sbarrier.arrive $0xFFFF  }
0x53: {  	p0 =	sne.s32 s1, $0x0;
	_ =	strace $0x90000047  }
0x54: {  	s0 =	sadd.s32 @!p0 $0x100000, s0;
	[bflag:$0x2] =	sbarrier.arrive $0xFFFF  }
0x55: {  	[sflag:s0] =	ssyncadd.tile.s32 @!p0 $0x1;
	_ =	shalt  }
.Lfunc_end2:
_tile_overlayer_lowered:
.L_overlay_start_2:
0x56: {  	(tag) =	ssettag $0x2  }
0x57: {  	s0 =	rddreg [dreg:$0x0];
	s2 =	stileid.u32  }
0x58: {  	s1 =	rddreg [dreg:$0x1];
	p0 =	sne.s32 s2, $0x0  }
0x59: {  	s3 =	rddreg [dreg:$0x2];
	[bflag:$0x3] =	sbarrier.arrive $0xFFFF;
	s2 =	simm.s32 @!p0 $0x1C03  }
0x5a: {  	[timem:s3], [sflag:s2] =	dma.local @!p0 [hbm:s0], s1  }
0x5b: {  	s0 =	simm.s32 @!p0 $0x3  }
0x5c: {  	_ =	swait.ge @!p0 [sflag:s0], s1  }
0x5d: {  	s1 =	ssub.s32 @!p0 $0x0, s1;
	[sflag:s0] =	ssyncset.done @!p0 $0x0  }
0x5e: {  	[sflag:s0] =	ssyncadd.s32 @!p0 s1  }
0x5f: {  	[bflag:$0x3] =	sbarrier.arrive $0xFFFF  }
0x60: {  	_ =	shalt  }

// kernel: kernel.14.cloned.1.call-start
scs
__scs_entry_jumppad:
0x0: {  	(pc) =	sbr.rel $0x88, $3  }
0x1: {  	(tag) =	ssettag $0x0;
	lr =	simm.s32 $0x1  }
0x2: {  	[smem:$0x3F93] =	sst lr;
	_ =	strace $0xD0000000  }
0x3: {  	_ = 	snop  }
0x4: {  	_ = 	snop  }
0x5: {  	_ = 	snop  }
0x6: {  	_ = 	snop  }
0x7: {  	_ = 	snop  }
__scs_overlays_trampoline_lowered:
0x8: {  	[smem:$0x3FA2] =	sst s0  }
0x9: {  	[smem:$0x3FA3] =	sst s1  }
0xa: {  	[smem:$0x3FA4] =	sst s2  }
0xb: {  	[smem:$0x3FA5] =	sst s3  }
0xc: {  	[smem:$0x3FA6] =	sst s4  }
0xd: {  	[smem:$0x3FA7] =	sst s5  }
0xe: {  	[smem:$0x3FA8] =	sst s6  }
0xf: {  	[smem:$0x3FA9] =	sst s7  }
0x10: {  	[smem:$0x3FAA] =	sst s8  }
0x11: {  	[smem:$0x3FAB] =	sst s9;
	s0 =	simm.s32 @!p0 $0x0  }
0x12: {  	s1 =	sld [smem:$0x3F91];
	s0 =	simm.s32 @p0 $0x1  }
0x13: {  	[smem:$0x3FAC] =	sst s0;
	s0 =	simm.s32 @!p1 $0x0  }
0x14: {  	s2 =	sld [smem:$0x3F90];
	s0 =	simm.s32 @p1 $0x1  }
0x15: {  	[smem:$0x3FAD] =	sst s0;
	s0 =	simm.s32 @!p2 $0x0  }
0x16: {  	s3 =	sld [smem:$0x3FDB];
	s0 =	simm.s32 @p2 $0x1  }
0x17: {  	s4 =	simm.s32 $0x1BF5;
	[smem:$0x3FAF] =	sst s0  }
0x18: {  	s0 =	sld [smem:$0x3F92];
	_ =	swait.ge [sflag:s4], $0x0  }
0x19: {  	s7 =	sld [smem:$0x3F93]  }
0x1a: {  	s8 =	sadd.s32 $0xFFFFE003, lr  }
0x1b: {  	s9 =	sadd.s32 $0xFFFFFEF7, lr;
	s5 =	simm.s32 $0xFFFFFFFF;
	p2 =	slt.u32 s8, $0xFFFFF086  }
0x1c: {  	p1 =	slt.u32 s9, $0xF7A;
	s5 =	simm.s32 @!p2 $0x0  }
0x1d: {  	s5 =	simm.s32 @p1 $0x1;
	p0 =	seq.s32 s7, s2  }
0x1e: {  	s7 =	smul.u32 @!p0 $0xF7A, s2;
	p2 =	seq.s32 @!p0 s5, $0x0  }
0x1f: {  	s9 =	smul.u32 $0xF7A, s1;
	s8 =	simm.s32 @!p0 $0x1BF5;
	p2 =	por !p2, p0  }
0x20: {  	[sflag:s8] =	ssyncset.s32 @!p0 $0xFFFFF086;
	s6 =	sadd.s32 @!p0 s3, s7;
	s7 =	simm.s32 @!p0 $0x108  }
0x21: {  	s3 =	sadd.s32 s3, s9;
	s6 =	sadd.s32 @!p0 $0x88, s6;
	s7 =	simm.s32 @p2 $0x1082  }
0x22: {  	[simem:s7], [sflag:s8] =	dma.local @!p0 [hbm:s6], $0xF7A  }
0x23: {  	s9 =	sor.u32 $0xD0000000, s2;
	s6 =	simm.s32 $0x108;
	_ =	swait.ge @!p0 [sflag:s8], $0x0  }
0x24: {  	s3 =	sadd.s32 $0x88, s3;
	s6 =	simm.s32 @!p1 $0x1082;
	[sflag:s4] =	ssyncset.s32 $0xFFFFF086  }
0x25: {  	[simem:s6], [sflag:s4] =	dma.local [hbm:s3], $0xF7A  }
0x26: {  	[smem:$0x3F93] =	sst s1;
	(tag) =	ssettag s2;
	_ =	strace s9  }
0x27: {  	s1 =	sld [smem:$0x3FA3]  }
0x28: {  	s2 =	sld [smem:$0x3FA4]  }
0x29: {  	s4 =	sld [smem:$0x3FA6]  }
0x2a: {  	p0 =	seq.s32 s5, $0x0;
	s5 =	sld [smem:$0x3FA7]  }
0x2b: {  	s6 =	sld [smem:$0x3FA8]  }
0x2c: {  	s7 =	sld [smem:$0x3FA9]  }
0x2d: {  	s3 =	simm.s32 $0x108;
	s8 =	sld [smem:$0x3FAA]  }
0x2e: {  	s3 =	simm.s32 @!p0 $0x1082;
	s9 =	sld [smem:$0x3FAB]  }
0x2f: {  	lr =	sadd.s32 s0, s3;
	s0 =	sld [smem:$0x3FA2]  }
0x30: {  	s3 =	sld [smem:$0x3FA5]  }
0x31: {  	[smem:$0x3FAE] =	sst s10  }
0x32: {  	s10 =	sld [smem:$0x3FAC];
	_ =	sdelay $0x3  }
0x33: {  	p0 =	seq.s32 s10, $0x1;
	s10 =	sld [smem:$0x3FAE];
	_ =	sdelay $0x3  }
0x34: {  	[smem:$0x3FAE] =	sst s10  }
0x35: {  	s10 =	sld [smem:$0x3FAD];
	_ =	sdelay $0x3  }
0x36: {  	p1 =	seq.s32 s10, $0x1;
	s10 =	sld [smem:$0x3FAE];
	_ =	sdelay $0x3  }
0x37: {  	[smem:$0x3FAE] =	sst s10  }
0x38: {  	s10 =	sld [smem:$0x3FAF]  }
0x39: {  	_ = 	snop;
	(pc) =	sbr.ind lr, $3  }
0x3a: {  	_ = 	snop  }
0x3b: {  	_ = 	snop  }
0x3c: {  	p2 =	seq.s32 s10, $0x1;
	s10 =	sld [smem:$0x3FAE]  }
0x3d: {  	_ =	shalt  }
0x3e: {  	_ =	shalt  }
0x3f: {  	_ =	shalt  }
0x40: {  	_ =	shalt  }
0x41: {  	_ =	shalt  }
0x42: {  	_ =	shalt  }
0x43: {  	_ =	shalt  }
0x44: {  	_ =	shalt  }
0x45: {  	_ =	shalt  }
0x46: {  	_ =	shalt  }
0x47: {  	_ =	shalt  }
0x48: {  	_ =	shalt  }
0x49: {  	_ =	shalt  }
0x4a: {  	_ =	shalt  }
0x4b: {  	_ =	shalt  }
0x4c: {  	_ =	shalt  }
0x4d: {  	_ =	shalt  }
0x4e: {  	_ =	shalt  }
0x4f: {  	_ =	shalt  }
0x50: {  	_ =	shalt  }
0x51: {  	_ =	shalt  }
0x52: {  	_ =	shalt  }
0x53: {  	_ =	shalt  }
0x54: {  	_ =	shalt  }
0x55: {  	_ =	shalt  }
0x56: {  	_ =	shalt  }
0x57: {  	_ =	shalt  }
0x58: {  	_ =	shalt  }
0x59: {  	_ =	shalt  }
0x5a: {  	_ =	shalt  }
0x5b: {  	_ =	shalt  }
0x5c: {  	_ =	shalt  }
0x5d: {  	_ =	shalt  }
0x5e: {  	_ =	shalt  }
0x5f: {  	_ =	shalt  }
0x60: {  	_ =	shalt  }
0x61: {  	_ =	shalt  }
0x62: {  	_ =	shalt  }
0x63: {  	_ =	shalt  }
0x64: {  	_ =	shalt  }
0x65: {  	_ =	shalt  }
0x66: {  	_ =	shalt  }
0x67: {  	_ =	shalt  }
0x68: {  	_ =	shalt  }
0x69: {  	_ =	shalt  }
0x6a: {  	_ =	shalt  }
0x6b: {  	_ =	shalt  }
0x6c: {  	_ =	shalt  }
0x6d: {  	_ =	shalt  }
0x6e: {  	_ =	shalt  }
0x6f: {  	_ =	shalt  }
0x70: {  	_ =	shalt  }
0x71: {  	_ =	shalt  }
0x72: {  	_ =	shalt  }
0x73: {  	_ =	shalt  }
0x74: {  	_ =	shalt  }
0x75: {  	_ =	shalt  }
0x76: {  	_ =	shalt  }
0x77: {  	_ =	shalt  }
0x78: {  	_ =	shalt  }
0x79: {  	_ =	shalt  }
0x7a: {  	_ =	shalt  }
0x7b: {  	_ =	shalt  }
0x7c: {  	_ =	shalt  }
0x7d: {  	_ =	shalt  }
0x7e: {  	_ =	shalt  }
0x7f: {  	_ =	shalt  }
0x80: {  	_ =	shalt  }
0x81: {  	_ =	shalt  }
0x82: {  	_ =	shalt  }
0x83: {  	_ =	shalt  }
0x84: {  	_ =	shalt  }
0x85: {  	_ =	shalt  }
0x86: {  	_ =	shalt  }
0x87: {  	_ =	shalt  }
.Lfunc_end0:
.L_simem_size_0:
called_computation.1_lowered:
.L_overlay_start_0:
0x88: {  	s2 =	sld [smem:$0x3FD9]  }
0x89: {  	s3 =	sld [smem:$0x3FFE];
	_ =	sdelay $0x1  }
0x8a: {  	s1 =	srdreg.scid  }
0x8b: {  	s0 =	sand.u32 $0x1, s1  }
0x8c: {  	s14 =	sshll.u32 s0, $0xA;
	s2 =	sadd.s32 s3, s2  }
0x8d: {  	s2 =	sadd.s32 s2, s14  }
0x8e: {  	[smem:$0x3FBA] =	sst s2  }
0x8f: {  	_ = 	snop  }
0x90: {  	s2 =	sld [smem:$0x3FD0];
	_ =	sdelay $0x2  }
0x91: {  	s15 =	simm.s32 $0xB;
	s4 =	simm.s32 $0x10  }
0x92: {  	[smem:s4], [sflag:s15] =	dma.local [hbm:s2], $0x1  }
0x93: {  	_ =	swait.eq [sflag:s15], $0x1  }
0x94: {  	[sflag:s15] =	ssyncset.done $0x0  }
0x95: {  	s16 =	sld [smem:$0x10];
	[sflag:s15] =	ssyncadd.s32 $0xFFFFFFFF  }
0x96: {  	s17 =	sld [smem:$0x11];
	(tm) =	ssettm $0x1  }
0x97: {  	s18 =	sld [smem:$0x3FFB];
	_ =	sdelay $0x3  }
0x98: {  	_ =	strace s18  }
0x99: {  	s4 =	sld [smem:$0x3FFC];
	_ =	sdelay $0x3  }
0x9a: {  	_ =	strace s4  }
0x9b: {  	s4 =	sld [smem:$0x3FFD];
	_ =	sdelay $0x3  }
0x9c: {  	_ =	strace s4  }
0x9d: {  	_ =	strace $0x8FFFFFFF  }
0x9e: {  	s19 =	sld [smem:$0x3FDB];
	_ =	sdelay $0x1  }
0x9f: {  	s5 =	simm.s32 $_scs_section_size  }
0xa0: {  	s6 =	simm.s32 $_size__tile_overlayer_lowered;
	s7 =	simm.s32 $_tile_overlayer_lowered  }
0xa1: {  	s22 =	simm.s32 $0x1BFF;
	s21 =	sshll.u32 s7, $0x1;
	s4 =	sadd.s32 s5, s19  }
0xa2: {  	s8 =	simm.s32 $0x0;
	s20 =	sshll.u32 s6, $0x1;
	s6 =	sadd.s32 s21, s4  }
0xa3: {  	[timem:s8], [sflag:s22] =	dma.local [hbm:s6], s20  }
0xa4: {  	_ =	swait.ge [sflag:s22], s20  }
0xa5: {  	s5 =	ssub.s32 $0x0, s20;
	[sflag:s22] =	ssyncset.done $0x0  }
0xa6: {  	[sflag:s22] =	ssyncadd.s32 s5;
	_ =	sdelay $0x1  }
0xa7: {  	s23 =	simm.s32 $0x1B8B  }
0xa8: {  	_ =	swait.ge [sflag:s23], $0x1  }
0xa9: {  	[sflag:s23] =	ssyncset.done $0x0  }
0xaa: {  	s25 =	simm.s32 $0x1B8E;
	s24 =	sld [smem:$0x3FFE];
	[sflag:s23] =	ssyncadd.s32 $0xFFFFFFFF  }
0xab: {  	s26 =	simm.s32 $execute0_lowered;
	[smem:$0x3FD2] =	sst s25  }
0xac: {  	s6 =	sshll.u32 s26, $0x1;
	_ =	strace $0x80000049;
	[dreg:$0x1] =	wrdreg $0xFFFFFFFF  }
0xad: {  	s28 =	simm.s32 $_size_execute0_lowered;
	s4 =	sadd.s32 s4, s6;
	[dreg:$0x0] =	wrdreg $0x0  }
0xae: {  	s6 =	sshll.u32 s28, $0x1;
	[dreg:$0x2] =	wrdreg s4  }
0xaf: {  	[dreg:$0x3] =	wrdreg s6  }
0xb0: {  	[dreg:$0x4] =	wrdreg $0xC0  }
0xb1: {  	_ =	task [dreg:s8], $0x5FFFF  }
0xb2: {  	[dreg:$0x1] =	wrdreg $0xFFFFFFFF  }
0xb3: {  	[dreg:$0x0] =	wrdreg $0x60  }
0xb4: {  	[dreg:$0x2] =	wrdreg s24  }
0xb5: {  	[dreg:$0x3] =	wrdreg s16  }
0xb6: {  	[dreg:$0x4] =	wrdreg s17  }
0xb7: {  	[dreg:$0x5] =	wrdreg $0x82000  }
0xb8: {  	[dreg:$0x6] =	wrdreg $0x9  }
0xb9: {  	_ =	task.clear_ibuf [dreg:s8], $0x7FFFF;
	_ =	strace $0x90000049  }
0xba: {  	s29 =	simm.s32 $0x9;
	_ =	strace $0x8000004B  }
0xbb: {  	_ =	swait.ge [sflag:s29], $0x1  }
0xbc: {  	[sflag:s29] =	ssyncadd.s32 $0xFFFFFFFF  }
0xbd: {  	_ =	strace $0x9000004B  }
0xbe: {  	_ =	sfence  }
0xbf: {  	s30 =	sld [smem:$0x0];
	_ =	sdelay $0x2  }
0xc0: {  	s31 =	sshll.u32 s1, $0xD;
	s1 =	sshrl.u32 s1, $0x2  }
0xc1: {  	s3 =	sand.u32 $0x4000, s31;
	s1 =	sadd.s32 s1, s30  }
0xc2: {  	s0 =	sor.u32 s3, s0;
	s1 =	sshll.u32 s1, $0x11  }
0xc3: {  	s0 =	sor.u32 s1, s0  }
0xc4: {  	s0 =	sadd.s32 $0x8F2B, s0  }
0xc5: {  	[sflag:s0] =	ssyncadd.remote.s32 $0x1  }
0xc6: {  	_ =	sfence.sel $0xFFFF  }
0xc7: {  	[dreg:$0x0] =	wrdreg $0xFFFFFFFF;
	(pc) =	sbr.abs _section_cstart, $3  }
0xc8: {  	[dreg:$0x1] =	wrdreg $0xFFFFFFFF  }
0xc9: {  	_ =	task.clear_ibuf [dreg:s8], $0x2FFFF;
	_ =	strace $0x9FFFFFFF  }
0xca: {  	(tm) =	ssettm $0x7FFFFFFF  }
0xcb: {  	_ =	shalt  }
tec
execute0_lowered:
.L_overlay_start_1:
0x0: {  	(tag) =	ssettag $0x1  }
0x1: {  	s6 =	rddreg [dreg:$0x0]  }
0x2: {  	s8 =	rddreg [dreg:$0x1]  }
0x3: {  	s9 =	rddreg [dreg:$0x2]  }
0x4: {  	s1 =	rddreg [dreg:$0x3]  }
0x5: {  	s2 =	srdreg.scid;
	s0 =	rddreg [dreg:$0x4];
	s3 =	simm.s32 $0x0  }
0x6: {  	s15 =	simm.s32 $0x200;
	s16 =	simm.s32 $0x180;
	s17 =	simm.s32 $0x4200  }
0x7: {  	s18 =	simm.s32 $0x1;
	s19 =	simm.s32 $0x2;
	s7 =	sand.u32 $0x1, s2  }
0x8: {  	s20 =	simm.s32 $0x3;
	s2 =	stileid.u32;
	s5 =	smul.u32 $0x140000, s7  }
0x9: {  	s21 =	simm.s32 $0x4;
	s22 =	simm.s32 $0x0;
	s10 =	smul.u32 $0x14000, s2  }
0xa: {  	[smem:$0x7FF] =	sst s3;
	s4 =	sadd.s32 $0x7400, s6;
	s13 =	smul.u32 $0x50000, s2  }
0xb: {  	_ =	strace $0x8000004A;
	s25 =	ssub.s32 $0x2, s7;
	s29 =	smul.u32 $0xA00, s2  }
0xc: {  	s28 =	sshll.u32 s2, $0x6;
	s30 =	smul.u32 $0x500, s7;
	s12 =	sshrl.u32 s25, $0x1  }
0xd: {  	s5 =	sadd.s32 s10, s5;
	s10 =	ssub.s32 s25, s12;
	s26 =	sshrl.u32 s13, $0x2  }
0xe: {  	s9 =	sadd.s32 s29, s9;
	s31 =	sadd.s32 s29, s8;
	s12 =	simm.s32 $0x5  }
0xf: {  	s13 =	simm.s32 $0x100;
	s11 =	sshrl.u32 s5, $0x3;
	s5 =	sadd.s32 $0x4C00, s6  }
0x10: {  	s14 =	sadd.s32 s26, s1;
	s8 =	smax.u32 s10, $0x1;
	s9 =	sadd.s32 s30, s9  }
0x11: {  	s10 =	sadd.s32 s30, s31;
	s11 =	sadd.s32 s11, s6;
	s6 =	sor.u32 $0x1C05, s28  }
0x12: {  	s7 =	sadd.s32 $0x55800, s11;
	s11 =	sshrl.u32 s14, $0x3;
	s14 =	simm.s32 $0x80  }
.LBB2_1:
0x13: {  	[spmem:s11], [sflag:s6] =	dma.local [hbm:s5], $0x2800  }
0x14: {  	_ =	swait.ge [sflag:s12], $0x2800  }
0x15: {  	[sflag:s12] =	ssyncset.done $0x0  }
0x16: {  	[sflag:s12] =	ssyncadd.s32 $0xFFFFD800  }
0x17: {  	s23 =	sadd.s32 $0x0, s10;
	[bflag:$0x0] =	sbarrier.arrive $0xFFFF  }
0x18: {  	[tilespmem:s3], [sflag:$0x5] =	stream.linear.gather [hbm4b:s23+s3], $0x80, $0x38;
	[tilespmem:$0x1C200] =	vst v63  }
0x19: {  	_ =	swait.ge [sflag:s12], $0x80  }
0x1a: {  	[sflag:s12] =	ssyncset.done $0x0  }
0x1b: {  	s24 =	sadd.s32 $0x0, s9;
	[sflag:s12] =	ssyncadd.s32 $0xFFFFFF80  }
0x1c: {  	[tilespmem:s13], [sflag:$0x5] =	stream.linear.gather [hbm4b:s24+s3], $0x80, $0x38;
	[tilespmem:$0x1C200] =	vst v63  }
0x1d: {  	_ =	swait.ge [sflag:s12], $0x80  }
0x1e: {  	[sflag:s12] =	ssyncset.done $0x0  }
0x1f: {  	[sflag:s12] =	ssyncadd.s32 $0xFFFFFF80  }
0x20: {  	[tilespmem:s15], [sflag:$0x1] =	stream.indirect.gather [hbm4b:s4+s14], $0x80, s3, s14, $0xb8;
	[tilespmem:$0x1C200] =	vst v63  }
0x21: {  	s23 =	sadd.s32 $0x10, s23  }
0x22: {  	[tilespmem:s14], [sflag:$0x5] =	stream.linear.gather [hbm4b:s23+s3], $0x80, $0x38;
	[tilespmem:$0x1C200] =	vst v63  }
0x23: {  	_ =	swait.ge [sflag:s12], $0x80  }
0x24: {  	[sflag:s12] =	ssyncset.done $0x0  }
0x25: {  	s31 =	sadd.s32 $0x10, s24;
	[sflag:s12] =	ssyncadd.s32 $0xFFFFFF80  }
0x26: {  	[tilespmem:s16], [sflag:$0x5] =	stream.linear.gather [hbm4b:s31+s3], $0x80, $0x38;
	[tilespmem:$0x1C200] =	vst v63  }
0x27: {  	_ =	swait.ge [sflag:s12], $0x80  }
0x28: {  	[sflag:s12] =	ssyncset.done $0x0  }
0x29: {  	[sflag:s12] =	ssyncadd.s32 $0xFFFFFF80  }
0x2a: {  	[tilespmem:s17], [sflag:$0x2] =	stream.indirect.gather [hbm4b:s4+s14], $0x80, s14, s14, $0xb8;
	[tilespmem:$0x1C200] =	vst v63  }
0x2b: {  	_ =	swait.ge [sflag:s18], $0x4000  }
0x2c: {  	[sflag:s18] =	ssyncset.done $0x0  }
0x2d: {  	[sflag:s18] =	ssyncadd.s32 $0xFFFFC000  }
0x2e: {  	[spmem:s1] =	stream.indirect.scatter.add.f32 [tilespmem:s15], [sflag:$0x3], $0x80, s13, s14, $0xb8;
	[tilespmem:$0x1C200] =	vst v63  }
0x2f: {  	_ =	swait.ge [sflag:s19], $0x4000  }
0x30: {  	[sflag:s19] =	ssyncset.done $0x0  }
0x31: {  	[sflag:s19] =	ssyncadd.s32 $0xFFFFC000  }
0x32: {  	[spmem:s1] =	stream.indirect.scatter.add.f32 [tilespmem:s17], [sflag:$0x4], $0x80, s16, s14, $0xb8;
	[tilespmem:$0x1C200] =	vst v63  }
0x33: {  	_ =	swait.ge [sflag:s20], $0x4000  }
0x34: {  	[sflag:s20] =	ssyncset.done $0x0  }
0x35: {  	[sflag:s20] =	ssyncadd.s32 $0xFFFFC000  }
0x36: {  	_ =	swait.ge [sflag:s21], $0x4000  }
0x37: {  	s25 =	simm.s32 $0x40;
	s23 =	simm.s32 $0x20;
	[sflag:s21] =	ssyncset.done $0x0  }
.LBB2_2:
0x38: {  	s26 =	sadd.s32 s23, s10  }
0x39: {  	[sflag:s21] =	ssyncadd.s32 $0xFFFFC000;
	s28 =	smov.u32 s25;
	s24 =	sadd.s32 $0x20, s25  }
0x3a: {  	[tilespmem:s3], [sflag:$0x5] =	stream.linear.gather [hbm4b:s26+s3], $0x80, $0x38;
	[tilespmem:$0x1C200] =	vst v63  }
0x3b: {  	p0 =	sne.s32 s25, $0x4E0;
	_ =	swait.ge [sflag:s12], $0x80  }
0x3c: {  	[sflag:s12] =	ssyncset.done $0x0  }
0x3d: {  	s25 =	sadd.s32 s23, s9;
	s23 =	smov.u32 s28;
	[sflag:s12] =	ssyncadd.s32 $0xFFFFFF80  }
0x3e: {  	[tilespmem:s13], [sflag:$0x5] =	stream.linear.gather [hbm4b:s25+s3], $0x80, $0x38;
	[tilespmem:$0x1C200] =	vst v63  }
0x3f: {  	_ =	swait.ge [sflag:s12], $0x80  }
0x40: {  	[sflag:s12] =	ssyncset.done $0x0  }
0x41: {  	[sflag:s12] =	ssyncadd.s32 $0xFFFFFF80  }
0x42: {  	[tilespmem:s15], [sflag:$0x1] =	stream.indirect.gather [hbm4b:s4+s14], $0x80, s3, s14, $0xb8;
	[tilespmem:$0x1C200] =	vst v63  }
0x43: {  	s26 =	sadd.s32 $0x10, s26  }
0x44: {  	[tilespmem:s14], [sflag:$0x5] =	stream.linear.gather [hbm4b:s26+s3], $0x80, $0x38;
	[tilespmem:$0x1C200] =	vst v63  }
0x45: {  	_ =	swait.ge [sflag:s12], $0x80  }
0x46: {  	[sflag:s12] =	ssyncset.done $0x0  }
0x47: {  	s25 =	sadd.s32 $0x10, s25;
	[sflag:s12] =	ssyncadd.s32 $0xFFFFFF80  }
0x48: {  	[tilespmem:s16], [sflag:$0x5] =	stream.linear.gather [hbm4b:s25+s3], $0x80, $0x38;
	[tilespmem:$0x1C200] =	vst v63  }
0x49: {  	_ =	swait.ge [sflag:s12], $0x80  }
0x4a: {  	[sflag:s12] =	ssyncset.done $0x0  }
0x4b: {  	[sflag:s12] =	ssyncadd.s32 $0xFFFFFF80  }
0x4c: {  	[tilespmem:s17], [sflag:$0x2] =	stream.indirect.gather [hbm4b:s4+s14], $0x80, s14, s14, $0xb8;
	[tilespmem:$0x1C200] =	vst v63  }
0x4d: {  	_ =	swait.ge [sflag:s18], $0x4000  }
0x4e: {  	[sflag:s18] =	ssyncset.done $0x0  }
0x4f: {  	[sflag:s18] =	ssyncadd.s32 $0xFFFFC000  }
0x50: {  	[spmem:s1] =	stream.indirect.scatter.add.f32 [tilespmem:s15], [sflag:$0x3], $0x80, s13, s14, $0xb8;
	[tilespmem:$0x1C200] =	vst v63  }
0x51: {  	_ =	swait.ge [sflag:s19], $0x4000  }
0x52: {  	[sflag:s19] =	ssyncset.done $0x0  }
0x53: {  	[sflag:s19] =	ssyncadd.s32 $0xFFFFC000  }
0x54: {  	[spmem:s1] =	stream.indirect.scatter.add.f32 [tilespmem:s17], [sflag:$0x4], $0x80, s16, s14, $0xb8;
	[tilespmem:$0x1C200] =	vst v63  }
.Ltmp0:
0x55: {  	_ =	swait.ge [sflag:s20], $0x4000;
	(pc) =	sbr.rel @p0 .LBB2_2-.Ltmp0, $4  }
0x56: {  	[sflag:s20] =	ssyncset.done $0x0  }
0x57: {  	[sflag:s20] =	ssyncadd.s32 $0xFFFFC000  }
0x58: {  	_ =	swait.ge [sflag:s21], $0x4000  }
0x59: {  	s25 =	smov.u32 s24;
	[sflag:s21] =	ssyncset.done $0x0  }
0x5a: {  	s24 =	sadd.s32 s23, s10;
	[sflag:s21] =	ssyncadd.s32 $0xFFFFC000  }
0x5b: {  	[tilespmem:s3], [sflag:$0x5] =	stream.linear.gather [hbm4b:s24+s3], $0x80, $0x38;
	[tilespmem:$0x1C200] =	vst v63  }
0x5c: {  	_ =	swait.ge [sflag:s12], $0x80  }
0x5d: {  	[sflag:s12] =	ssyncset.done $0x0  }
0x5e: {  	s31 =	sadd.s32 s23, s9;
	[sflag:s12] =	ssyncadd.s32 $0xFFFFFF80  }
0x5f: {  	[tilespmem:s13], [sflag:$0x5] =	stream.linear.gather [hbm4b:s31+s3], $0x80, $0x38;
	[tilespmem:$0x1C200] =	vst v63  }
0x60: {  	_ =	swait.ge [sflag:s12], $0x80  }
0x61: {  	[sflag:s12] =	ssyncset.done $0x0  }
0x62: {  	[sflag:s12] =	ssyncadd.s32 $0xFFFFFF80  }
0x63: {  	[tilespmem:s15], [sflag:$0x1] =	stream.indirect.gather [hbm4b:s4+s14], $0x80, s3, s14, $0xb8;
	[tilespmem:$0x1C200] =	vst v63  }
0x64: {  	s24 =	sadd.s32 $0x10, s24  }
0x65: {  	[tilespmem:s14], [sflag:$0x5] =	stream.linear.gather [hbm4b:s24+s3], $0x80, $0x38;
	[tilespmem:$0x1C200] =	vst v63  }
0x66: {  	_ =	swait.ge [sflag:s12], $0x80  }
0x67: {  	[sflag:s12] =	ssyncset.done $0x0  }
0x68: {  	s23 =	sadd.s32 $0x10, s31;
	[sflag:s12] =	ssyncadd.s32 $0xFFFFFF80  }
0x69: {  	[tilespmem:s16], [sflag:$0x5] =	stream.linear.gather [hbm4b:s23+s3], $0x80, $0x38;
	[tilespmem:$0x1C200] =	vst v63  }
0x6a: {  	_ =	swait.ge [sflag:s12], $0x80  }
0x6b: {  	[sflag:s12] =	ssyncset.done $0x0  }
0x6c: {  	[sflag:s12] =	ssyncadd.s32 $0xFFFFFF80  }
0x6d: {  	[tilespmem:s17], [sflag:$0x2] =	stream.indirect.gather [hbm4b:s4+s14], $0x80, s14, s14, $0xb8;
	[tilespmem:$0x1C200] =	vst v63  }
0x6e: {  	_ =	swait.ge [sflag:s18], $0x4000  }
0x6f: {  	[sflag:s18] =	ssyncset.done $0x0  }
0x70: {  	[sflag:s18] =	ssyncadd.s32 $0xFFFFC000  }
0x71: {  	[spmem:s1] =	stream.indirect.scatter.add.f32 [tilespmem:s15], [sflag:$0x3], $0x80, s13, s14, $0xb8;
	[tilespmem:$0x1C200] =	vst v63  }
0x72: {  	_ =	swait.ge [sflag:s19], $0x4000  }
0x73: {  	[sflag:s19] =	ssyncset.done $0x0  }
0x74: {  	[sflag:s19] =	ssyncadd.s32 $0xFFFFC000  }
0x75: {  	[spmem:s1] =	stream.indirect.scatter.add.f32 [tilespmem:s17], [sflag:$0x4], $0x80, s16, s14, $0xb8;
	[tilespmem:$0x1C200] =	vst v63  }
0x76: {  	_ =	swait.ge [sflag:s20], $0x4000  }
0x77: {  	[sflag:s20] =	ssyncset.done $0x0  }
0x78: {  	[sflag:s20] =	ssyncadd.s32 $0xFFFFC000  }
0x79: {  	_ =	swait.ge [sflag:s21], $0x4000  }
0x7a: {  	s22 =	sadd.s32 $0x1, s22;
	[sflag:s21] =	ssyncset.done $0x0  }
0x7b: {  	p0 =	sne.s32 s22, s8;
	[sflag:s21] =	ssyncadd.s32 $0xFFFFC000  }
.Ltmp1:
0x7c: {  	[bflag:$0x0] =	sbarrier.arrive $0xFFFF;
	(pc) =	sbr.rel @p0 .LBB2_1-.Ltmp1, $4  }
0x7d: {  	[hbm:s7], [sflag:s6] =	dma.local [spmem:s11], $0x2800  }
0x7e: {  	_ =	swait.ge [sflag:s12], $0x2800  }
0x7f: {  	[sflag:s12] =	ssyncset.done $0x0  }
0x80: {  	[sflag:s12] =	ssyncadd.s32 $0xFFFFD800  }
0x81: {  	_ =	sfence.sel $0x180000  }
0x82: {  	[bflag:$0x0] =	sbarrier.arrive $0xFFFF  }
0x83: {  	p0 =	sne.s32 s2, $0x0;
	_ =	strace $0x9000004A  }
0x84: {  	s0 =	sadd.s32 @!p0 $0x100000, s0;
	[bflag:$0x2] =	sbarrier.arrive $0xFFFF  }
0x85: {  	[sflag:s0] =	ssyncadd.tile.s32 @!p0 $0x1;
	_ =	shalt  }
.Lfunc_end2:
_tile_overlayer_lowered:
.L_overlay_start_2:
0x86: {  	(tag) =	ssettag $0x2  }
0x87: {  	s0 =	rddreg [dreg:$0x0];
	s2 =	stileid.u32  }
0x88: {  	s1 =	rddreg [dreg:$0x1];
	p0 =	sne.s32 s2, $0x0  }
0x89: {  	s3 =	rddreg [dreg:$0x2];
	[bflag:$0x3] =	sbarrier.arrive $0xFFFF;
	s2 =	simm.s32 @!p0 $0x1C05  }
0x8a: {  	[timem:s3], [sflag:s2] =	dma.local @!p0 [hbm:s0], s1  }
0x8b: {  	s0 =	simm.s32 @!p0 $0x5  }
0x8c: {  	_ =	swait.ge @!p0 [sflag:s0], s1  }
0x8d: {  	s1 =	ssub.s32 @!p0 $0x0, s1;
	[sflag:s0] =	ssyncset.done @!p0 $0x0  }
0x8e: {  	[sflag:s0] =	ssyncadd.s32 @!p0 s1  }
0x8f: {  	[bflag:$0x3] =	sbarrier.arrive $0xFFFF  }
0x90: {  	_ =	shalt  }

// kernel: kernel.17.cloned.1.call-start
scs
__scs_entry_jumppad:
0x0: {  	(pc) =	sbr.rel $0x88, $3  }
0x1: {  	(tag) =	ssettag $0x0;
	lr =	simm.s32 $0x1  }
0x2: {  	[smem:$0x3F93] =	sst lr;
	_ =	strace $0xD0000000  }
0x3: {  	_ = 	snop  }
0x4: {  	_ = 	snop  }
0x5: {  	_ = 	snop  }
0x6: {  	_ = 	snop  }
0x7: {  	_ = 	snop  }
__scs_overlays_trampoline_lowered:
0x8: {  	[smem:$0x3FA2] =	sst s0  }
0x9: {  	[smem:$0x3FA3] =	sst s1  }
0xa: {  	[smem:$0x3FA4] =	sst s2  }
0xb: {  	[smem:$0x3FA5] =	sst s3  }
0xc: {  	[smem:$0x3FA6] =	sst s4  }
0xd: {  	[smem:$0x3FA7] =	sst s5  }
0xe: {  	[smem:$0x3FA8] =	sst s6  }
0xf: {  	[smem:$0x3FA9] =	sst s7  }
0x10: {  	[smem:$0x3FAA] =	sst s8  }
0x11: {  	[smem:$0x3FAB] =	sst s9;
	s0 =	simm.s32 @!p0 $0x0  }
0x12: {  	s1 =	sld [smem:$0x3F91];
	s0 =	simm.s32 @p0 $0x1  }
0x13: {  	[smem:$0x3FAC] =	sst s0;
	s0 =	simm.s32 @!p1 $0x0  }
0x14: {  	s2 =	sld [smem:$0x3F90];
	s0 =	simm.s32 @p1 $0x1  }
0x15: {  	[smem:$0x3FAD] =	sst s0;
	s0 =	simm.s32 @!p2 $0x0  }
0x16: {  	s3 =	sld [smem:$0x3FDB];
	s0 =	simm.s32 @p2 $0x1  }
0x17: {  	s4 =	simm.s32 $0x1BF5;
	[smem:$0x3FAF] =	sst s0  }
0x18: {  	s0 =	sld [smem:$0x3F92];
	_ =	swait.ge [sflag:s4], $0x0  }
0x19: {  	s7 =	sld [smem:$0x3F93]  }
0x1a: {  	s8 =	sadd.s32 $0xFFFFE003, lr  }
0x1b: {  	s9 =	sadd.s32 $0xFFFFFEF7, lr;
	s5 =	simm.s32 $0xFFFFFFFF;
	p2 =	slt.u32 s8, $0xFFFFF086  }
0x1c: {  	p1 =	slt.u32 s9, $0xF7A;
	s5 =	simm.s32 @!p2 $0x0  }
0x1d: {  	s5 =	simm.s32 @p1 $0x1;
	p0 =	seq.s32 s7, s2  }
0x1e: {  	s7 =	smul.u32 @!p0 $0xF7A, s2;
	p2 =	seq.s32 @!p0 s5, $0x0  }
0x1f: {  	s9 =	smul.u32 $0xF7A, s1;
	s8 =	simm.s32 @!p0 $0x1BF5;
	p2 =	por !p2, p0  }
0x20: {  	[sflag:s8] =	ssyncset.s32 @!p0 $0xFFFFF086;
	s6 =	sadd.s32 @!p0 s3, s7;
	s7 =	simm.s32 @!p0 $0x108  }
0x21: {  	s3 =	sadd.s32 s3, s9;
	s6 =	sadd.s32 @!p0 $0x88, s6;
	s7 =	simm.s32 @p2 $0x1082  }
0x22: {  	[simem:s7], [sflag:s8] =	dma.local @!p0 [hbm:s6], $0xF7A  }
0x23: {  	s9 =	sor.u32 $0xD0000000, s2;
	s6 =	simm.s32 $0x108;
	_ =	swait.ge @!p0 [sflag:s8], $0x0  }
0x24: {  	s3 =	sadd.s32 $0x88, s3;
	s6 =	simm.s32 @!p1 $0x1082;
	[sflag:s4] =	ssyncset.s32 $0xFFFFF086  }
0x25: {  	[simem:s6], [sflag:s4] =	dma.local [hbm:s3], $0xF7A  }
0x26: {  	[smem:$0x3F93] =	sst s1;
	(tag) =	ssettag s2;
	_ =	strace s9  }
0x27: {  	s1 =	sld [smem:$0x3FA3]  }
0x28: {  	s2 =	sld [smem:$0x3FA4]  }
0x29: {  	s4 =	sld [smem:$0x3FA6]  }
0x2a: {  	p0 =	seq.s32 s5, $0x0;
	s5 =	sld [smem:$0x3FA7]  }
0x2b: {  	s6 =	sld [smem:$0x3FA8]  }
0x2c: {  	s7 =	sld [smem:$0x3FA9]  }
0x2d: {  	s3 =	simm.s32 $0x108;
	s8 =	sld [smem:$0x3FAA]  }
0x2e: {  	s3 =	simm.s32 @!p0 $0x1082;
	s9 =	sld [smem:$0x3FAB]  }
0x2f: {  	lr =	sadd.s32 s0, s3;
	s0 =	sld [smem:$0x3FA2]  }
0x30: {  	s3 =	sld [smem:$0x3FA5]  }
0x31: {  	[smem:$0x3FAE] =	sst s10  }
0x32: {  	s10 =	sld [smem:$0x3FAC];
	_ =	sdelay $0x3  }
0x33: {  	p0 =	seq.s32 s10, $0x1;
	s10 =	sld [smem:$0x3FAE];
	_ =	sdelay $0x3  }
0x34: {  	[smem:$0x3FAE] =	sst s10  }
0x35: {  	s10 =	sld [smem:$0x3FAD];
	_ =	sdelay $0x3  }
0x36: {  	p1 =	seq.s32 s10, $0x1;
	s10 =	sld [smem:$0x3FAE];
	_ =	sdelay $0x3  }
0x37: {  	[smem:$0x3FAE] =	sst s10  }
0x38: {  	s10 =	sld [smem:$0x3FAF]  }
0x39: {  	_ = 	snop;
	(pc) =	sbr.ind lr, $3  }
0x3a: {  	_ = 	snop  }
0x3b: {  	_ = 	snop  }
0x3c: {  	p2 =	seq.s32 s10, $0x1;
	s10 =	sld [smem:$0x3FAE]  }
0x3d: {  	_ =	shalt  }
0x3e: {  	_ =	shalt  }
0x3f: {  	_ =	shalt  }
0x40: {  	_ =	shalt  }
0x41: {  	_ =	shalt  }
0x42: {  	_ =	shalt  }
0x43: {  	_ =	shalt  }
0x44: {  	_ =	shalt  }
0x45: {  	_ =	shalt  }
0x46: {  	_ =	shalt  }
0x47: {  	_ =	shalt  }
0x48: {  	_ =	shalt  }
0x49: {  	_ =	shalt  }
0x4a: {  	_ =	shalt  }
0x4b: {  	_ =	shalt  }
0x4c: {  	_ =	shalt  }
0x4d: {  	_ =	shalt  }
0x4e: {  	_ =	shalt  }
0x4f: {  	_ =	shalt  }
0x50: {  	_ =	shalt  }
0x51: {  	_ =	shalt  }
0x52: {  	_ =	shalt  }
0x53: {  	_ =	shalt  }
0x54: {  	_ =	shalt  }
0x55: {  	_ =	shalt  }
0x56: {  	_ =	shalt  }
0x57: {  	_ =	shalt  }
0x58: {  	_ =	shalt  }
0x59: {  	_ =	shalt  }
0x5a: {  	_ =	shalt  }
0x5b: {  	_ =	shalt  }
0x5c: {  	_ =	shalt  }
0x5d: {  	_ =	shalt  }
0x5e: {  	_ =	shalt  }
0x5f: {  	_ =	shalt  }
0x60: {  	_ =	shalt  }
0x61: {  	_ =	shalt  }
0x62: {  	_ =	shalt  }
0x63: {  	_ =	shalt  }
0x64: {  	_ =	shalt  }
0x65: {  	_ =	shalt  }
0x66: {  	_ =	shalt  }
0x67: {  	_ =	shalt  }
0x68: {  	_ =	shalt  }
0x69: {  	_ =	shalt  }
0x6a: {  	_ =	shalt  }
0x6b: {  	_ =	shalt  }
0x6c: {  	_ =	shalt  }
0x6d: {  	_ =	shalt  }
0x6e: {  	_ =	shalt  }
0x6f: {  	_ =	shalt  }
0x70: {  	_ =	shalt  }
0x71: {  	_ =	shalt  }
0x72: {  	_ =	shalt  }
0x73: {  	_ =	shalt  }
0x74: {  	_ =	shalt  }
0x75: {  	_ =	shalt  }
0x76: {  	_ =	shalt  }
0x77: {  	_ =	shalt  }
0x78: {  	_ =	shalt  }
0x79: {  	_ =	shalt  }
0x7a: {  	_ =	shalt  }
0x7b: {  	_ =	shalt  }
0x7c: {  	_ =	shalt  }
0x7d: {  	_ =	shalt  }
0x7e: {  	_ =	shalt  }
0x7f: {  	_ =	shalt  }
0x80: {  	_ =	shalt  }
0x81: {  	_ =	shalt  }
0x82: {  	_ =	shalt  }
0x83: {  	_ =	shalt  }
0x84: {  	_ =	shalt  }
0x85: {  	_ =	shalt  }
0x86: {  	_ =	shalt  }
0x87: {  	_ =	shalt  }
.Lfunc_end0:
.L_simem_size_0:
called_computation.2_lowered:
.L_overlay_start_0:
0x88: {  	s2 =	sld [smem:$0x3FD9]  }
0x89: {  	s3 =	sld [smem:$0x3FFE];
	_ =	sdelay $0x1  }
0x8a: {  	s1 =	srdreg.scid  }
0x8b: {  	s0 =	sand.u32 $0x1, s1  }
0x8c: {  	s14 =	sshll.u32 s0, $0xA;
	s2 =	sadd.s32 s3, s2  }
0x8d: {  	s2 =	sadd.s32 s2, s14  }
0x8e: {  	[smem:$0x3FBA] =	sst s2  }
0x8f: {  	_ = 	snop  }
0x90: {  	s2 =	sld [smem:$0x3FD0];
	_ =	sdelay $0x2  }
0x91: {  	s15 =	simm.s32 $0xB;
	s4 =	simm.s32 $0x10  }
0x92: {  	[smem:s4], [sflag:s15] =	dma.local [hbm:s2], $0x1  }
0x93: {  	_ =	swait.eq [sflag:s15], $0x1  }
0x94: {  	[sflag:s15] =	ssyncset.done $0x0  }
0x95: {  	s16 =	sld [smem:$0x10];
	[sflag:s15] =	ssyncadd.s32 $0xFFFFFFFF  }
0x96: {  	s17 =	sld [smem:$0x11];
	(tm) =	ssettm $0x1  }
0x97: {  	s18 =	sld [smem:$0x3FFB];
	_ =	sdelay $0x3  }
0x98: {  	_ =	strace s18  }
0x99: {  	s4 =	sld [smem:$0x3FFC];
	_ =	sdelay $0x3  }
0x9a: {  	_ =	strace s4  }
0x9b: {  	s4 =	sld [smem:$0x3FFD];
	_ =	sdelay $0x3  }
0x9c: {  	_ =	strace s4  }
0x9d: {  	_ =	strace $0x8FFFFFFF  }
0x9e: {  	s19 =	sld [smem:$0x3FDB];
	_ =	sdelay $0x1  }
0x9f: {  	s5 =	simm.s32 $_scs_section_size  }
0xa0: {  	s6 =	simm.s32 $_size__tile_overlayer_lowered;
	s7 =	simm.s32 $_tile_overlayer_lowered  }
0xa1: {  	s22 =	simm.s32 $0x1BFF;
	s21 =	sshll.u32 s7, $0x1;
	s4 =	sadd.s32 s5, s19  }
0xa2: {  	s8 =	simm.s32 $0x0;
	s20 =	sshll.u32 s6, $0x1;
	s6 =	sadd.s32 s21, s4  }
0xa3: {  	[timem:s8], [sflag:s22] =	dma.local [hbm:s6], s20  }
0xa4: {  	_ =	swait.ge [sflag:s22], s20  }
0xa5: {  	s5 =	ssub.s32 $0x0, s20;
	[sflag:s22] =	ssyncset.done $0x0  }
0xa6: {  	[sflag:s22] =	ssyncadd.s32 s5;
	_ =	sdelay $0x1  }
0xa7: {  	s23 =	simm.s32 $0x1B8B  }
0xa8: {  	_ =	swait.ge [sflag:s23], $0x1  }
0xa9: {  	[sflag:s23] =	ssyncset.done $0x0  }
0xaa: {  	s25 =	simm.s32 $0x1B8E;
	s24 =	sld [smem:$0x3FFE];
	[sflag:s23] =	ssyncadd.s32 $0xFFFFFFFF  }
0xab: {  	s26 =	simm.s32 $execute0_lowered;
	[smem:$0x3FD2] =	sst s25  }
0xac: {  	s6 =	sshll.u32 s26, $0x1;
	_ =	strace $0x8000004C;
	[dreg:$0x1] =	wrdreg $0xFFFFFFFF  }
0xad: {  	s28 =	simm.s32 $_size_execute0_lowered;
	s4 =	sadd.s32 s4, s6;
	[dreg:$0x0] =	wrdreg $0x0  }
0xae: {  	s6 =	sshll.u32 s28, $0x1;
	[dreg:$0x2] =	wrdreg s4  }
0xaf: {  	[dreg:$0x3] =	wrdreg s6  }
0xb0: {  	[dreg:$0x4] =	wrdreg $0xC0  }
0xb1: {  	_ =	task [dreg:s8], $0x5FFFF  }
0xb2: {  	[dreg:$0x1] =	wrdreg $0xFFFFFFFF  }
0xb3: {  	[dreg:$0x0] =	wrdreg $0x60  }
0xb4: {  	[dreg:$0x2] =	wrdreg s24  }
0xb5: {  	[dreg:$0x3] =	wrdreg s16  }
0xb6: {  	[dreg:$0x4] =	wrdreg s17  }
0xb7: {  	[dreg:$0x5] =	wrdreg $0x82000  }
0xb8: {  	[dreg:$0x6] =	wrdreg $0x9  }
0xb9: {  	_ =	task.clear_ibuf [dreg:s8], $0x7FFFF;
	_ =	strace $0x9000004C  }
0xba: {  	s29 =	simm.s32 $0x9;
	_ =	strace $0x8000004E  }
0xbb: {  	_ =	swait.ge [sflag:s29], $0x1  }
0xbc: {  	[sflag:s29] =	ssyncadd.s32 $0xFFFFFFFF  }
0xbd: {  	_ =	strace $0x9000004E  }
0xbe: {  	_ =	sfence  }
0xbf: {  	s30 =	sld [smem:$0x0];
	_ =	sdelay $0x2  }
0xc0: {  	s31 =	sshll.u32 s1, $0xD;
	s1 =	sshrl.u32 s1, $0x2  }
0xc1: {  	s3 =	sand.u32 $0x4000, s31;
	s1 =	sadd.s32 s1, s30  }
0xc2: {  	s0 =	sor.u32 s3, s0;
	s1 =	sshll.u32 s1, $0x11  }
0xc3: {  	s0 =	sor.u32 s1, s0  }
0xc4: {  	s0 =	sadd.s32 $0x8F2B, s0  }
0xc5: {  	[sflag:s0] =	ssyncadd.remote.s32 $0x1  }
0xc6: {  	_ =	sfence.sel $0xFFFF  }
0xc7: {  	[dreg:$0x0] =	wrdreg $0xFFFFFFFF;
	(pc) =	sbr.abs _section_cstart, $3  }
0xc8: {  	[dreg:$0x1] =	wrdreg $0xFFFFFFFF  }
0xc9: {  	_ =	task.clear_ibuf [dreg:s8], $0x2FFFF;
	_ =	strace $0x9FFFFFFF  }
0xca: {  	(tm) =	ssettm $0x7FFFFFFF  }
0xcb: {  	_ =	shalt  }
tec
execute0_lowered:
.L_overlay_start_1:
0x0: {  	(tag) =	ssettag $0x1  }
0x1: {  	s6 =	rddreg [dreg:$0x0]  }
0x2: {  	s8 =	rddreg [dreg:$0x1]  }
0x3: {  	s9 =	rddreg [dreg:$0x2]  }
0x4: {  	s1 =	rddreg [dreg:$0x3]  }
0x5: {  	s2 =	srdreg.scid;
	s0 =	rddreg [dreg:$0x4];
	s3 =	simm.s32 $0x0  }
0x6: {  	s15 =	simm.s32 $0x200;
	s16 =	simm.s32 $0x180;
	s17 =	simm.s32 $0x4200  }
0x7: {  	s18 =	simm.s32 $0x1;
	s19 =	simm.s32 $0x2;
	s7 =	sand.u32 $0x1, s2  }
0x8: {  	s20 =	simm.s32 $0x3;
	s2 =	stileid.u32;
	s5 =	smul.u32 $0x140000, s7  }
0x9: {  	s21 =	simm.s32 $0x4;
	s22 =	simm.s32 $0x0;
	s10 =	smul.u32 $0x14000, s2  }
0xa: {  	[smem:$0x7FF] =	sst s3;
	s4 =	sadd.s32 $0x7400, s6;
	s13 =	smul.u32 $0x50000, s2  }
0xb: {  	_ =	strace $0x8000004D;
	s25 =	ssub.s32 $0x2, s7;
	s29 =	smul.u32 $0xA00, s2  }
0xc: {  	s28 =	sshll.u32 s2, $0x6;
	s30 =	smul.u32 $0x500, s7;
	s12 =	sshrl.u32 s25, $0x1  }
0xd: {  	s5 =	sadd.s32 s10, s5;
	s10 =	ssub.s32 s25, s12;
	s26 =	sshrl.u32 s13, $0x2  }
0xe: {  	s9 =	sadd.s32 s29, s9;
	s31 =	sadd.s32 s29, s8;
	s12 =	simm.s32 $0x5  }
0xf: {  	s13 =	simm.s32 $0x100;
	s11 =	sshrl.u32 s5, $0x3;
	s5 =	sadd.s32 $0x4C00, s6  }
0x10: {  	s14 =	sadd.s32 s26, s1;
	s8 =	smax.u32 s10, $0x1;
	s9 =	sadd.s32 s30, s9  }
0x11: {  	s10 =	sadd.s32 s30, s31;
	s11 =	sadd.s32 s11, s6;
	s6 =	sor.u32 $0x1C05, s28  }
0x12: {  	s7 =	sadd.s32 $0x7CA00, s11;
	s11 =	sshrl.u32 s14, $0x3;
	s14 =	simm.s32 $0x80  }
.LBB2_1:
0x13: {  	[spmem:s11], [sflag:s6] =	dma.local [hbm:s5], $0x2800  }
0x14: {  	_ =	swait.ge [sflag:s12], $0x2800  }
0x15: {  	[sflag:s12] =	ssyncset.done $0x0  }
0x16: {  	[sflag:s12] =	ssyncadd.s32 $0xFFFFD800  }
0x17: {  	s23 =	sadd.s32 $0x0, s10;
	[bflag:$0x0] =	sbarrier.arrive $0xFFFF  }
0x18: {  	[tilespmem:s3], [sflag:$0x5] =	stream.linear.gather [hbm4b:s23+s3], $0x80, $0x38;
	[tilespmem:$0x1C200] =	vst v63  }
0x19: {  	_ =	swait.ge [sflag:s12], $0x80  }
0x1a: {  	[sflag:s12] =	ssyncset.done $0x0  }
0x1b: {  	s24 =	sadd.s32 $0x0, s9;
	[sflag:s12] =	ssyncadd.s32 $0xFFFFFF80  }
0x1c: {  	[tilespmem:s13], [sflag:$0x5] =	stream.linear.gather [hbm4b:s24+s3], $0x80, $0x38;
	[tilespmem:$0x1C200] =	vst v63  }
0x1d: {  	_ =	swait.ge [sflag:s12], $0x80  }
0x1e: {  	[sflag:s12] =	ssyncset.done $0x0  }
0x1f: {  	[sflag:s12] =	ssyncadd.s32 $0xFFFFFF80  }
0x20: {  	[tilespmem:s15], [sflag:$0x1] =	stream.indirect.gather [hbm4b:s4+s14], $0x80, s3, s14, $0xb8;
	[tilespmem:$0x1C200] =	vst v63  }
0x21: {  	s23 =	sadd.s32 $0x10, s23  }
0x22: {  	[tilespmem:s14], [sflag:$0x5] =	stream.linear.gather [hbm4b:s23+s3], $0x80, $0x38;
	[tilespmem:$0x1C200] =	vst v63  }
0x23: {  	_ =	swait.ge [sflag:s12], $0x80  }
0x24: {  	[sflag:s12] =	ssyncset.done $0x0  }
0x25: {  	s31 =	sadd.s32 $0x10, s24;
	[sflag:s12] =	ssyncadd.s32 $0xFFFFFF80  }
0x26: {  	[tilespmem:s16], [sflag:$0x5] =	stream.linear.gather [hbm4b:s31+s3], $0x80, $0x38;
	[tilespmem:$0x1C200] =	vst v63  }
0x27: {  	_ =	swait.ge [sflag:s12], $0x80  }
0x28: {  	[sflag:s12] =	ssyncset.done $0x0  }
0x29: {  	[sflag:s12] =	ssyncadd.s32 $0xFFFFFF80  }
0x2a: {  	[tilespmem:s17], [sflag:$0x2] =	stream.indirect.gather [hbm4b:s4+s14], $0x80, s14, s14, $0xb8;
	[tilespmem:$0x1C200] =	vst v63  }
0x2b: {  	_ =	swait.ge [sflag:s18], $0x4000  }
0x2c: {  	[sflag:s18] =	ssyncset.done $0x0  }
0x2d: {  	[sflag:s18] =	ssyncadd.s32 $0xFFFFC000  }
0x2e: {  	[spmem:s1] =	stream.indirect.scatter.add.f32 [tilespmem:s15], [sflag:$0x3], $0x80, s13, s14, $0xb8;
	[tilespmem:$0x1C200] =	vst v63  }
0x2f: {  	_ =	swait.ge [sflag:s19], $0x4000  }
0x30: {  	[sflag:s19] =	ssyncset.done $0x0  }
0x31: {  	[sflag:s19] =	ssyncadd.s32 $0xFFFFC000  }
0x32: {  	[spmem:s1] =	stream.indirect.scatter.add.f32 [tilespmem:s17], [sflag:$0x4], $0x80, s16, s14, $0xb8;
	[tilespmem:$0x1C200] =	vst v63  }
0x33: {  	_ =	swait.ge [sflag:s20], $0x4000  }
0x34: {  	[sflag:s20] =	ssyncset.done $0x0  }
0x35: {  	[sflag:s20] =	ssyncadd.s32 $0xFFFFC000  }
0x36: {  	_ =	swait.ge [sflag:s21], $0x4000  }
0x37: {  	s25 =	simm.s32 $0x40;
	s23 =	simm.s32 $0x20;
	[sflag:s21] =	ssyncset.done $0x0  }
.LBB2_2:
0x38: {  	s26 =	sadd.s32 s23, s10  }
0x39: {  	[sflag:s21] =	ssyncadd.s32 $0xFFFFC000;
	s28 =	smov.u32 s25;
	s24 =	sadd.s32 $0x20, s25  }
0x3a: {  	[tilespmem:s3], [sflag:$0x5] =	stream.linear.gather [hbm4b:s26+s3], $0x80, $0x38;
	[tilespmem:$0x1C200] =	vst v63  }
0x3b: {  	p0 =	sne.s32 s25, $0x4E0;
	_ =	swait.ge [sflag:s12], $0x80  }
0x3c: {  	[sflag:s12] =	ssyncset.done $0x0  }
0x3d: {  	s25 =	sadd.s32 s23, s9;
	s23 =	smov.u32 s28;
	[sflag:s12] =	ssyncadd.s32 $0xFFFFFF80  }
0x3e: {  	[tilespmem:s13], [sflag:$0x5] =	stream.linear.gather [hbm4b:s25+s3], $0x80, $0x38;
	[tilespmem:$0x1C200] =	vst v63  }
0x3f: {  	_ =	swait.ge [sflag:s12], $0x80  }
0x40: {  	[sflag:s12] =	ssyncset.done $0x0  }
0x41: {  	[sflag:s12] =	ssyncadd.s32 $0xFFFFFF80  }
0x42: {  	[tilespmem:s15], [sflag:$0x1] =	stream.indirect.gather [hbm4b:s4+s14], $0x80, s3, s14, $0xb8;
	[tilespmem:$0x1C200] =	vst v63  }
0x43: {  	s26 =	sadd.s32 $0x10, s26  }
0x44: {  	[tilespmem:s14], [sflag:$0x5] =	stream.linear.gather [hbm4b:s26+s3], $0x80, $0x38;
	[tilespmem:$0x1C200] =	vst v63  }
0x45: {  	_ =	swait.ge [sflag:s12], $0x80  }
0x46: {  	[sflag:s12] =	ssyncset.done $0x0  }
0x47: {  	s25 =	sadd.s32 $0x10, s25;
	[sflag:s12] =	ssyncadd.s32 $0xFFFFFF80  }
0x48: {  	[tilespmem:s16], [sflag:$0x5] =	stream.linear.gather [hbm4b:s25+s3], $0x80, $0x38;
	[tilespmem:$0x1C200] =	vst v63  }
0x49: {  	_ =	swait.ge [sflag:s12], $0x80  }
0x4a: {  	[sflag:s12] =	ssyncset.done $0x0  }
0x4b: {  	[sflag:s12] =	ssyncadd.s32 $0xFFFFFF80  }
0x4c: {  	[tilespmem:s17], [sflag:$0x2] =	stream.indirect.gather [hbm4b:s4+s14], $0x80, s14, s14, $0xb8;
	[tilespmem:$0x1C200] =	vst v63  }
0x4d: {  	_ =	swait.ge [sflag:s18], $0x4000  }
0x4e: {  	[sflag:s18] =	ssyncset.done $0x0  }
0x4f: {  	[sflag:s18] =	ssyncadd.s32 $0xFFFFC000  }
0x50: {  	[spmem:s1] =	stream.indirect.scatter.add.f32 [tilespmem:s15], [sflag:$0x3], $0x80, s13, s14, $0xb8;
	[tilespmem:$0x1C200] =	vst v63  }
0x51: {  	_ =	swait.ge [sflag:s19], $0x4000  }
0x52: {  	[sflag:s19] =	ssyncset.done $0x0  }
0x53: {  	[sflag:s19] =	ssyncadd.s32 $0xFFFFC000  }
0x54: {  	[spmem:s1] =	stream.indirect.scatter.add.f32 [tilespmem:s17], [sflag:$0x4], $0x80, s16, s14, $0xb8;
	[tilespmem:$0x1C200] =	vst v63  }
.Ltmp0:
0x55: {  	_ =	swait.ge [sflag:s20], $0x4000;
	(pc) =	sbr.rel @p0 .LBB2_2-.Ltmp0, $4  }
0x56: {  	[sflag:s20] =	ssyncset.done $0x0  }
0x57: {  	[sflag:s20] =	ssyncadd.s32 $0xFFFFC000  }
0x58: {  	_ =	swait.ge [sflag:s21], $0x4000  }
0x59: {  	s25 =	smov.u32 s24;
	[sflag:s21] =	ssyncset.done $0x0  }
0x5a: {  	s24 =	sadd.s32 s23, s10;
	[sflag:s21] =	ssyncadd.s32 $0xFFFFC000  }
0x5b: {  	[tilespmem:s3], [sflag:$0x5] =	stream.linear.gather [hbm4b:s24+s3], $0x80, $0x38;
	[tilespmem:$0x1C200] =	vst v63  }
0x5c: {  	_ =	swait.ge [sflag:s12], $0x80  }
0x5d: {  	[sflag:s12] =	ssyncset.done $0x0  }
0x5e: {  	s31 =	sadd.s32 s23, s9;
	[sflag:s12] =	ssyncadd.s32 $0xFFFFFF80  }
0x5f: {  	[tilespmem:s13], [sflag:$0x5] =	stream.linear.gather [hbm4b:s31+s3], $0x80, $0x38;
	[tilespmem:$0x1C200] =	vst v63  }
0x60: {  	_ =	swait.ge [sflag:s12], $0x80  }
0x61: {  	[sflag:s12] =	ssyncset.done $0x0  }
0x62: {  	[sflag:s12] =	ssyncadd.s32 $0xFFFFFF80  }
0x63: {  	[tilespmem:s15], [sflag:$0x1] =	stream.indirect.gather [hbm4b:s4+s14], $0x80, s3, s14, $0xb8;
	[tilespmem:$0x1C200] =	vst v63  }
0x64: {  	s24 =	sadd.s32 $0x10, s24  }
0x65: {  	[tilespmem:s14], [sflag:$0x5] =	stream.linear.gather [hbm4b:s24+s3], $0x80, $0x38;
	[tilespmem:$0x1C200] =	vst v63  }
0x66: {  	_ =	swait.ge [sflag:s12], $0x80  }
0x67: {  	[sflag:s12] =	ssyncset.done $0x0  }
0x68: {  	s23 =	sadd.s32 $0x10, s31;
	[sflag:s12] =	ssyncadd.s32 $0xFFFFFF80  }
0x69: {  	[tilespmem:s16], [sflag:$0x5] =	stream.linear.gather [hbm4b:s23+s3], $0x80, $0x38;
	[tilespmem:$0x1C200] =	vst v63  }
0x6a: {  	_ =	swait.ge [sflag:s12], $0x80  }
0x6b: {  	[sflag:s12] =	ssyncset.done $0x0  }
0x6c: {  	[sflag:s12] =	ssyncadd.s32 $0xFFFFFF80  }
0x6d: {  	[tilespmem:s17], [sflag:$0x2] =	stream.indirect.gather [hbm4b:s4+s14], $0x80, s14, s14, $0xb8;
	[tilespmem:$0x1C200] =	vst v63  }
0x6e: {  	_ =	swait.ge [sflag:s18], $0x4000  }
0x6f: {  	[sflag:s18] =	ssyncset.done $0x0  }
0x70: {  	[sflag:s18] =	ssyncadd.s32 $0xFFFFC000  }
0x71: {  	[spmem:s1] =	stream.indirect.scatter.add.f32 [tilespmem:s15], [sflag:$0x3], $0x80, s13, s14, $0xb8;
	[tilespmem:$0x1C200] =	vst v63  }
0x72: {  	_ =	swait.ge [sflag:s19], $0x4000  }
0x73: {  	[sflag:s19] =	ssyncset.done $0x0  }
0x74: {  	[sflag:s19] =	ssyncadd.s32 $0xFFFFC000  }
0x75: {  	[spmem:s1] =	stream.indirect.scatter.add.f32 [tilespmem:s17], [sflag:$0x4], $0x80, s16, s14, $0xb8;
	[tilespmem:$0x1C200] =	vst v63  }
0x76: {  	_ =	swait.ge [sflag:s20], $0x4000  }
0x77: {  	[sflag:s20] =	ssyncset.done $0x0  }
0x78: {  	[sflag:s20] =	ssyncadd.s32 $0xFFFFC000  }
0x79: {  	_ =	swait.ge [sflag:s21], $0x4000  }
0x7a: {  	s22 =	sadd.s32 $0x1, s22;
	[sflag:s21] =	ssyncset.done $0x0  }
0x7b: {  	p0 =	sne.s32 s22, s8;
	[sflag:s21] =	ssyncadd.s32 $0xFFFFC000  }
.Ltmp1:
0x7c: {  	[bflag:$0x0] =	sbarrier.arrive $0xFFFF;
	(pc) =	sbr.rel @p0 .LBB2_1-.Ltmp1, $4  }
0x7d: {  	[hbm:s7], [sflag:s6] =	dma.local [spmem:s11], $0x2800  }
0x7e: {  	_ =	swait.ge [sflag:s12], $0x2800  }
0x7f: {  	[sflag:s12] =	ssyncset.done $0x0  }
0x80: {  	[sflag:s12] =	ssyncadd.s32 $0xFFFFD800  }
0x81: {  	_ =	sfence.sel $0x180000  }
0x82: {  	[bflag:$0x0] =	sbarrier.arrive $0xFFFF  }
0x83: {  	p0 =	sne.s32 s2, $0x0;
	_ =	strace $0x9000004D  }
0x84: {  	s0 =	sadd.s32 @!p0 $0x100000, s0;
	[bflag:$0x2] =	sbarrier.arrive $0xFFFF  }
0x85: {  	[sflag:s0] =	ssyncadd.tile.s32 @!p0 $0x1;
	_ =	shalt  }
.Lfunc_end2:
_tile_overlayer_lowered:
.L_overlay_start_2:
0x86: {  	(tag) =	ssettag $0x2  }
0x87: {  	s0 =	rddreg [dreg:$0x0];
	s2 =	stileid.u32  }
0x88: {  	s1 =	rddreg [dreg:$0x1];
	p0 =	sne.s32 s2, $0x0  }
0x89: {  	s3 =	rddreg [dreg:$0x2];
	[bflag:$0x3] =	sbarrier.arrive $0xFFFF;
	s2 =	simm.s32 @!p0 $0x1C05  }
0x8a: {  	[timem:s3], [sflag:s2] =	dma.local @!p0 [hbm:s0], s1  }
0x8b: {  	s0 =	simm.s32 @!p0 $0x5  }
0x8c: {  	_ =	swait.ge @!p0 [sflag:s0], s1  }
0x8d: {  	s1 =	ssub.s32 @!p0 $0x0, s1;
	[sflag:s0] =	ssyncset.done @!p0 $0x0  }
0x8e: {  	[sflag:s0] =	ssyncadd.s32 @!p0 s1  }
0x8f: {  	[bflag:$0x3] =	sbarrier.arrive $0xFFFF  }
0x90: {  	_ =	shalt  }

// kernel: kernel.20.cloned.1.call-start
scs
__scs_entry_jumppad:
0x0: {  	(pc) =	sbr.rel $0x88, $3  }
0x1: {  	(tag) =	ssettag $0x0;
	lr =	simm.s32 $0x1  }
0x2: {  	[smem:$0x3F93] =	sst lr;
	_ =	strace $0xD0000000  }
0x3: {  	_ = 	snop  }
0x4: {  	_ = 	snop  }
0x5: {  	_ = 	snop  }
0x6: {  	_ = 	snop  }
0x7: {  	_ = 	snop  }
__scs_overlays_trampoline_lowered:
0x8: {  	[smem:$0x3FA2] =	sst s0  }
0x9: {  	[smem:$0x3FA3] =	sst s1  }
0xa: {  	[smem:$0x3FA4] =	sst s2  }
0xb: {  	[smem:$0x3FA5] =	sst s3  }
0xc: {  	[smem:$0x3FA6] =	sst s4  }
0xd: {  	[smem:$0x3FA7] =	sst s5  }
0xe: {  	[smem:$0x3FA8] =	sst s6  }
0xf: {  	[smem:$0x3FA9] =	sst s7  }
0x10: {  	[smem:$0x3FAA] =	sst s8  }
0x11: {  	[smem:$0x3FAB] =	sst s9;
	s0 =	simm.s32 @!p0 $0x0  }
0x12: {  	s1 =	sld [smem:$0x3F91];
	s0 =	simm.s32 @p0 $0x1  }
0x13: {  	[smem:$0x3FAC] =	sst s0;
	s0 =	simm.s32 @!p1 $0x0  }
0x14: {  	s2 =	sld [smem:$0x3F90];
	s0 =	simm.s32 @p1 $0x1  }
0x15: {  	[smem:$0x3FAD] =	sst s0;
	s0 =	simm.s32 @!p2 $0x0  }
0x16: {  	s3 =	sld [smem:$0x3FDB];
	s0 =	simm.s32 @p2 $0x1  }
0x17: {  	s4 =	simm.s32 $0x1BF5;
	[smem:$0x3FAF] =	sst s0  }
0x18: {  	s0 =	sld [smem:$0x3F92];
	_ =	swait.ge [sflag:s4], $0x0  }
0x19: {  	s7 =	sld [smem:$0x3F93]  }
0x1a: {  	s8 =	sadd.s32 $0xFFFFE003, lr  }
0x1b: {  	s9 =	sadd.s32 $0xFFFFFEF7, lr;
	s5 =	simm.s32 $0xFFFFFFFF;
	p2 =	slt.u32 s8, $0xFFFFF086  }
0x1c: {  	p1 =	slt.u32 s9, $0xF7A;
	s5 =	simm.s32 @!p2 $0x0  }
0x1d: {  	s5 =	simm.s32 @p1 $0x1;
	p0 =	seq.s32 s7, s2  }
0x1e: {  	s7 =	smul.u32 @!p0 $0xF7A, s2;
	p2 =	seq.s32 @!p0 s5, $0x0  }
0x1f: {  	s9 =	smul.u32 $0xF7A, s1;
	s8 =	simm.s32 @!p0 $0x1BF5;
	p2 =	por !p2, p0  }
0x20: {  	[sflag:s8] =	ssyncset.s32 @!p0 $0xFFFFF086;
	s6 =	sadd.s32 @!p0 s3, s7;
	s7 =	simm.s32 @!p0 $0x108  }
0x21: {  	s3 =	sadd.s32 s3, s9;
	s6 =	sadd.s32 @!p0 $0x88, s6;
	s7 =	simm.s32 @p2 $0x1082  }
0x22: {  	[simem:s7], [sflag:s8] =	dma.local @!p0 [hbm:s6], $0xF7A  }
0x23: {  	s9 =	sor.u32 $0xD0000000, s2;
	s6 =	simm.s32 $0x108;
	_ =	swait.ge @!p0 [sflag:s8], $0x0  }
0x24: {  	s3 =	sadd.s32 $0x88, s3;
	s6 =	simm.s32 @!p1 $0x1082;
	[sflag:s4] =	ssyncset.s32 $0xFFFFF086  }
0x25: {  	[simem:s6], [sflag:s4] =	dma.local [hbm:s3], $0xF7A  }
0x26: {  	[smem:$0x3F93] =	sst s1;
	(tag) =	ssettag s2;
	_ =	strace s9  }
0x27: {  	s1 =	sld [smem:$0x3FA3]  }
0x28: {  	s2 =	sld [smem:$0x3FA4]  }
0x29: {  	s4 =	sld [smem:$0x3FA6]  }
0x2a: {  	p0 =	seq.s32 s5, $0x0;
	s5 =	sld [smem:$0x3FA7]  }
0x2b: {  	s6 =	sld [smem:$0x3FA8]  }
0x2c: {  	s7 =	sld [smem:$0x3FA9]  }
0x2d: {  	s3 =	simm.s32 $0x108;
	s8 =	sld [smem:$0x3FAA]  }
0x2e: {  	s3 =	simm.s32 @!p0 $0x1082;
	s9 =	sld [smem:$0x3FAB]  }
0x2f: {  	lr =	sadd.s32 s0, s3;
	s0 =	sld [smem:$0x3FA2]  }
0x30: {  	s3 =	sld [smem:$0x3FA5]  }
0x31: {  	[smem:$0x3FAE] =	sst s10  }
0x32: {  	s10 =	sld [smem:$0x3FAC];
	_ =	sdelay $0x3  }
0x33: {  	p0 =	seq.s32 s10, $0x1;
	s10 =	sld [smem:$0x3FAE];
	_ =	sdelay $0x3  }
0x34: {  	[smem:$0x3FAE] =	sst s10  }
0x35: {  	s10 =	sld [smem:$0x3FAD];
	_ =	sdelay $0x3  }
0x36: {  	p1 =	seq.s32 s10, $0x1;
	s10 =	sld [smem:$0x3FAE];
	_ =	sdelay $0x3  }
0x37: {  	[smem:$0x3FAE] =	sst s10  }
0x38: {  	s10 =	sld [smem:$0x3FAF]  }
0x39: {  	_ = 	snop;
	(pc) =	sbr.ind lr, $3  }
0x3a: {  	_ = 	snop  }
0x3b: {  	_ = 	snop  }
0x3c: {  	p2 =	seq.s32 s10, $0x1;
	s10 =	sld [smem:$0x3FAE]  }
0x3d: {  	_ =	shalt  }
0x3e: {  	_ =	shalt  }
0x3f: {  	_ =	shalt  }
0x40: {  	_ =	shalt  }
0x41: {  	_ =	shalt  }
0x42: {  	_ =	shalt  }
0x43: {  	_ =	shalt  }
0x44: {  	_ =	shalt  }
0x45: {  	_ =	shalt  }
0x46: {  	_ =	shalt  }
0x47: {  	_ =	shalt  }
0x48: {  	_ =	shalt  }
0x49: {  	_ =	shalt  }
0x4a: {  	_ =	shalt  }
0x4b: {  	_ =	shalt  }
0x4c: {  	_ =	shalt  }
0x4d: {  	_ =	shalt  }
0x4e: {  	_ =	shalt  }
0x4f: {  	_ =	shalt  }
0x50: {  	_ =	shalt  }
0x51: {  	_ =	shalt  }
0x52: {  	_ =	shalt  }
0x53: {  	_ =	shalt  }
0x54: {  	_ =	shalt  }
0x55: {  	_ =	shalt  }
0x56: {  	_ =	shalt  }
0x57: {  	_ =	shalt  }
0x58: {  	_ =	shalt  }
0x59: {  	_ =	shalt  }
0x5a: {  	_ =	shalt  }
0x5b: {  	_ =	shalt  }
0x5c: {  	_ =	shalt  }
0x5d: {  	_ =	shalt  }
0x5e: {  	_ =	shalt  }
0x5f: {  	_ =	shalt  }
0x60: {  	_ =	shalt  }
0x61: {  	_ =	shalt  }
0x62: {  	_ =	shalt  }
0x63: {  	_ =	shalt  }
0x64: {  	_ =	shalt  }
0x65: {  	_ =	shalt  }
0x66: {  	_ =	shalt  }
0x67: {  	_ =	shalt  }
0x68: {  	_ =	shalt  }
0x69: {  	_ =	shalt  }
0x6a: {  	_ =	shalt  }
0x6b: {  	_ =	shalt  }
0x6c: {  	_ =	shalt  }
0x6d: {  	_ =	shalt  }
0x6e: {  	_ =	shalt  }
0x6f: {  	_ =	shalt  }
0x70: {  	_ =	shalt  }
0x71: {  	_ =	shalt  }
0x72: {  	_ =	shalt  }
0x73: {  	_ =	shalt  }
0x74: {  	_ =	shalt  }
0x75: {  	_ =	shalt  }
0x76: {  	_ =	shalt  }
0x77: {  	_ =	shalt  }
0x78: {  	_ =	shalt  }
0x79: {  	_ =	shalt  }
0x7a: {  	_ =	shalt  }
0x7b: {  	_ =	shalt  }
0x7c: {  	_ =	shalt  }
0x7d: {  	_ =	shalt  }
0x7e: {  	_ =	shalt  }
0x7f: {  	_ =	shalt  }
0x80: {  	_ =	shalt  }
0x81: {  	_ =	shalt  }
0x82: {  	_ =	shalt  }
0x83: {  	_ =	shalt  }
0x84: {  	_ =	shalt  }
0x85: {  	_ =	shalt  }
0x86: {  	_ =	shalt  }
0x87: {  	_ =	shalt  }
.Lfunc_end0:
.L_simem_size_0:
called_computation.3_lowered:
.L_overlay_start_0:
0x88: {  	s2 =	sld [smem:$0x3FD9]  }
0x89: {  	s3 =	sld [smem:$0x3FFE];
	_ =	sdelay $0x1  }
0x8a: {  	s1 =	srdreg.scid  }
0x8b: {  	s0 =	sand.u32 $0x1, s1  }
0x8c: {  	s15 =	sshll.u32 s0, $0xA;
	s2 =	sadd.s32 s3, s2  }
0x8d: {  	s2 =	sadd.s32 s2, s15  }
0x8e: {  	[smem:$0x3FBA] =	sst s2  }
0x8f: {  	_ = 	snop  }
0x90: {  	s2 =	sld [smem:$0x3FD0];
	_ =	sdelay $0x2  }
0x91: {  	s4 =	simm.s32 $0xB;
	s16 =	simm.s32 $0x10  }
0x92: {  	[smem:s16], [sflag:s4] =	dma.local [hbm:s2], $0x1  }
0x93: {  	_ =	swait.eq [sflag:s4], $0x1  }
0x94: {  	[sflag:s4] =	ssyncset.done $0x0  }
0x95: {  	s17 =	sld [smem:$0x10];
	[sflag:s4] =	ssyncadd.s32 $0xFFFFFFFF  }
0x96: {  	s18 =	sld [smem:$0x11];
	(tm) =	ssettm $0x1  }
0x97: {  	s19 =	sld [smem:$0x3FFB];
	_ =	sdelay $0x3  }
0x98: {  	_ =	strace s19  }
0x99: {  	s2 =	sld [smem:$0x3FFC];
	_ =	sdelay $0x3  }
0x9a: {  	_ =	strace s2  }
0x9b: {  	s2 =	sld [smem:$0x3FFD];
	_ =	sdelay $0x3  }
0x9c: {  	_ =	strace s2  }
0x9d: {  	_ =	strace $0x8FFFFFFF  }
0x9e: {  	s20 =	sld [smem:$0x3FDB];
	_ =	sdelay $0x1  }
0x9f: {  	s5 =	simm.s32 $_scs_section_size  }
0xa0: {  	s6 =	simm.s32 $_size__tile_overlayer_lowered;
	s7 =	simm.s32 $_tile_overlayer_lowered  }
0xa1: {  	s8 =	simm.s32 $0x1BFF;
	s21 =	sshll.u32 s7, $0x1;
	s5 =	sadd.s32 s5, s20  }
0xa2: {  	s22 =	simm.s32 $0x0;
	s6 =	sshll.u32 s6, $0x1;
	s7 =	sadd.s32 s21, s5  }
0xa3: {  	[timem:s22], [sflag:s8] =	dma.local [hbm:s7], s6  }
0xa4: {  	_ =	swait.ge [sflag:s8], s6  }
0xa5: {  	s6 =	ssub.s32 $0x0, s6;
	[sflag:s8] =	ssyncset.done $0x0  }
0xa6: {  	[sflag:s8] =	ssyncadd.s32 s6;
	_ =	sdelay $0x1  }
0xa7: {  	s23 =	simm.s32 $0x1B8B  }
0xa8: {  	_ =	swait.ge [sflag:s23], $0x1  }
0xa9: {  	[sflag:s23] =	ssyncset.done $0x0  }
0xaa: {  	[sflag:s23] =	ssyncadd.s32 $0xFFFFFFFF  }
0xab: {  	s6 =	sld [smem:$0x0]  }
0xac: {  	s7 =	sand.u32 $0xFFFFFFFE, s1  }
0xad: {  	p0 =	sne.s32 s1, s7  }
0xae: {  	s7 =	sshll.u32 @p0 s7, $0xE  }
0xaf: {  	s7 =	sadd.s32 @p0 $0x11B8D, s7;
	s8 =	sshll.u32 @p0 s6, $0x11  }
0xb0: {  	s7 =	sor.u32 @p0 s8, s7  }
0xb1: {  	[sflag:s7] =	ssyncadd.remote.s32 @p0 $0x1;
	_ =	sdelay $0x1  }
0xb2: {  	s7 =	simm.s32 @p0 $0x1B8D  }
0xb3: {  	_ =	swait.eq @p0 [sflag:s7], $0x1  }
0xb4: {  	[sflag:s7] =	ssyncadd.s32 @p0 $0xFFFFFFFF  }
0xb5: {  	s8 =	sshll.u32 @!p0 s1, $0xE  }
0xb6: {  	s8 =	sor.u32 @!p0 $0x4000, s8;
	s7 =	simm.s32 @!p0 $0x1B8D  }
0xb7: {  	s6 =	sshll.u32 @!p0 s6, $0x11;
	s8 =	sadd.s32 @!p0 $0x11B8D, s8;
	_ =	swait.eq @!p0 [sflag:s7], $0x1  }
0xb8: {  	s6 =	sor.u32 @!p0 s6, s8;
	[sflag:s7] =	ssyncadd.s32 @!p0 $0xFFFFFFFF  }
0xb9: {  	s25 =	simm.s32 $0x1B8E;
	s24 =	sld [smem:$0x3FFE];
	[sflag:s6] =	ssyncadd.remote.s32 @!p0 $0x1  }
0xba: {  	s26 =	simm.s32 $execute0_lowered;
	[smem:$0x3FD2] =	sst s25  }
0xbb: {  	s7 =	sshll.u32 s26, $0x1;
	_ =	strace $0x8000004F;
	[dreg:$0x1] =	wrdreg $0xFFFFFFFF  }
0xbc: {  	s28 =	simm.s32 $_size_execute0_lowered;
	s5 =	sadd.s32 s5, s7;
	[dreg:$0x0] =	wrdreg $0x0  }
0xbd: {  	s7 =	sshll.u32 s28, $0x1;
	[dreg:$0x2] =	wrdreg s5  }
0xbe: {  	[dreg:$0x3] =	wrdreg s7  }
0xbf: {  	[dreg:$0x4] =	wrdreg $0xC0  }
0xc0: {  	_ =	task [dreg:s22], $0x5FFFF  }
0xc1: {  	[dreg:$0x1] =	wrdreg $0xFFFFFFFF  }
0xc2: {  	[dreg:$0x0] =	wrdreg $0x60  }
0xc3: {  	[dreg:$0x2] =	wrdreg s24  }
0xc4: {  	[dreg:$0x3] =	wrdreg s17  }
0xc5: {  	[dreg:$0x4] =	wrdreg s18  }
0xc6: {  	[dreg:$0x5] =	wrdreg $0x82000  }
0xc7: {  	[dreg:$0x6] =	wrdreg $0xA  }
0xc8: {  	_ =	task.clear_ibuf [dreg:s22], $0x7FFFF;
	_ =	strace $0x9000004F  }
0xc9: {  	s29 =	simm.s32 $0xA;
	_ =	strace $0x80000051  }
0xca: {  	_ =	swait.ge [sflag:s29], $0x1  }
0xcb: {  	[sflag:s29] =	ssyncadd.s32 $0xFFFFFFFF  }
0xcc: {  	_ =	strace $0x90000051  }
0xcd: {  	_ =	sfence  }
0xce: {  	s30 =	sld [smem:$0x0];
	_ =	sdelay $0x2  }
0xcf: {  	s31 =	sshll.u32 s1, $0xD;
	s1 =	sshrl.u32 s1, $0x2  }
0xd0: {  	s4 =	sand.u32 $0x4000, s31;
	s1 =	sadd.s32 s1, s30  }
0xd1: {  	s0 =	sor.u32 s4, s0;
	s1 =	sshll.u32 s1, $0x11  }
0xd2: {  	s0 =	sor.u32 s1, s0  }
0xd3: {  	s0 =	sadd.s32 $0x8F2B, s0  }
0xd4: {  	[sflag:s0] =	ssyncadd.remote.s32 $0x1  }
0xd5: {  	_ =	sfence.sel $0xFFFF  }
0xd6: {  	[dreg:$0x0] =	wrdreg $0xFFFFFFFF;
	(pc) =	sbr.abs _section_cstart, $3  }
0xd7: {  	[dreg:$0x1] =	wrdreg $0xFFFFFFFF  }
0xd8: {  	_ =	task.clear_ibuf [dreg:s22], $0x2FFFF;
	_ =	strace $0x9FFFFFFF  }
0xd9: {  	(tm) =	ssettm $0x7FFFFFFF  }
tec
execute0_lowered:
.L_overlay_start_1:
0x0: {  	(tag) =	ssettag $0x1  }
0x1: {  	s6 =	rddreg [dreg:$0x0]  }
0x2: {  	s8 =	rddreg [dreg:$0x1]  }
0x3: {  	s9 =	rddreg [dreg:$0x2]  }
0x4: {  	s1 =	rddreg [dreg:$0x3]  }
0x5: {  	s2 =	srdreg.scid;
	s0 =	rddreg [dreg:$0x4];
	s3 =	simm.s32 $0x0  }
0x6: {  	s15 =	simm.s32 $0x200;
	s16 =	simm.s32 $0x180;
	s17 =	simm.s32 $0x4200  }
0x7: {  	s18 =	simm.s32 $0x1;
	s19 =	simm.s32 $0x2;
	s7 =	sand.u32 $0x1, s2  }
0x8: {  	s20 =	simm.s32 $0x3;
	s2 =	stileid.u32;
	s5 =	smul.u32 $0x140000, s7  }
0x9: {  	s21 =	simm.s32 $0x4;
	s22 =	simm.s32 $0x0;
	s10 =	smul.u32 $0x14000, s2  }
0xa: {  	[smem:$0x7FF] =	sst s3;
	s4 =	sadd.s32 $0x55800, s6;
	s13 =	smul.u32 $0x50000, s2  }
0xb: {  	_ =	strace $0x80000050;
	s25 =	ssub.s32 $0x2, s7;
	s29 =	smul.u32 $0xA00, s2  }
0xc: {  	s28 =	sshll.u32 s2, $0x6;
	s30 =	smul.u32 $0x500, s7;
	s12 =	sshrl.u32 s25, $0x1  }
0xd: {  	s5 =	sadd.s32 s10, s5;
	s10 =	ssub.s32 s25, s12;
	s26 =	sshrl.u32 s13, $0x2  }
0xe: {  	s9 =	sadd.s32 s29, s9;
	s31 =	sadd.s32 s29, s8;
	s12 =	simm.s32 $0x5  }
0xf: {  	s13 =	simm.s32 $0x100;
	s11 =	sshrl.u32 s5, $0x3;
	s5 =	sadd.s32 $0x4C00, s6  }
0x10: {  	s14 =	sadd.s32 s26, s1;
	s8 =	smax.u32 s10, $0x1;
	s9 =	sadd.s32 s30, s9  }
0x11: {  	s10 =	sadd.s32 s30, s31;
	s11 =	sadd.s32 s11, s6;
	s6 =	sor.u32 $0x1C05, s28  }
0x12: {  	s7 =	sadd.s32 $0xCCA00, s11;
	s11 =	sshrl.u32 s14, $0x3;
	s14 =	simm.s32 $0x80  }
.LBB2_1:
0x13: {  	[spmem:s11], [sflag:s6] =	dma.local [hbm:s5], $0x2800  }
0x14: {  	_ =	swait.ge [sflag:s12], $0x2800  }
0x15: {  	[sflag:s12] =	ssyncset.done $0x0  }
0x16: {  	[sflag:s12] =	ssyncadd.s32 $0xFFFFD800  }
0x17: {  	s23 =	sadd.s32 $0x0, s10;
	[bflag:$0x0] =	sbarrier.arrive $0xFFFF  }
0x18: {  	[tilespmem:s3], [sflag:$0x5] =	stream.linear.gather [hbm4b:s23+s3], $0x80, $0x38;
	[tilespmem:$0x1C200] =	vst v63  }
0x19: {  	_ =	swait.ge [sflag:s12], $0x80  }
0x1a: {  	[sflag:s12] =	ssyncset.done $0x0  }
0x1b: {  	s24 =	sadd.s32 $0x0, s9;
	[sflag:s12] =	ssyncadd.s32 $0xFFFFFF80  }
0x1c: {  	[tilespmem:s13], [sflag:$0x5] =	stream.linear.gather [hbm4b:s24+s3], $0x80, $0x38;
	[tilespmem:$0x1C200] =	vst v63  }
0x1d: {  	_ =	swait.ge [sflag:s12], $0x80  }
0x1e: {  	[sflag:s12] =	ssyncset.done $0x0  }
0x1f: {  	[sflag:s12] =	ssyncadd.s32 $0xFFFFFF80  }
0x20: {  	[tilespmem:s15], [sflag:$0x1] =	stream.indirect.gather [hbm4b:s4+s14], $0x80, s3, s14, $0xb8;
	[tilespmem:$0x1C200] =	vst v63  }
0x21: {  	s23 =	sadd.s32 $0x10, s23  }
0x22: {  	[tilespmem:s14], [sflag:$0x5] =	stream.linear.gather [hbm4b:s23+s3], $0x80, $0x38;
	[tilespmem:$0x1C200] =	vst v63  }
0x23: {  	_ =	swait.ge [sflag:s12], $0x80  }
0x24: {  	[sflag:s12] =	ssyncset.done $0x0  }
0x25: {  	s31 =	sadd.s32 $0x10, s24;
	[sflag:s12] =	ssyncadd.s32 $0xFFFFFF80  }
0x26: {  	[tilespmem:s16], [sflag:$0x5] =	stream.linear.gather [hbm4b:s31+s3], $0x80, $0x38;
	[tilespmem:$0x1C200] =	vst v63  }
0x27: {  	_ =	swait.ge [sflag:s12], $0x80  }
0x28: {  	[sflag:s12] =	ssyncset.done $0x0  }
0x29: {  	[sflag:s12] =	ssyncadd.s32 $0xFFFFFF80  }
0x2a: {  	[tilespmem:s17], [sflag:$0x2] =	stream.indirect.gather [hbm4b:s4+s14], $0x80, s14, s14, $0xb8;
	[tilespmem:$0x1C200] =	vst v63  }
0x2b: {  	_ =	swait.ge [sflag:s18], $0x4000  }
0x2c: {  	[sflag:s18] =	ssyncset.done $0x0  }
0x2d: {  	[sflag:s18] =	ssyncadd.s32 $0xFFFFC000  }
0x2e: {  	[spmem:s1] =	stream.indirect.scatter.add.f32 [tilespmem:s15], [sflag:$0x3], $0x80, s13, s14, $0xb8;
	[tilespmem:$0x1C200] =	vst v63  }
0x2f: {  	_ =	swait.ge [sflag:s19], $0x4000  }
0x30: {  	[sflag:s19] =	ssyncset.done $0x0  }
0x31: {  	[sflag:s19] =	ssyncadd.s32 $0xFFFFC000  }
0x32: {  	[spmem:s1] =	stream.indirect.scatter.add.f32 [tilespmem:s17], [sflag:$0x4], $0x80, s16, s14, $0xb8;
	[tilespmem:$0x1C200] =	vst v63  }
0x33: {  	_ =	swait.ge [sflag:s20], $0x4000  }
0x34: {  	[sflag:s20] =	ssyncset.done $0x0  }
0x35: {  	[sflag:s20] =	ssyncadd.s32 $0xFFFFC000  }
0x36: {  	_ =	swait.ge [sflag:s21], $0x4000  }
0x37: {  	s25 =	simm.s32 $0x40;
	s23 =	simm.s32 $0x20;
	[sflag:s21] =	ssyncset.done $0x0  }
.LBB2_2:
0x38: {  	s26 =	sadd.s32 s23, s10  }
0x39: {  	[sflag:s21] =	ssyncadd.s32 $0xFFFFC000;
	s28 =	smov.u32 s25;
	s24 =	sadd.s32 $0x20, s25  }
0x3a: {  	[tilespmem:s3], [sflag:$0x5] =	stream.linear.gather [hbm4b:s26+s3], $0x80, $0x38;
	[tilespmem:$0x1C200] =	vst v63  }
0x3b: {  	p0 =	sne.s32 s25, $0x4E0;
	_ =	swait.ge [sflag:s12], $0x80  }
0x3c: {  	[sflag:s12] =	ssyncset.done $0x0  }
0x3d: {  	s25 =	sadd.s32 s23, s9;
	s23 =	smov.u32 s28;
	[sflag:s12] =	ssyncadd.s32 $0xFFFFFF80  }
0x3e: {  	[tilespmem:s13], [sflag:$0x5] =	stream.linear.gather [hbm4b:s25+s3], $0x80, $0x38;
	[tilespmem:$0x1C200] =	vst v63  }
0x3f: {  	_ =	swait.ge [sflag:s12], $0x80  }
0x40: {  	[sflag:s12] =	ssyncset.done $0x0  }
0x41: {  	[sflag:s12] =	ssyncadd.s32 $0xFFFFFF80  }
0x42: {  	[tilespmem:s15], [sflag:$0x1] =	stream.indirect.gather [hbm4b:s4+s14], $0x80, s3, s14, $0xb8;
	[tilespmem:$0x1C200] =	vst v63  }
0x43: {  	s26 =	sadd.s32 $0x10, s26  }
0x44: {  	[tilespmem:s14], [sflag:$0x5] =	stream.linear.gather [hbm4b:s26+s3], $0x80, $0x38;
	[tilespmem:$0x1C200] =	vst v63  }
0x45: {  	_ =	swait.ge [sflag:s12], $0x80  }
0x46: {  	[sflag:s12] =	ssyncset.done $0x0  }
0x47: {  	s25 =	sadd.s32 $0x10, s25;
	[sflag:s12] =	ssyncadd.s32 $0xFFFFFF80  }
0x48: {  	[tilespmem:s16], [sflag:$0x5] =	stream.linear.gather [hbm4b:s25+s3], $0x80, $0x38;
	[tilespmem:$0x1C200] =	vst v63  }
0x49: {  	_ =	swait.ge [sflag:s12], $0x80  }
0x4a: {  	[sflag:s12] =	ssyncset.done $0x0  }
0x4b: {  	[sflag:s12] =	ssyncadd.s32 $0xFFFFFF80  }
0x4c: {  	[tilespmem:s17], [sflag:$0x2] =	stream.indirect.gather [hbm4b:s4+s14], $0x80, s14, s14, $0xb8;
	[tilespmem:$0x1C200] =	vst v63  }
0x4d: {  	_ =	swait.ge [sflag:s18], $0x4000  }
0x4e: {  	[sflag:s18] =	ssyncset.done $0x0  }
0x4f: {  	[sflag:s18] =	ssyncadd.s32 $0xFFFFC000  }
0x50: {  	[spmem:s1] =	stream.indirect.scatter.add.f32 [tilespmem:s15], [sflag:$0x3], $0x80, s13, s14, $0xb8;
	[tilespmem:$0x1C200] =	vst v63  }
0x51: {  	_ =	swait.ge [sflag:s19], $0x4000  }
0x52: {  	[sflag:s19] =	ssyncset.done $0x0  }
0x53: {  	[sflag:s19] =	ssyncadd.s32 $0xFFFFC000  }
0x54: {  	[spmem:s1] =	stream.indirect.scatter.add.f32 [tilespmem:s17], [sflag:$0x4], $0x80, s16, s14, $0xb8;
	[tilespmem:$0x1C200] =	vst v63  }
.Ltmp0:
0x55: {  	_ =	swait.ge [sflag:s20], $0x4000;
	(pc) =	sbr.rel @p0 .LBB2_2-.Ltmp0, $4  }
0x56: {  	[sflag:s20] =	ssyncset.done $0x0  }
0x57: {  	[sflag:s20] =	ssyncadd.s32 $0xFFFFC000  }
0x58: {  	_ =	swait.ge [sflag:s21], $0x4000  }
0x59: {  	s25 =	smov.u32 s24;
	[sflag:s21] =	ssyncset.done $0x0  }
0x5a: {  	s24 =	sadd.s32 s23, s10;
	[sflag:s21] =	ssyncadd.s32 $0xFFFFC000  }
0x5b: {  	[tilespmem:s3], [sflag:$0x5] =	stream.linear.gather [hbm4b:s24+s3], $0x80, $0x38;
	[tilespmem:$0x1C200] =	vst v63  }
0x5c: {  	_ =	swait.ge [sflag:s12], $0x80  }
0x5d: {  	[sflag:s12] =	ssyncset.done $0x0  }
0x5e: {  	s31 =	sadd.s32 s23, s9;
	[sflag:s12] =	ssyncadd.s32 $0xFFFFFF80  }
0x5f: {  	[tilespmem:s13], [sflag:$0x5] =	stream.linear.gather [hbm4b:s31+s3], $0x80, $0x38;
	[tilespmem:$0x1C200] =	vst v63  }
0x60: {  	_ =	swait.ge [sflag:s12], $0x80  }
0x61: {  	[sflag:s12] =	ssyncset.done $0x0  }
0x62: {  	[sflag:s12] =	ssyncadd.s32 $0xFFFFFF80  }
0x63: {  	[tilespmem:s15], [sflag:$0x1] =	stream.indirect.gather [hbm4b:s4+s14], $0x80, s3, s14, $0xb8;
	[tilespmem:$0x1C200] =	vst v63  }
0x64: {  	s24 =	sadd.s32 $0x10, s24  }
0x65: {  	[tilespmem:s14], [sflag:$0x5] =	stream.linear.gather [hbm4b:s24+s3], $0x80, $0x38;
	[tilespmem:$0x1C200] =	vst v63  }
0x66: {  	_ =	swait.ge [sflag:s12], $0x80  }
0x67: {  	[sflag:s12] =	ssyncset.done $0x0  }
0x68: {  	s23 =	sadd.s32 $0x10, s31;
	[sflag:s12] =	ssyncadd.s32 $0xFFFFFF80  }
0x69: {  	[tilespmem:s16], [sflag:$0x5] =	stream.linear.gather [hbm4b:s23+s3], $0x80, $0x38;
	[tilespmem:$0x1C200] =	vst v63  }
0x6a: {  	_ =	swait.ge [sflag:s12], $0x80  }
0x6b: {  	[sflag:s12] =	ssyncset.done $0x0  }
0x6c: {  	[sflag:s12] =	ssyncadd.s32 $0xFFFFFF80  }
0x6d: {  	[tilespmem:s17], [sflag:$0x2] =	stream.indirect.gather [hbm4b:s4+s14], $0x80, s14, s14, $0xb8;
	[tilespmem:$0x1C200] =	vst v63  }
0x6e: {  	_ =	swait.ge [sflag:s18], $0x4000  }
0x6f: {  	[sflag:s18] =	ssyncset.done $0x0  }
0x70: {  	[sflag:s18] =	ssyncadd.s32 $0xFFFFC000  }
0x71: {  	[spmem:s1] =	stream.indirect.scatter.add.f32 [tilespmem:s15], [sflag:$0x3], $0x80, s13, s14, $0xb8;
	[tilespmem:$0x1C200] =	vst v63  }
0x72: {  	_ =	swait.ge [sflag:s19], $0x4000  }
0x73: {  	[sflag:s19] =	ssyncset.done $0x0  }
0x74: {  	[sflag:s19] =	ssyncadd.s32 $0xFFFFC000  }
0x75: {  	[spmem:s1] =	stream.indirect.scatter.add.f32 [tilespmem:s17], [sflag:$0x4], $0x80, s16, s14, $0xb8;
	[tilespmem:$0x1C200] =	vst v63  }
0x76: {  	_ =	swait.ge [sflag:s20], $0x4000  }
0x77: {  	[sflag:s20] =	ssyncset.done $0x0  }
0x78: {  	[sflag:s20] =	ssyncadd.s32 $0xFFFFC000  }
0x79: {  	_ =	swait.ge [sflag:s21], $0x4000  }
0x7a: {  	s22 =	sadd.s32 $0x1, s22;
	[sflag:s21] =	ssyncset.done $0x0  }
0x7b: {  	p0 =	sne.s32 s22, s8;
	[sflag:s21] =	ssyncadd.s32 $0xFFFFC000  }
.Ltmp1:
0x7c: {  	[bflag:$0x0] =	sbarrier.arrive $0xFFFF;
	(pc) =	sbr.rel @p0 .LBB2_1-.Ltmp1, $4  }
0x7d: {  	[hbm:s7], [sflag:s6] =	dma.local [spmem:s11], $0x2800  }
0x7e: {  	_ =	swait.ge [sflag:s12], $0x2800  }
0x7f: {  	[sflag:s12] =	ssyncset.done $0x0  }
0x80: {  	[sflag:s12] =	ssyncadd.s32 $0xFFFFD800  }
0x81: {  	_ =	sfence.sel $0x180000  }
0x82: {  	[bflag:$0x0] =	sbarrier.arrive $0xFFFF  }
0x83: {  	p0 =	sne.s32 s2, $0x0;
	_ =	strace $0x90000050  }
0x84: {  	s0 =	sadd.s32 @!p0 $0x100000, s0;
	[bflag:$0x2] =	sbarrier.arrive $0xFFFF  }
0x85: {  	[sflag:s0] =	ssyncadd.tile.s32 @!p0 $0x1;
	_ =	shalt  }
.Lfunc_end2:
_tile_overlayer_lowered:
.L_overlay_start_2:
0x86: {  	(tag) =	ssettag $0x2  }
0x87: {  	s0 =	rddreg [dreg:$0x0];
	s2 =	stileid.u32  }
0x88: {  	s1 =	rddreg [dreg:$0x1];
	p0 =	sne.s32 s2, $0x0  }
0x89: {  	s3 =	rddreg [dreg:$0x2];
	[bflag:$0x3] =	sbarrier.arrive $0xFFFF;
	s2 =	simm.s32 @!p0 $0x1C05  }
0x8a: {  	[timem:s3], [sflag:s2] =	dma.local @!p0 [hbm:s0], s1  }
0x8b: {  	s0 =	simm.s32 @!p0 $0x5  }
0x8c: {  	_ =	swait.ge @!p0 [sflag:s0], s1  }
0x8d: {  	s1 =	ssub.s32 @!p0 $0x0, s1;
	[sflag:s0] =	ssyncset.done @!p0 $0x0  }
0x8e: {  	[sflag:s0] =	ssyncadd.s32 @!p0 s1  }
0x8f: {  	[bflag:$0x3] =	sbarrier.arrive $0xFFFF  }
0x90: {  	_ =	shalt  }

// kernel: kernel.23.cloned.1.call-start
scs
__scs_entry_jumppad:
0x0: {  	(pc) =	sbr.rel $0x88, $3  }
0x1: {  	(tag) =	ssettag $0x0;
	lr =	simm.s32 $0x1  }
0x2: {  	[smem:$0x3F93] =	sst lr;
	_ =	strace $0xD0000000  }
0x3: {  	_ = 	snop  }
0x4: {  	_ = 	snop  }
0x5: {  	_ = 	snop  }
0x6: {  	_ = 	snop  }
0x7: {  	_ = 	snop  }
__scs_overlays_trampoline_lowered:
0x8: {  	[smem:$0x3FA2] =	sst s0  }
0x9: {  	[smem:$0x3FA3] =	sst s1  }
0xa: {  	[smem:$0x3FA4] =	sst s2  }
0xb: {  	[smem:$0x3FA5] =	sst s3  }
0xc: {  	[smem:$0x3FA6] =	sst s4  }
0xd: {  	[smem:$0x3FA7] =	sst s5  }
0xe: {  	[smem:$0x3FA8] =	sst s6  }
0xf: {  	[smem:$0x3FA9] =	sst s7  }
0x10: {  	[smem:$0x3FAA] =	sst s8  }
0x11: {  	[smem:$0x3FAB] =	sst s9;
	s0 =	simm.s32 @!p0 $0x0  }
0x12: {  	s1 =	sld [smem:$0x3F91];
	s0 =	simm.s32 @p0 $0x1  }
0x13: {  	[smem:$0x3FAC] =	sst s0;
	s0 =	simm.s32 @!p1 $0x0  }
0x14: {  	s2 =	sld [smem:$0x3F90];
	s0 =	simm.s32 @p1 $0x1  }
0x15: {  	[smem:$0x3FAD] =	sst s0;
	s0 =	simm.s32 @!p2 $0x0  }
0x16: {  	s3 =	sld [smem:$0x3FDB];
	s0 =	simm.s32 @p2 $0x1  }
0x17: {  	s4 =	simm.s32 $0x1BF5;
	[smem:$0x3FAF] =	sst s0  }
0x18: {  	s0 =	sld [smem:$0x3F92];
	_ =	swait.ge [sflag:s4], $0x0  }
0x19: {  	s7 =	sld [smem:$0x3F93]  }
0x1a: {  	s8 =	sadd.s32 $0xFFFFE003, lr  }
0x1b: {  	s9 =	sadd.s32 $0xFFFFFEF7, lr;
	s5 =	simm.s32 $0xFFFFFFFF;
	p2 =	slt.u32 s8, $0xFFFFF086  }
0x1c: {  	p1 =	slt.u32 s9, $0xF7A;
	s5 =	simm.s32 @!p2 $0x0  }
0x1d: {  	s5 =	simm.s32 @p1 $0x1;
	p0 =	seq.s32 s7, s2  }
0x1e: {  	s7 =	smul.u32 @!p0 $0xF7A, s2;
	p2 =	seq.s32 @!p0 s5, $0x0  }
0x1f: {  	s9 =	smul.u32 $0xF7A, s1;
	s8 =	simm.s32 @!p0 $0x1BF5;
	p2 =	por !p2, p0  }
0x20: {  	[sflag:s8] =	ssyncset.s32 @!p0 $0xFFFFF086;
	s6 =	sadd.s32 @!p0 s3, s7;
	s7 =	simm.s32 @!p0 $0x108  }
0x21: {  	s3 =	sadd.s32 s3, s9;
	s6 =	sadd.s32 @!p0 $0x88, s6;
	s7 =	simm.s32 @p2 $0x1082  }
0x22: {  	[simem:s7], [sflag:s8] =	dma.local @!p0 [hbm:s6], $0xF7A  }
0x23: {  	s9 =	sor.u32 $0xD0000000, s2;
	s6 =	simm.s32 $0x108;
	_ =	swait.ge @!p0 [sflag:s8], $0x0  }
0x24: {  	s3 =	sadd.s32 $0x88, s3;
	s6 =	simm.s32 @!p1 $0x1082;
	[sflag:s4] =	ssyncset.s32 $0xFFFFF086  }
0x25: {  	[simem:s6], [sflag:s4] =	dma.local [hbm:s3], $0xF7A  }
0x26: {  	[smem:$0x3F93] =	sst s1;
	(tag) =	ssettag s2;
	_ =	strace s9  }
0x27: {  	s1 =	sld [smem:$0x3FA3]  }
0x28: {  	s2 =	sld [smem:$0x3FA4]  }
0x29: {  	s4 =	sld [smem:$0x3FA6]  }
0x2a: {  	p0 =	seq.s32 s5, $0x0;
	s5 =	sld [smem:$0x3FA7]  }
0x2b: {  	s6 =	sld [smem:$0x3FA8]  }
0x2c: {  	s7 =	sld [smem:$0x3FA9]  }
0x2d: {  	s3 =	simm.s32 $0x108;
	s8 =	sld [smem:$0x3FAA]  }
0x2e: {  	s3 =	simm.s32 @!p0 $0x1082;
	s9 =	sld [smem:$0x3FAB]  }
0x2f: {  	lr =	sadd.s32 s0, s3;
	s0 =	sld [smem:$0x3FA2]  }
0x30: {  	s3 =	sld [smem:$0x3FA5]  }
0x31: {  	[smem:$0x3FAE] =	sst s10  }
0x32: {  	s10 =	sld [smem:$0x3FAC];
	_ =	sdelay $0x3  }
0x33: {  	p0 =	seq.s32 s10, $0x1;
	s10 =	sld [smem:$0x3FAE];
	_ =	sdelay $0x3  }
0x34: {  	[smem:$0x3FAE] =	sst s10  }
0x35: {  	s10 =	sld [smem:$0x3FAD];
	_ =	sdelay $0x3  }
0x36: {  	p1 =	seq.s32 s10, $0x1;
	s10 =	sld [smem:$0x3FAE];
	_ =	sdelay $0x3  }
0x37: {  	[smem:$0x3FAE] =	sst s10  }
0x38: {  	s10 =	sld [smem:$0x3FAF]  }
0x39: {  	_ = 	snop;
	(pc) =	sbr.ind lr, $3  }
0x3a: {  	_ = 	snop  }
0x3b: {  	_ = 	snop  }
0x3c: {  	p2 =	seq.s32 s10, $0x1;
	s10 =	sld [smem:$0x3FAE]  }
0x3d: {  	_ =	shalt  }
0x3e: {  	_ =	shalt  }
0x3f: {  	_ =	shalt  }
0x40: {  	_ =	shalt  }
0x41: {  	_ =	shalt  }
0x42: {  	_ =	shalt  }
0x43: {  	_ =	shalt  }
0x44: {  	_ =	shalt  }
0x45: {  	_ =	shalt  }
0x46: {  	_ =	shalt  }
0x47: {  	_ =	shalt  }
0x48: {  	_ =	shalt  }
0x49: {  	_ =	shalt  }
0x4a: {  	_ =	shalt  }
0x4b: {  	_ =	shalt  }
0x4c: {  	_ =	shalt  }
0x4d: {  	_ =	shalt  }
0x4e: {  	_ =	shalt  }
0x4f: {  	_ =	shalt  }
0x50: {  	_ =	shalt  }
0x51: {  	_ =	shalt  }
0x52: {  	_ =	shalt  }
0x53: {  	_ =	shalt  }
0x54: {  	_ =	shalt  }
0x55: {  	_ =	shalt  }
0x56: {  	_ =	shalt  }
0x57: {  	_ =	shalt  }
0x58: {  	_ =	shalt  }
0x59: {  	_ =	shalt  }
0x5a: {  	_ =	shalt  }
0x5b: {  	_ =	shalt  }
0x5c: {  	_ =	shalt  }
0x5d: {  	_ =	shalt  }
0x5e: {  	_ =	shalt  }
0x5f: {  	_ =	shalt  }
0x60: {  	_ =	shalt  }
0x61: {  	_ =	shalt  }
0x62: {  	_ =	shalt  }
0x63: {  	_ =	shalt  }
0x64: {  	_ =	shalt  }
0x65: {  	_ =	shalt  }
0x66: {  	_ =	shalt  }
0x67: {  	_ =	shalt  }
0x68: {  	_ =	shalt  }
0x69: {  	_ =	shalt  }
0x6a: {  	_ =	shalt  }
0x6b: {  	_ =	shalt  }
0x6c: {  	_ =	shalt  }
0x6d: {  	_ =	shalt  }
0x6e: {  	_ =	shalt  }
0x6f: {  	_ =	shalt  }
0x70: {  	_ =	shalt  }
0x71: {  	_ =	shalt  }
0x72: {  	_ =	shalt  }
0x73: {  	_ =	shalt  }
0x74: {  	_ =	shalt  }
0x75: {  	_ =	shalt  }
0x76: {  	_ =	shalt  }
0x77: {  	_ =	shalt  }
0x78: {  	_ =	shalt  }
0x79: {  	_ =	shalt  }
0x7a: {  	_ =	shalt  }
0x7b: {  	_ =	shalt  }
0x7c: {  	_ =	shalt  }
0x7d: {  	_ =	shalt  }
0x7e: {  	_ =	shalt  }
0x7f: {  	_ =	shalt  }
0x80: {  	_ =	shalt  }
0x81: {  	_ =	shalt  }
0x82: {  	_ =	shalt  }
0x83: {  	_ =	shalt  }
0x84: {  	_ =	shalt  }
0x85: {  	_ =	shalt  }
0x86: {  	_ =	shalt  }
0x87: {  	_ =	shalt  }
.Lfunc_end0:
.L_simem_size_0:
called_computation.4_lowered:
.L_overlay_start_0:
0x88: {  	s2 =	sld [smem:$0x3FD9]  }
0x89: {  	s3 =	sld [smem:$0x3FFE];
	_ =	sdelay $0x1  }
0x8a: {  	s1 =	srdreg.scid  }
0x8b: {  	s0 =	sand.u32 $0x1, s1  }
0x8c: {  	s14 =	sshll.u32 s0, $0xA;
	s2 =	sadd.s32 s3, s2  }
0x8d: {  	s2 =	sadd.s32 s2, s14  }
0x8e: {  	[smem:$0x3FBA] =	sst s2  }
0x8f: {  	_ = 	snop  }
0x90: {  	s2 =	sld [smem:$0x3FD0];
	_ =	sdelay $0x2  }
0x91: {  	s15 =	simm.s32 $0xB;
	s4 =	simm.s32 $0x10  }
0x92: {  	[smem:s4], [sflag:s15] =	dma.local [hbm:s2], $0x1  }
0x93: {  	_ =	swait.eq [sflag:s15], $0x1  }
0x94: {  	[sflag:s15] =	ssyncset.done $0x0  }
0x95: {  	s16 =	sld [smem:$0x10];
	[sflag:s15] =	ssyncadd.s32 $0xFFFFFFFF  }
0x96: {  	s17 =	sld [smem:$0x11];
	(tm) =	ssettm $0x1  }
0x97: {  	s18 =	sld [smem:$0x3FFB];
	_ =	sdelay $0x3  }
0x98: {  	_ =	strace s18  }
0x99: {  	s4 =	sld [smem:$0x3FFC];
	_ =	sdelay $0x3  }
0x9a: {  	_ =	strace s4  }
0x9b: {  	s4 =	sld [smem:$0x3FFD];
	_ =	sdelay $0x3  }
0x9c: {  	_ =	strace s4  }
0x9d: {  	_ =	strace $0x8FFFFFFF  }
0x9e: {  	s19 =	sld [smem:$0x3FDB];
	_ =	sdelay $0x1  }
0x9f: {  	s5 =	simm.s32 $_scs_section_size  }
0xa0: {  	s6 =	simm.s32 $_size__tile_overlayer_lowered;
	s7 =	simm.s32 $_tile_overlayer_lowered  }
0xa1: {  	s22 =	simm.s32 $0x1BFF;
	s21 =	sshll.u32 s7, $0x1;
	s4 =	sadd.s32 s5, s19  }
0xa2: {  	s8 =	simm.s32 $0x0;
	s20 =	sshll.u32 s6, $0x1;
	s6 =	sadd.s32 s21, s4  }
0xa3: {  	[timem:s8], [sflag:s22] =	dma.local [hbm:s6], s20  }
0xa4: {  	_ =	swait.ge [sflag:s22], s20  }
0xa5: {  	s5 =	ssub.s32 $0x0, s20;
	[sflag:s22] =	ssyncset.done $0x0  }
0xa6: {  	[sflag:s22] =	ssyncadd.s32 s5;
	_ =	sdelay $0x1  }
0xa7: {  	s23 =	simm.s32 $0x1B8B  }
0xa8: {  	_ =	swait.ge [sflag:s23], $0x1  }
0xa9: {  	[sflag:s23] =	ssyncset.done $0x0  }
0xaa: {  	s25 =	simm.s32 $0x1B8E;
	s24 =	sld [smem:$0x3FFE];
	[sflag:s23] =	ssyncadd.s32 $0xFFFFFFFF  }
0xab: {  	s26 =	simm.s32 $execute0_lowered;
	[smem:$0x3FD2] =	sst s25  }
0xac: {  	s6 =	sshll.u32 s26, $0x1;
	_ =	strace $0x80000052;
	[dreg:$0x1] =	wrdreg $0xFFFFFFFF  }
0xad: {  	s28 =	simm.s32 $_size_execute0_lowered;
	s4 =	sadd.s32 s4, s6;
	[dreg:$0x0] =	wrdreg $0x0  }
0xae: {  	s6 =	sshll.u32 s28, $0x1;
	[dreg:$0x2] =	wrdreg s4  }
0xaf: {  	[dreg:$0x3] =	wrdreg s6  }
0xb0: {  	[dreg:$0x4] =	wrdreg $0xC0  }
0xb1: {  	_ =	task [dreg:s8], $0x5FFFF  }
0xb2: {  	[dreg:$0x1] =	wrdreg $0xFFFFFFFF  }
0xb3: {  	[dreg:$0x0] =	wrdreg $0x60  }
0xb4: {  	[dreg:$0x2] =	wrdreg s24  }
0xb5: {  	[dreg:$0x3] =	wrdreg s16  }
0xb6: {  	[dreg:$0x4] =	wrdreg s17  }
0xb7: {  	[dreg:$0x5] =	wrdreg $0x82000  }
0xb8: {  	[dreg:$0x6] =	wrdreg $0x9  }
0xb9: {  	_ =	task.clear_ibuf [dreg:s8], $0x7FFFF;
	_ =	strace $0x90000052  }
0xba: {  	s29 =	simm.s32 $0x9;
	_ =	strace $0x80000054  }
0xbb: {  	_ =	swait.ge [sflag:s29], $0x1  }
0xbc: {  	[sflag:s29] =	ssyncadd.s32 $0xFFFFFFFF  }
0xbd: {  	_ =	strace $0x90000054  }
0xbe: {  	_ =	sfence  }
0xbf: {  	s30 =	sld [smem:$0x0];
	_ =	sdelay $0x2  }
0xc0: {  	s31 =	sshll.u32 s1, $0xD;
	s1 =	sshrl.u32 s1, $0x2  }
0xc1: {  	s3 =	sand.u32 $0x4000, s31;
	s1 =	sadd.s32 s1, s30  }
0xc2: {  	s0 =	sor.u32 s3, s0;
	s1 =	sshll.u32 s1, $0x11  }
0xc3: {  	s0 =	sor.u32 s1, s0  }
0xc4: {  	s0 =	sadd.s32 $0x8F2B, s0  }
0xc5: {  	[sflag:s0] =	ssyncadd.remote.s32 $0x1  }
0xc6: {  	_ =	sfence.sel $0xFFFF  }
0xc7: {  	[dreg:$0x0] =	wrdreg $0xFFFFFFFF;
	(pc) =	sbr.abs _section_cstart, $3  }
0xc8: {  	[dreg:$0x1] =	wrdreg $0xFFFFFFFF  }
0xc9: {  	_ =	task.clear_ibuf [dreg:s8], $0x2FFFF;
	_ =	strace $0x9FFFFFFF  }
0xca: {  	(tm) =	ssettm $0x7FFFFFFF  }
0xcb: {  	_ =	shalt  }
tec
execute0_lowered:
.L_overlay_start_1:
0x0: {  	(tag) =	ssettag $0x1  }
0x1: {  	s6 =	rddreg [dreg:$0x0]  }
0x2: {  	s8 =	rddreg [dreg:$0x1]  }
0x3: {  	s9 =	rddreg [dreg:$0x2]  }
0x4: {  	s1 =	rddreg [dreg:$0x3]  }
0x5: {  	s2 =	srdreg.scid;
	s0 =	rddreg [dreg:$0x4];
	s3 =	simm.s32 $0x0  }
0x6: {  	s15 =	simm.s32 $0x200;
	s16 =	simm.s32 $0x180;
	s17 =	simm.s32 $0x4200  }
0x7: {  	s18 =	simm.s32 $0x1;
	s19 =	simm.s32 $0x2;
	s7 =	sand.u32 $0x1, s2  }
0x8: {  	s20 =	simm.s32 $0x3;
	s2 =	stileid.u32;
	s5 =	smul.u32 $0x140000, s7  }
0x9: {  	s21 =	simm.s32 $0x4;
	s22 =	simm.s32 $0x0;
	s10 =	smul.u32 $0x14000, s2  }
0xa: {  	[smem:$0x7FF] =	sst s3;
	s4 =	sadd.s32 $0x7400, s6;
	s13 =	smul.u32 $0x50000, s2  }
0xb: {  	_ =	strace $0x80000053;
	s25 =	ssub.s32 $0x2, s7;
	s29 =	smul.u32 $0xA00, s2  }
0xc: {  	s28 =	sshll.u32 s2, $0x6;
	s30 =	smul.u32 $0x500, s7;
	s12 =	sshrl.u32 s25, $0x1  }
0xd: {  	s5 =	sadd.s32 s10, s5;
	s10 =	ssub.s32 s25, s12;
	s26 =	sshrl.u32 s13, $0x2  }
0xe: {  	s9 =	sadd.s32 s29, s9;
	s31 =	sadd.s32 s29, s8;
	s12 =	simm.s32 $0x5  }
0xf: {  	s13 =	simm.s32 $0x100;
	s11 =	sshrl.u32 s5, $0x3;
	s5 =	sadd.s32 $0x4C00, s6  }
0x10: {  	s14 =	sadd.s32 s26, s1;
	s8 =	smax.u32 s10, $0x1;
	s9 =	sadd.s32 s30, s9  }
0x11: {  	s10 =	sadd.s32 s30, s31;
	s11 =	sadd.s32 s11, s6;
	s6 =	sor.u32 $0x1C05, s28  }
0x12: {  	s7 =	sadd.s32 $0x55800, s11;
	s11 =	sshrl.u32 s14, $0x3;
	s14 =	simm.s32 $0x80  }
.LBB2_1:
0x13: {  	[spmem:s11], [sflag:s6] =	dma.local [hbm:s5], $0x2800  }
0x14: {  	_ =	swait.ge [sflag:s12], $0x2800  }
0x15: {  	[sflag:s12] =	ssyncset.done $0x0  }
0x16: {  	[sflag:s12] =	ssyncadd.s32 $0xFFFFD800  }
0x17: {  	s23 =	sadd.s32 $0x0, s10;
	[bflag:$0x0] =	sbarrier.arrive $0xFFFF  }
0x18: {  	[tilespmem:s3], [sflag:$0x5] =	stream.linear.gather [hbm4b:s23+s3], $0x80, $0x38;
	[tilespmem:$0x1C200] =	vst v63  }
0x19: {  	_ =	swait.ge [sflag:s12], $0x80  }
0x1a: {  	[sflag:s12] =	ssyncset.done $0x0  }
0x1b: {  	s24 =	sadd.s32 $0x0, s9;
	[sflag:s12] =	ssyncadd.s32 $0xFFFFFF80  }
0x1c: {  	[tilespmem:s13], [sflag:$0x5] =	stream.linear.gather [hbm4b:s24+s3], $0x80, $0x38;
	[tilespmem:$0x1C200] =	vst v63  }
0x1d: {  	_ =	swait.ge [sflag:s12], $0x80  }
0x1e: {  	[sflag:s12] =	ssyncset.done $0x0  }
0x1f: {  	[sflag:s12] =	ssyncadd.s32 $0xFFFFFF80  }
0x20: {  	[tilespmem:s15], [sflag:$0x1] =	stream.indirect.gather [hbm4b:s4+s14], $0x80, s3, s14, $0xb8;
	[tilespmem:$0x1C200] =	vst v63  }
0x21: {  	s23 =	sadd.s32 $0x10, s23  }
0x22: {  	[tilespmem:s14], [sflag:$0x5] =	stream.linear.gather [hbm4b:s23+s3], $0x80, $0x38;
	[tilespmem:$0x1C200] =	vst v63  }
0x23: {  	_ =	swait.ge [sflag:s12], $0x80  }
0x24: {  	[sflag:s12] =	ssyncset.done $0x0  }
0x25: {  	s31 =	sadd.s32 $0x10, s24;
	[sflag:s12] =	ssyncadd.s32 $0xFFFFFF80  }
0x26: {  	[tilespmem:s16], [sflag:$0x5] =	stream.linear.gather [hbm4b:s31+s3], $0x80, $0x38;
	[tilespmem:$0x1C200] =	vst v63  }
0x27: {  	_ =	swait.ge [sflag:s12], $0x80  }
0x28: {  	[sflag:s12] =	ssyncset.done $0x0  }
0x29: {  	[sflag:s12] =	ssyncadd.s32 $0xFFFFFF80  }
0x2a: {  	[tilespmem:s17], [sflag:$0x2] =	stream.indirect.gather [hbm4b:s4+s14], $0x80, s14, s14, $0xb8;
	[tilespmem:$0x1C200] =	vst v63  }
0x2b: {  	_ =	swait.ge [sflag:s18], $0x4000  }
0x2c: {  	[sflag:s18] =	ssyncset.done $0x0  }
0x2d: {  	[sflag:s18] =	ssyncadd.s32 $0xFFFFC000  }
0x2e: {  	[spmem:s1] =	stream.indirect.scatter.add.f32 [tilespmem:s15], [sflag:$0x3], $0x80, s13, s14, $0xb8;
	[tilespmem:$0x1C200] =	vst v63  }
0x2f: {  	_ =	swait.ge [sflag:s19], $0x4000  }
0x30: {  	[sflag:s19] =	ssyncset.done $0x0  }
0x31: {  	[sflag:s19] =	ssyncadd.s32 $0xFFFFC000  }
0x32: {  	[spmem:s1] =	stream.indirect.scatter.add.f32 [tilespmem:s17], [sflag:$0x4], $0x80, s16, s14, $0xb8;
	[tilespmem:$0x1C200] =	vst v63  }
0x33: {  	_ =	swait.ge [sflag:s20], $0x4000  }
0x34: {  	[sflag:s20] =	ssyncset.done $0x0  }
0x35: {  	[sflag:s20] =	ssyncadd.s32 $0xFFFFC000  }
0x36: {  	_ =	swait.ge [sflag:s21], $0x4000  }
0x37: {  	s25 =	simm.s32 $0x40;
	s23 =	simm.s32 $0x20;
	[sflag:s21] =	ssyncset.done $0x0  }
.LBB2_2:
0x38: {  	s26 =	sadd.s32 s23, s10  }
0x39: {  	[sflag:s21] =	ssyncadd.s32 $0xFFFFC000;
	s28 =	smov.u32 s25;
	s24 =	sadd.s32 $0x20, s25  }
0x3a: {  	[tilespmem:s3], [sflag:$0x5] =	stream.linear.gather [hbm4b:s26+s3], $0x80, $0x38;
	[tilespmem:$0x1C200] =	vst v63  }
0x3b: {  	p0 =	sne.s32 s25, $0x4E0;
	_ =	swait.ge [sflag:s12], $0x80  }
0x3c: {  	[sflag:s12] =	ssyncset.done $0x0  }
0x3d: {  	s25 =	sadd.s32 s23, s9;
	s23 =	smov.u32 s28;
	[sflag:s12] =	ssyncadd.s32 $0xFFFFFF80  }
0x3e: {  	[tilespmem:s13], [sflag:$0x5] =	stream.linear.gather [hbm4b:s25+s3], $0x80, $0x38;
	[tilespmem:$0x1C200] =	vst v63  }
0x3f: {  	_ =	swait.ge [sflag:s12], $0x80  }
0x40: {  	[sflag:s12] =	ssyncset.done $0x0  }
0x41: {  	[sflag:s12] =	ssyncadd.s32 $0xFFFFFF80  }
0x42: {  	[tilespmem:s15], [sflag:$0x1] =	stream.indirect.gather [hbm4b:s4+s14], $0x80, s3, s14, $0xb8;
	[tilespmem:$0x1C200] =	vst v63  }
0x43: {  	s26 =	sadd.s32 $0x10, s26  }
0x44: {  	[tilespmem:s14], [sflag:$0x5] =	stream.linear.gather [hbm4b:s26+s3], $0x80, $0x38;
	[tilespmem:$0x1C200] =	vst v63  }
0x45: {  	_ =	swait.ge [sflag:s12], $0x80  }
0x46: {  	[sflag:s12] =	ssyncset.done $0x0  }
0x47: {  	s25 =	sadd.s32 $0x10, s25;
	[sflag:s12] =	ssyncadd.s32 $0xFFFFFF80  }
0x48: {  	[tilespmem:s16], [sflag:$0x5] =	stream.linear.gather [hbm4b:s25+s3], $0x80, $0x38;
	[tilespmem:$0x1C200] =	vst v63  }
0x49: {  	_ =	swait.ge [sflag:s12], $0x80  }
0x4a: {  	[sflag:s12] =	ssyncset.done $0x0  }
0x4b: {  	[sflag:s12] =	ssyncadd.s32 $0xFFFFFF80  }
0x4c: {  	[tilespmem:s17], [sflag:$0x2] =	stream.indirect.gather [hbm4b:s4+s14], $0x80, s14, s14, $0xb8;
	[tilespmem:$0x1C200] =	vst v63  }
0x4d: {  	_ =	swait.ge [sflag:s18], $0x4000  }
0x4e: {  	[sflag:s18] =	ssyncset.done $0x0  }
0x4f: {  	[sflag:s18] =	ssyncadd.s32 $0xFFFFC000  }
0x50: {  	[spmem:s1] =	stream.indirect.scatter.add.f32 [tilespmem:s15], [sflag:$0x3], $0x80, s13, s14, $0xb8;
	[tilespmem:$0x1C200] =	vst v63  }
0x51: {  	_ =	swait.ge [sflag:s19], $0x4000  }
0x52: {  	[sflag:s19] =	ssyncset.done $0x0  }
0x53: {  	[sflag:s19] =	ssyncadd.s32 $0xFFFFC000  }
0x54: {  	[spmem:s1] =	stream.indirect.scatter.add.f32 [tilespmem:s17], [sflag:$0x4], $0x80, s16, s14, $0xb8;
	[tilespmem:$0x1C200] =	vst v63  }
.Ltmp0:
0x55: {  	_ =	swait.ge [sflag:s20], $0x4000;
	(pc) =	sbr.rel @p0 .LBB2_2-.Ltmp0, $4  }
0x56: {  	[sflag:s20] =	ssyncset.done $0x0  }
0x57: {  	[sflag:s20] =	ssyncadd.s32 $0xFFFFC000  }
0x58: {  	_ =	swait.ge [sflag:s21], $0x4000  }
0x59: {  	s25 =	smov.u32 s24;
	[sflag:s21] =	ssyncset.done $0x0  }
0x5a: {  	s24 =	sadd.s32 s23, s10;
	[sflag:s21] =	ssyncadd.s32 $0xFFFFC000  }
0x5b: {  	[tilespmem:s3], [sflag:$0x5] =	stream.linear.gather [hbm4b:s24+s3], $0x80, $0x38;
	[tilespmem:$0x1C200] =	vst v63  }
0x5c: {  	_ =	swait.ge [sflag:s12], $0x80  }
0x5d: {  	[sflag:s12] =	ssyncset.done $0x0  }
0x5e: {  	s31 =	sadd.s32 s23, s9;
	[sflag:s12] =	ssyncadd.s32 $0xFFFFFF80  }
0x5f: {  	[tilespmem:s13], [sflag:$0x5] =	stream.linear.gather [hbm4b:s31+s3], $0x80, $0x38;
	[tilespmem:$0x1C200] =	vst v63  }
0x60: {  	_ =	swait.ge [sflag:s12], $0x80  }
0x61: {  	[sflag:s12] =	ssyncset.done $0x0  }
0x62: {  	[sflag:s12] =	ssyncadd.s32 $0xFFFFFF80  }
0x63: {  	[tilespmem:s15], [sflag:$0x1] =	stream.indirect.gather [hbm4b:s4+s14], $0x80, s3, s14, $0xb8;
	[tilespmem:$0x1C200] =	vst v63  }
0x64: {  	s24 =	sadd.s32 $0x10, s24  }
0x65: {  	[tilespmem:s14], [sflag:$0x5] =	stream.linear.gather [hbm4b:s24+s3], $0x80, $0x38;
	[tilespmem:$0x1C200] =	vst v63  }
0x66: {  	_ =	swait.ge [sflag:s12], $0x80  }
0x67: {  	[sflag:s12] =	ssyncset.done $0x0  }
0x68: {  	s23 =	sadd.s32 $0x10, s31;
	[sflag:s12] =	ssyncadd.s32 $0xFFFFFF80  }
0x69: {  	[tilespmem:s16], [sflag:$0x5] =	stream.linear.gather [hbm4b:s23+s3], $0x80, $0x38;
	[tilespmem:$0x1C200] =	vst v63  }
0x6a: {  	_ =	swait.ge [sflag:s12], $0x80  }
0x6b: {  	[sflag:s12] =	ssyncset.done $0x0  }
0x6c: {  	[sflag:s12] =	ssyncadd.s32 $0xFFFFFF80  }
0x6d: {  	[tilespmem:s17], [sflag:$0x2] =	stream.indirect.gather [hbm4b:s4+s14], $0x80, s14, s14, $0xb8;
	[tilespmem:$0x1C200] =	vst v63  }
0x6e: {  	_ =	swait.ge [sflag:s18], $0x4000  }
0x6f: {  	[sflag:s18] =	ssyncset.done $0x0  }
0x70: {  	[sflag:s18] =	ssyncadd.s32 $0xFFFFC000  }
0x71: {  	[spmem:s1] =	stream.indirect.scatter.add.f32 [tilespmem:s15], [sflag:$0x3], $0x80, s13, s14, $0xb8;
	[tilespmem:$0x1C200] =	vst v63  }
0x72: {  	_ =	swait.ge [sflag:s19], $0x4000  }
0x73: {  	[sflag:s19] =	ssyncset.done $0x0  }
0x74: {  	[sflag:s19] =	ssyncadd.s32 $0xFFFFC000  }
0x75: {  	[spmem:s1] =	stream.indirect.scatter.add.f32 [tilespmem:s17], [sflag:$0x4], $0x80, s16, s14, $0xb8;
	[tilespmem:$0x1C200] =	vst v63  }
0x76: {  	_ =	swait.ge [sflag:s20], $0x4000  }
0x77: {  	[sflag:s20] =	ssyncset.done $0x0  }
0x78: {  	[sflag:s20] =	ssyncadd.s32 $0xFFFFC000  }
0x79: {  	_ =	swait.ge [sflag:s21], $0x4000  }
0x7a: {  	s22 =	sadd.s32 $0x1, s22;
	[sflag:s21] =	ssyncset.done $0x0  }
0x7b: {  	p0 =	sne.s32 s22, s8;
	[sflag:s21] =	ssyncadd.s32 $0xFFFFC000  }
.Ltmp1:
0x7c: {  	[bflag:$0x0] =	sbarrier.arrive $0xFFFF;
	(pc) =	sbr.rel @p0 .LBB2_1-.Ltmp1, $4  }
0x7d: {  	[hbm:s7], [sflag:s6] =	dma.local [spmem:s11], $0x2800  }
0x7e: {  	_ =	swait.ge [sflag:s12], $0x2800  }
0x7f: {  	[sflag:s12] =	ssyncset.done $0x0  }
0x80: {  	[sflag:s12] =	ssyncadd.s32 $0xFFFFD800  }
0x81: {  	_ =	sfence.sel $0x180000  }
0x82: {  	[bflag:$0x0] =	sbarrier.arrive $0xFFFF  }
0x83: {  	p0 =	sne.s32 s2, $0x0;
	_ =	strace $0x90000053  }
0x84: {  	s0 =	sadd.s32 @!p0 $0x100000, s0;
	[bflag:$0x2] =	sbarrier.arrive $0xFFFF  }
0x85: {  	[sflag:s0] =	ssyncadd.tile.s32 @!p0 $0x1;
	_ =	shalt  }
.Lfunc_end2:
_tile_overlayer_lowered:
.L_overlay_start_2:
0x86: {  	(tag) =	ssettag $0x2  }
0x87: {  	s0 =	rddreg [dreg:$0x0];
	s2 =	stileid.u32  }
0x88: {  	s1 =	rddreg [dreg:$0x1];
	p0 =	sne.s32 s2, $0x0  }
0x89: {  	s3 =	rddreg [dreg:$0x2];
	[bflag:$0x3] =	sbarrier.arrive $0xFFFF;
	s2 =	simm.s32 @!p0 $0x1C05  }
0x8a: {  	[timem:s3], [sflag:s2] =	dma.local @!p0 [hbm:s0], s1  }
0x8b: {  	s0 =	simm.s32 @!p0 $0x5  }
0x8c: {  	_ =	swait.ge @!p0 [sflag:s0], s1  }
0x8d: {  	s1 =	ssub.s32 @!p0 $0x0, s1;
	[sflag:s0] =	ssyncset.done @!p0 $0x0  }
0x8e: {  	[sflag:s0] =	ssyncadd.s32 @!p0 s1  }
0x8f: {  	[bflag:$0x3] =	sbarrier.arrive $0xFFFF  }
0x90: {  	_ =	shalt  }

</sc_bundles>
